<compile_context>
chip_gen: v7x
topology: tpu7x:2x2x1
jax: 0.10.2.dev20260603
libtpu: 0.0.44.dev20260713+nightly
codegen_flags: <defaults>
</compile_context>

<pallas_src>
import functools

import jax
import jax.numpy as jnp
from jax import lax
from jax.experimental import pallas as pl
from jax.experimental.pallas import tpu as pltpu
from jax.experimental.pallas import tpu_sc as plsc

K = 1024
D = 64
BETA = 0.25
BN = 4096

_NC = 2
_NS = 16
_NW = _NC * _NS
_L = 16
_CHUNK = 128


def _vq_idx_block(z_ref, w_ref, z2_ref, w2_ref, idx_ref, acc_ref):
    z = z_ref[...]
    w = w_ref[...]
    s = jax.lax.dot_general(z, w, (((1,), (1,)), ((), ())),
                            preferred_element_type=jnp.float32)
    z2 = z2_ref[...]
    w2 = w2_ref[...]
    dist = (z2 - 2.0 * s) + w2
    d_min = jnp.min(dist, axis=1, keepdims=True)
    lane = jax.lax.broadcasted_iota(jnp.int32, (BN, K), 1)
    idx = jnp.min(jnp.where(dist == d_min, lane, K), axis=1)
    idx_ref[...] = idx

    @pl.when(pl.program_id(0) == 0)
    def _init():
        acc_ref[...] = jnp.zeros((1, 1), jnp.float32)

    acc_ref[...] += jnp.sum(d_min).reshape(1, 1)


def _sc_gather(w_flat, idx):
    n = idx.shape[0]
    per_w = n // _NW
    n_chunks = per_w // _CHUNK
    mesh = plsc.VectorSubcoreMesh(core_axis_name="c", subcore_axis_name="s")

    @functools.partial(
        pl.kernel, mesh=mesh,
        out_type=jax.ShapeDtypeStruct((n, D), jnp.float32),
        compiler_params=pltpu.CompilerParams(needs_layout_passes=False),
        scratch_types=[
            pltpu.VMEM((K * D,), jnp.float32),
            pltpu.VMEM((per_w,), jnp.int32),
            pltpu.VMEM((_CHUNK, D), jnp.float32),
            pltpu.VMEM((_CHUNK, D), jnp.float32),
            pltpu.SemaphoreType.DMA,
            pltpu.SemaphoreType.DMA,
        ],
    )
    def k(w_hbm, idx_hbm, out_hbm, w_v, idx_v, buf0, buf1, sem0, sem1):
        wid = lax.axis_index("s") * _NC + lax.axis_index("c")
        tbase = wid * per_w
        pltpu.sync_copy(w_hbm, w_v)
        pltpu.sync_copy(idx_hbm.at[pl.ds(tbase, per_w)], idx_v)
        lanes = lax.iota(jnp.int32, _L)

        def fill(buf, chunk):
            @plsc.parallel_loop(0, _CHUNK // _L, 1, unroll=4)
            def _group(g):
                idxg = idx_v[pl.ds(chunk * _CHUNK + g * _L, _L)] * D
                for t in range(_L):
                    base = lax.gather(
                        idxg, jnp.full((_L, 1), t, jnp.int32),
                        lax.GatherDimensionNumbers(
                            offset_dims=(), collapsed_slice_dims=(0,),
                            start_index_map=(0,)),
                        (1,), mode=lax.GatherScatterMode.PROMISE_IN_BOUNDS)
                    for c in range(D // _L):
                        val = plsc.load_gather(
                            w_v, [base + (lanes + c * _L)])
                        buf[g * _L + t, pl.ds(c * _L, _L)] = val

        def out_at(chunk):
            return out_hbm.at[pl.ds(tbase + chunk * _CHUNK, _CHUNK)]

        def pair_body(j, _):
            @pl.when(j > 0)
            def _w0():
                pltpu.make_async_copy(buf0, out_at(2 * j), sem0).wait()

            fill(buf0, 2 * j)
            pltpu.async_copy(buf0, out_at(2 * j), sem0)

            @pl.when(j > 0)
            def _w1():
                pltpu.make_async_copy(buf1, out_at(2 * j + 1), sem1).wait()

            fill(buf1, 2 * j + 1)
            pltpu.async_copy(buf1, out_at(2 * j + 1), sem1)
            return _

        lax.fori_loop(0, n_chunks // 2, pair_body, 0)
        pltpu.make_async_copy(buf0, out_at(n_chunks - 2), sem0).wait()
        pltpu.make_async_copy(buf1, out_at(n_chunks - 1), sem1).wait()

    return k(w_flat, idx)


@jax.jit
def kernel(z_e, W):
    n, d = z_e.shape
    grid = n // BN
    z2 = (z_e ** 2).sum(-1, keepdims=True)
    w2 = (W ** 2).sum(-1)[None, :]
    idx, acc = pl.pallas_call(
        _vq_idx_block,
        grid=(grid,),
        in_specs=[
            pl.BlockSpec((BN, d), lambda i: (i, 0)),
            pl.BlockSpec((K, d), lambda i: (0, 0)),
            pl.BlockSpec((BN, 1), lambda i: (i, 0)),
            pl.BlockSpec((1, K), lambda i: (0, 0)),
        ],
        out_specs=[
            pl.BlockSpec((BN,), lambda i: (i,)),
            pl.BlockSpec((1, 1), lambda i: (0, 0)),
        ],
        out_shape=[
            jax.ShapeDtypeStruct((n,), jnp.int32),
            jax.ShapeDtypeStruct((1, 1), jnp.float32),
        ],
    )(z_e, W, z2, w2)
    commitment = BETA * acc[0, 0] / (n * d)
    zq = _sc_gather(W.reshape(-1), idx)
    return (zq, commitment, idx)

# --- scband reference (transcript-rebuilt; emitter-appended) ---
"""Pipeline reference for scband-vector-quantizer-ema-55671366090817 (READ-ONLY COPY).

The authoritative reference and input builder live on the scoring server;
editing this copy changes nothing except your own understanding.
"""

import jax, jax.numpy as jnp
import numpy as np

K = 1024
D = 64
N = 65536
BETA = 0.25


def setup_inputs(seed: int = 0) -> dict:
    key = jax.random.key(seed)
    k1, k2 = jax.random.split(key)
    z_e = jax.random.normal(k1, (N, D), dtype=jnp.float32)
    # nn.init.uniform_(embedding.weight, -1/K, 1/K)
    W = jax.random.uniform(k2, (K, D), dtype=jnp.float32, minval=-1.0 / K, maxval=1.0 / K)
    return {"z_e": z_e, "W": W}


def reference(z_e, W):
    # dist[n,k] = ||z_e[n]||^2 - 2 z_e[n].W[k] + ||W[k]||^2
    dist = (z_e ** 2).sum(-1, keepdims=True) - 2.0 * (z_e @ W.T) + (W ** 2).sum(-1)
    idx = jnp.argmin(dist, axis=-1)
    z_q = jnp.take(W, idx, axis=0)
    # eval-mode forward (no EMA buffer update)
    commitment = jnp.mean((z_e - jax.lax.stop_gradient(z_q)) ** 2)
    z_q_st = z_e + jax.lax.stop_gradient(z_q - z_e)
    return (z_q_st, BETA * commitment, idx)

if __name__ == "__main__":
    import jax
    _d = setup_inputs()
    print(jax.jit(kernel)(*tuple(_d.values())))

</pallas_src>

<mosaic_0001>
#map = affine_map<(d0, d1) -> (0)>
#map1 = affine_map<(d0, d1) -> (0, 0)>
module attributes {stable_mosaic.version = 14 : i64} {
  func.func @k(%arg0: i32, %arg1: i32, %arg2: memref<65536xf32, #tpu.memory_space<hbm>>, %arg3: memref<65536xi32, #tpu.memory_space<hbm>>, %arg4: memref<65536x64xf32, #tpu.memory_space<hbm>>, %arg5: memref<65536xf32, #tpu.memory_space<vmem>>, %arg6: memref<2048xi32, #tpu.memory_space<vmem>>, %arg7: memref<128x64xf32, #tpu.memory_space<vmem>>, %arg8: memref<128x64xf32, #tpu.memory_space<vmem>>, %arg9: memref<!tpu.dma_semaphore, #tpu.memory_space<semaphore_mem>>, %arg10: memref<!tpu.dma_semaphore, #tpu.memory_space<semaphore_mem>>) attributes {dimension_semantics = [#tpu.dimension_semantics<core_parallel>, #tpu.dimension_semantics<subcore_parallel>], iteration_bounds = array<i64: 2, 16>, scalar_prefetch = 0 : i64, scratch_operands = 6 : i64, tpu.core_type = #tpu.core_type<sc_vector_subcore>, window_params = [{transform_indices = #map}, {transform_indices = #map}, {transform_indices = #map1}]} {
    %mul3A = arith.constant 2 : i32
    %mul3A_0 = arith.muli %arg1, %mul3A : i32
    %add3A = arith.addi %mul3A_0, %arg0 : i32
    %mul3A_1 = arith.constant 2048 : i32
    %mul3A_2 = arith.muli %add3A, %mul3A_1 : i32
    "tpu.region"() ({
      %run_scoped3A = tpu.sem_alloc : memref<!tpu.dma_semaphore, #tpu.memory_space<semaphore_mem>>
      tpu.enqueue_dma source(%arg2 : memref<65536xf32, #tpu.memory_space<hbm>>) target(%arg5 : memref<65536xf32, #tpu.memory_space<vmem>>) target_semaphore(%run_scoped3A : memref<!tpu.dma_semaphore, #tpu.memory_space<semaphore_mem>>)
      tpu.wait_dma2 semaphore(%run_scoped3A : memref<!tpu.dma_semaphore, #tpu.memory_space<semaphore_mem>>) src(%arg2 : memref<65536xf32, #tpu.memory_space<hbm>>) dst(%arg5 : memref<65536xf32, #tpu.memory_space<vmem>>)
      tpu.yield
    }) : () -> ()
    "tpu.region"() ({
      %run_scoped3A = tpu.sem_alloc : memref<!tpu.dma_semaphore, #tpu.memory_space<semaphore_mem>>
      %dma_start3A = tpu.memref_slice %arg3[%mul3A_2] : memref<65536xi32, #tpu.memory_space<hbm>> -> memref<2048xi32, #tpu.memory_space<hbm>>
      %dma_start3A_19 = tpu.memref_slice %arg3[%mul3A_2] : memref<65536xi32, #tpu.memory_space<hbm>> -> memref<2048xi32, #tpu.memory_space<hbm>>
      tpu.enqueue_dma source(%dma_start3A_19 : memref<2048xi32, #tpu.memory_space<hbm>>) target(%arg6 : memref<2048xi32, #tpu.memory_space<vmem>>) target_semaphore(%run_scoped3A : memref<!tpu.dma_semaphore, #tpu.memory_space<semaphore_mem>>)
      %dma_wait3A_20 = tpu.memref_slice %arg3[%mul3A_2] : memref<65536xi32, #tpu.memory_space<hbm>> -> memref<2048xi32, #tpu.memory_space<hbm>>
      %dma_wait3A_21 = tpu.memref_slice %arg3[%mul3A_2] : memref<65536xi32, #tpu.memory_space<hbm>> -> memref<2048xi32, #tpu.memory_space<hbm>>
      tpu.wait_dma2 semaphore(%run_scoped3A : memref<!tpu.dma_semaphore, #tpu.memory_space<semaphore_mem>>) src(%dma_wait3A_21 : memref<2048xi32, #tpu.memory_space<hbm>>) dst(%arg6 : memref<2048xi32, #tpu.memory_space<vmem>>)
      tpu.yield
    }) : () -> ()
    %iota3A = tpu.iota {dimensions = array<i32: 0>} : vector<16xi32>
    %scan3A = arith.constant 0 : i32
    %scan3A_3 = arith.constant 0 : i32
    %scan3A_4 = arith.constant 8 : i32
    %scan3A_5 = arith.addi %scan3A_3, %scan3A_4 : i32
    %scan3A_6 = arith.constant 1 : i32
    scf.for %scan3A_19 = %scan3A_3 to %scan3A_5 step %scan3A_6  : i32 {
      %gt3A = arith.constant 0 : i32
      %gt3A_20 = arith.cmpi sgt, %scan3A_19, %gt3A : i32
      %convert_element_type3A = arith.extui %gt3A_20 : i1 to i32
      %cond3A = arith.constant 0 : i32
      %cond3A_21 = arith.cmpi ne, %convert_element_type3A, %cond3A : i32
      scf.if %cond3A_21 {
        %mul3A_57 = arith.constant 2 : i32
        %mul3A_58 = arith.muli %mul3A_57, %scan3A_19 : i32
        %mul3A_59 = arith.constant 128 : i32
        %mul3A_60 = arith.muli %mul3A_58, %mul3A_59 : i32
        %add3A_61 = arith.addi %mul3A_2, %mul3A_60 : i32
        %dma_wait3A_62 = arith.constant 0 : i32
        %dma_wait3A_63 = tpu.memref_slice %arg4[%add3A_61, %dma_wait3A_62] : memref<65536x64xf32, #tpu.memory_space<hbm>> -> memref<128x64xf32, #tpu.memory_space<hbm>>
        %dma_wait3A_64 = arith.constant 0 : i32
        %dma_wait3A_65 = tpu.memref_slice %arg4[%add3A_61, %dma_wait3A_64] : memref<65536x64xf32, #tpu.memory_space<hbm>> -> memref<128x64xf32, #tpu.memory_space<hbm>>
        tpu.wait_dma2 semaphore(%arg9 : memref<!tpu.dma_semaphore, #tpu.memory_space<semaphore_mem>>) src(%arg7 : memref<128x64xf32, #tpu.memory_space<vmem>>) dst(%dma_wait3A_65 : memref<128x64xf32, #tpu.memory_space<hbm>>)
      } else {
      }
      %mul3A_22 = arith.constant 2 : i32
      %mul3A_23 = arith.muli %mul3A_22, %scan3A_19 : i32
      %parallel_loop3A = arith.constant 0 : i32
      %parallel_loop3A_24 = arith.constant 8 : i32
      %parallel_loop3A_25 = arith.constant 1 : i32
      scf.for %parallel_loop3A_57 = %parallel_loop3A to %parallel_loop3A_24 step %parallel_loop3A_25  : i32 {
        %parallel_loop3A_58 = arith.constant 128 : i32
        %parallel_loop3A_59 = arith.muli %mul3A_23, %parallel_loop3A_58 : i32
        %parallel_loop3A_60 = arith.constant 16 : i32
        %parallel_loop3A_61 = arith.muli %parallel_loop3A_57, %parallel_loop3A_60 : i32
        %parallel_loop3A_62 = arith.addi %parallel_loop3A_59, %parallel_loop3A_61 : i32
        %parallel_loop3A_63 = arith.index_cast %parallel_loop3A_62 : i32 to index
        %parallel_loop3A_64 = tpu.vector_load %arg6[%parallel_loop3A_63] {strides = array<i32>} : memref<2048xi32, #tpu.memory_space<vmem>>, vector<16xi32>,
        %parallel_loop3A_65 = arith.constant 64 : i32
        %parallel_loop3A_66 = vector.broadcast %parallel_loop3A_65 : i32 to vector<16xi32>
        %parallel_loop3A_67 = arith.muli %parallel_loop3A_64, %parallel_loop3A_66 : vector<16xi32>
        %parallel_loop3A_68 = arith.constant 0 : i32
        %parallel_loop3A_69 = vector.broadcast %parallel_loop3A_68 : i32 to vector<16x1xi32>
        %parallel_loop3A_70 = vector.shape_cast %parallel_loop3A_69 : vector<16x1xi32> to vector<16xi32>
        %parallel_loop3A_71 = tpu.dynamic_gather %parallel_loop3A_67[%parallel_loop3A_70] in [0] : vector<16xi32>, vector<16xi32> -> vector<16xi32>
        %parallel_loop3A_72 = arith.constant 0 : i32
        %parallel_loop3A_73 = vector.broadcast %parallel_loop3A_72 : i32 to vector<16xi32>
        %parallel_loop3A_74 = arith.addi %iota3A, %parallel_loop3A_73 : vector<16xi32>
        %parallel_loop3A_75 = arith.addi %parallel_loop3A_71, %parallel_loop3A_74 : vector<16xi32>
        %parallel_loop3A_76 = tpu.vector_load_idx %arg5[%parallel_loop3A_75] : memref<65536xf32, #tpu.memory_space<vmem>>[vector<16xi32>], vector<16xf32>,
        %parallel_loop3A_77 = arith.constant 16 : i32
        %parallel_loop3A_78 = arith.muli %parallel_loop3A_57, %parallel_loop3A_77 : i32
        %parallel_loop3A_79 = arith.constant 0 : i32
        %parallel_loop3A_80 = arith.addi %parallel_loop3A_78, %parallel_loop3A_79 : i32
        %parallel_loop3A_81 = arith.index_cast %parallel_loop3A_80 : i32 to index
        %parallel_loop3A_82 = arith.constant 0 : index
        %parallel_loop3A_83 = tpu.vector_load %arg7[%parallel_loop3A_81, %parallel_loop3A_82] {strides = array<i32>} : memref<128x64xf32, #tpu.memory_space<vmem>>, vector<16xf32>,
        tpu.vector_store %arg7[%parallel_loop3A_81, %parallel_loop3A_82], %parallel_loop3A_76 {strides = array<i32>} : memref<128x64xf32, #tpu.memory_space<vmem>>, vector<16xf32>,
        %parallel_loop3A_84 = arith.constant 16 : i32
        %parallel_loop3A_85 = vector.broadcast %parallel_loop3A_84 : i32 to vector<16xi32>
        %parallel_loop3A_86 = arith.addi %iota3A, %parallel_loop3A_85 : vector<16xi32>
        %parallel_loop3A_87 = arith.addi %parallel_loop3A_71, %parallel_loop3A_86 : vector<16xi32>
        %parallel_loop3A_88 = tpu.vector_load_idx %arg5[%parallel_loop3A_87] : memref<65536xf32, #tpu.memory_space<vmem>>[vector<16xi32>], vector<16xf32>,
        %parallel_loop3A_89 = arith.constant 16 : i32
        %parallel_loop3A_90 = arith.muli %parallel_loop3A_57, %parallel_loop3A_89 : i32
        %parallel_loop3A_91 = arith.constant 0 : i32
        %parallel_loop3A_92 = arith.addi %parallel_loop3A_90, %parallel_loop3A_91 : i32
        %parallel_loop3A_93 = arith.index_cast %parallel_loop3A_92 : i32 to index
        %parallel_loop3A_94 = arith.constant 16 : index
        %parallel_loop3A_95 = tpu.vector_load %arg7[%parallel_loop3A_93, %parallel_loop3A_94] {strides = array<i32>} : memref<128x64xf32, #tpu.memory_space<vmem>>, vector<16xf32>,
        tpu.vector_store %arg7[%parallel_loop3A_93, %parallel_loop3A_94], %parallel_loop3A_88 {strides = array<i32>} : memref<128x64xf32, #tpu.memory_space<vmem>>, vector<16xf32>,
        %parallel_loop3A_96 = arith.constant 32 : i32
        %parallel_loop3A_97 = vector.broadcast %parallel_loop3A_96 : i32 to vector<16xi32>
        %parallel_loop3A_98 = arith.addi %iota3A, %parallel_loop3A_97 : vector<16xi32>
        %parallel_loop3A_99 = arith.addi %parallel_loop3A_71, %parallel_loop3A_98 : vector<16xi32>
        %parallel_loop3A_100 = tpu.vector_load_idx %arg5[%parallel_loop3A_99] : memref<65536xf32, #tpu.memory_space<vmem>>[vector<16xi32>], vector<16xf32>,
        %parallel_loop3A_101 = arith.constant 16 : i32
        %parallel_loop3A_102 = arith.muli %parallel_loop3A_57, %parallel_loop3A_101 : i32
        %parallel_loop3A_103 = arith.constant 0 : i32
        %parallel_loop3A_104 = arith.addi %parallel_loop3A_102, %parallel_loop3A_103 : i32
        %parallel_loop3A_105 = arith.index_cast %parallel_loop3A_104 : i32 to index
        %parallel_loop3A_106 = arith.constant 32 : index
        %parallel_loop3A_107 = tpu.vector_load %arg7[%parallel_loop3A_105, %parallel_loop3A_106] {strides = array<i32>} : memref<128x64xf32, #tpu.memory_space<vmem>>, vector<16xf32>,
        tpu.vector_store %arg7[%parallel_loop3A_105, %parallel_loop3A_106], %parallel_loop3A_100 {strides = array<i32>} : memref<128x64xf32, #tpu.memory_space<vmem>>, vector<16xf32>,
        %parallel_loop3A_108 = arith.constant 48 : i32
        %parallel_loop3A_109 = vector.broadcast %parallel_loop3A_108 : i32 to vector<16xi32>
        %parallel_loop3A_110 = arith.addi %iota3A, %parallel_loop3A_109 : vector<16xi32>
        %parallel_loop3A_111 = arith.addi %parallel_loop3A_71, %parallel_loop3A_110 : vector<16xi32>
        %parallel_loop3A_112 = tpu.vector_load_idx %arg5[%parallel_loop3A_111] : memref<65536xf32, #tpu.memory_space<vmem>>[vector<16xi32>], vector<16xf32>,
        %parallel_loop3A_113 = arith.constant 16 : i32
        %parallel_loop3A_114 = arith.muli %parallel_loop3A_57, %parallel_loop3A_113 : i32
        %parallel_loop3A_115 = arith.constant 0 : i32
        %parallel_loop3A_116 = arith.addi %parallel_loop3A_114, %parallel_loop3A_115 : i32
        %parallel_loop3A_117 = arith.index_cast %parallel_loop3A_116 : i32 to index
        %parallel_loop3A_118 = arith.constant 48 : index
        %parallel_loop3A_119 = tpu.vector_load %arg7[%parallel_loop3A_117, %parallel_loop3A_118] {strides = array<i32>} : memref<128x64xf32, #tpu.memory_space<vmem>>, vector<16xf32>,
        tpu.vector_store %arg7[%parallel_loop3A_117, %parallel_loop3A_118], %parallel_loop3A_112 {strides = array<i32>} : memref<128x64xf32, #tpu.memory_space<vmem>>, vector<16xf32>,
        %parallel_loop3A_120 = arith.constant 1 : i32
        %parallel_loop3A_121 = vector.broadcast %parallel_loop3A_120 : i32 to vector<16x1xi32>
        %parallel_loop3A_122 = vector.shape_cast %parallel_loop3A_121 : vector<16x1xi32> to vector<16xi32>
        %parallel_loop3A_123 = tpu.dynamic_gather %parallel_loop3A_67[%parallel_loop3A_122] in [0] : vector<16xi32>, vector<16xi32> -> vector<16xi32>
        %parallel_loop3A_124 = arith.constant 0 : i32
        %parallel_loop3A_125 = vector.broadcast %parallel_loop3A_124 : i32 to vector<16xi32>
        %parallel_loop3A_126 = arith.addi %iota3A, %parallel_loop3A_125 : vector<16xi32>
        %parallel_loop3A_127 = arith.addi %parallel_loop3A_123, %parallel_loop3A_126 : vector<16xi32>
        %parallel_loop3A_128 = tpu.vector_load_idx %arg5[%parallel_loop3A_127] : memref<65536xf32, #tpu.memory_space<vmem>>[vector<16xi32>], vector<16xf32>,
        %parallel_loop3A_129 = arith.constant 16 : i32
        %parallel_loop3A_130 = arith.muli %parallel_loop3A_57, %parallel_loop3A_129 : i32
        %parallel_loop3A_131 = arith.constant 1 : i32
        %parallel_loop3A_132 = arith.addi %parallel_loop3A_130, %parallel_loop3A_131 : i32
        %parallel_loop3A_133 = arith.index_cast %parallel_loop3A_132 : i32 to index
        %parallel_loop3A_134 = arith.constant 0 : index
        %parallel_loop3A_135 = tpu.vector_load %arg7[%parallel_loop3A_133, %parallel_loop3A_134] {strides = array<i32>} : memref<128x64xf32, #tpu.memory_space<vmem>>, vector<16xf32>,
        tpu.vector_store %arg7[%parallel_loop3A_133, %parallel_loop3A_134], %parallel_loop3A_128 {strides = array<i32>} : memref<128x64xf32, #tpu.memory_space<vmem>>, vector<16xf32>,
        %parallel_loop3A_136 = arith.constant 16 : i32
        %parallel_loop3A_137 = vector.broadcast %parallel_loop3A_136 : i32 to vector<16xi32>
        %parallel_loop3A_138 = arith.addi %iota3A, %parallel_loop3A_137 : vector<16xi32>
        %parallel_loop3A_139 = arith.addi %parallel_loop3A_123, %parallel_loop3A_138 : vector<16xi32>
        %parallel_loop3A_140 = tpu.vector_load_idx %arg5[%parallel_loop3A_139] : memref<65536xf32, #tpu.memory_space<vmem>>[vector<16xi32>], vector<16xf32>,
        %parallel_loop3A_141 = arith.constant 16 : i32
        %parallel_loop3A_142 = arith.muli %parallel_loop3A_57, %parallel_loop3A_141 : i32
        %parallel_loop3A_143 = arith.constant 1 : i32
        %parallel_loop3A_144 = arith.addi %parallel_loop3A_142, %parallel_loop3A_143 : i32
        %parallel_loop3A_145 = arith.index_cast %parallel_loop3A_144 : i32 to index
        %parallel_loop3A_146 = arith.constant 16 : index
        %parallel_loop3A_147 = tpu.vector_load %arg7[%parallel_loop3A_145, %parallel_loop3A_146] {strides = array<i32>} : memref<128x64xf32, #tpu.memory_space<vmem>>, vector<16xf32>,
        tpu.vector_store %arg7[%parallel_loop3A_145, %parallel_loop3A_146], %parallel_loop3A_140 {strides = array<i32>} : memref<128x64xf32, #tpu.memory_space<vmem>>, vector<16xf32>,
        %parallel_loop3A_148 = arith.constant 32 : i32
        %parallel_loop3A_149 = vector.broadcast %parallel_loop3A_148 : i32 to vector<16xi32>
        %parallel_loop3A_150 = arith.addi %iota3A, %parallel_loop3A_149 : vector<16xi32>
        %parallel_loop3A_151 = arith.addi %parallel_loop3A_123, %parallel_loop3A_150 : vector<16xi32>
        %parallel_loop3A_152 = tpu.vector_load_idx %arg5[%parallel_loop3A_151] : memref<65536xf32, #tpu.memory_space<vmem>>[vector<16xi32>], vector<16xf32>,
        %parallel_loop3A_153 = arith.constant 16 : i32
        %parallel_loop3A_154 = arith.muli %parallel_loop3A_57, %parallel_loop3A_153 : i32
        %parallel_loop3A_155 = arith.constant 1 : i32
        %parallel_loop3A_156 = arith.addi %parallel_loop3A_154, %parallel_loop3A_155 : i32
        %parallel_loop3A_157 = arith.index_cast %parallel_loop3A_156 : i32 to index
        %parallel_loop3A_158 = arith.constant 32 : index
        %parallel_loop3A_159 = tpu.vector_load %arg7[%parallel_loop3A_157, %parallel_loop3A_158] {strides = array<i32>} : memref<128x64xf32, #tpu.memory_space<vmem>>, vector<16xf32>,
        tpu.vector_store %arg7[%parallel_loop3A_157, %parallel_loop3A_158], %parallel_loop3A_152 {strides = array<i32>} : memref<128x64xf32, #tpu.memory_space<vmem>>, vector<16xf32>,
        %parallel_loop3A_160 = arith.constant 48 : i32
        %parallel_loop3A_161 = vector.broadcast %parallel_loop3A_160 : i32 to vector<16xi32>
        %parallel_loop3A_162 = arith.addi %iota3A, %parallel_loop3A_161 : vector<16xi32>
        %parallel_loop3A_163 = arith.addi %parallel_loop3A_123, %parallel_loop3A_162 : vector<16xi32>
        %parallel_loop3A_164 = tpu.vector_load_idx %arg5[%parallel_loop3A_163] : memref<65536xf32, #tpu.memory_space<vmem>>[vector<16xi32>], vector<16xf32>,
        %parallel_loop3A_165 = arith.constant 16 : i32
        %parallel_loop3A_166 = arith.muli %parallel_loop3A_57, %parallel_loop3A_165 : i32
        %parallel_loop3A_167 = arith.constant 1 : i32
        %parallel_loop3A_168 = arith.addi %parallel_loop3A_166, %parallel_loop3A_167 : i32
        %parallel_loop3A_169 = arith.index_cast %parallel_loop3A_168 : i32 to index
        %parallel_loop3A_170 = arith.constant 48 : index
        %parallel_loop3A_171 = tpu.vector_load %arg7[%parallel_loop3A_169, %parallel_loop3A_170] {strides = array<i32>} : memref<128x64xf32, #tpu.memory_space<vmem>>, vector<16xf32>,
        tpu.vector_store %arg7[%parallel_loop3A_169, %parallel_loop3A_170], %parallel_loop3A_164 {strides = array<i32>} : memref<128x64xf32, #tpu.memory_space<vmem>>, vector<16xf32>,
        %parallel_loop3A_172 = arith.constant 2 : i32
        %parallel_loop3A_173 = vector.broadcast %parallel_loop3A_172 : i32 to vector<16x1xi32>
        %parallel_loop3A_174 = vector.shape_cast %parallel_loop3A_173 : vector<16x1xi32> to vector<16xi32>
        %parallel_loop3A_175 = tpu.dynamic_gather %parallel_loop3A_67[%parallel_loop3A_174] in [0] : vector<16xi32>, vector<16xi32> -> vector<16xi32>
        %parallel_loop3A_176 = arith.constant 0 : i32
        %parallel_loop3A_177 = vector.broadcast %parallel_loop3A_176 : i32 to vector<16xi32>
        %parallel_loop3A_178 = arith.addi %iota3A, %parallel_loop3A_177 : vector<16xi32>
        %parallel_loop3A_179 = arith.addi %parallel_loop3A_175, %parallel_loop3A_178 : vector<16xi32>
        %parallel_loop3A_180 = tpu.vector_load_idx %arg5[%parallel_loop3A_179] : memref<65536xf32, #tpu.memory_space<vmem>>[vector<16xi32>], vector<16xf32>,
        %parallel_loop3A_181 = arith.constant 16 : i32
        %parallel_loop3A_182 = arith.muli %parallel_loop3A_57, %parallel_loop3A_181 : i32
        %parallel_loop3A_183 = arith.constant 2 : i32
        %parallel_loop3A_184 = arith.addi %parallel_loop3A_182, %parallel_loop3A_183 : i32
        %parallel_loop3A_185 = arith.index_cast %parallel_loop3A_184 : i32 to index
        %parallel_loop3A_186 = arith.constant 0 : index
        %parallel_loop3A_187 = tpu.vector_load %arg7[%parallel_loop3A_185, %parallel_loop3A_186] {strides = array<i32>} : memref<128x64xf32, #tpu.memory_space<vmem>>, vector<16xf32>,
        tpu.vector_store %arg7[%parallel_loop3A_185, %parallel_loop3A_186], %parallel_loop3A_180 {strides = array<i32>} : memref<128x64xf32, #tpu.memory_space<vmem>>, vector<16xf32>,
        %parallel_loop3A_188 = arith.constant 16 : i32
        %parallel_loop3A_189 = vector.broadcast %parallel_loop3A_188 : i32 to vector<16xi32>
        %parallel_loop3A_190 = arith.addi %iota3A, %parallel_loop3A_189 : vector<16xi32>
        %parallel_loop3A_191 = arith.addi %parallel_loop3A_175, %parallel_loop3A_190 : vector<16xi32>
        %parallel_loop3A_192 = tpu.vector_load_idx %arg5[%parallel_loop3A_191] : memref<65536xf32, #tpu.memory_space<vmem>>[vector<16xi32>], vector<16xf32>,
        %parallel_loop3A_193 = arith.constant 16 : i32
        %parallel_loop3A_194 = arith.muli %parallel_loop3A_57, %parallel_loop3A_193 : i32
        %parallel_loop3A_195 = arith.constant 2 : i32
        %parallel_loop3A_196 = arith.addi %parallel_loop3A_194, %parallel_loop3A_195 : i32
        %parallel_loop3A_197 = arith.index_cast %parallel_loop3A_196 : i32 to index
        %parallel_loop3A_198 = arith.constant 16 : index
        %parallel_loop3A_199 = tpu.vector_load %arg7[%parallel_loop3A_197, %parallel_loop3A_198] {strides = array<i32>} : memref<128x64xf32, #tpu.memory_space<vmem>>, vector<16xf32>,
        tpu.vector_store %arg7[%parallel_loop3A_197, %parallel_loop3A_198], %parallel_loop3A_192 {strides = array<i32>} : memref<128x64xf32, #tpu.memory_space<vmem>>, vector<16xf32>,
        %parallel_loop3A_200 = arith.constant 32 : i32
        %parallel_loop3A_201 = vector.broadcast %parallel_loop3A_200 : i32 to vector<16xi32>
        %parallel_loop3A_202 = arith.addi %iota3A, %parallel_loop3A_201 : vector<16xi32>
        %parallel_loop3A_203 = arith.addi %parallel_loop3A_175, %parallel_loop3A_202 : vector<16xi32>
        %parallel_loop3A_204 = tpu.vector_load_idx %arg5[%parallel_loop3A_203] : memref<65536xf32, #tpu.memory_space<vmem>>[vector<16xi32>], vector<16xf32>,
        %parallel_loop3A_205 = arith.constant 16 : i32
        %parallel_loop3A_206 = arith.muli %parallel_loop3A_57, %parallel_loop3A_205 : i32
        %parallel_loop3A_207 = arith.constant 2 : i32
        %parallel_loop3A_208 = arith.addi %parallel_loop3A_206, %parallel_loop3A_207 : i32
        %parallel_loop3A_209 = arith.index_cast %parallel_loop3A_208 : i32 to index
        %parallel_loop3A_210 = arith.constant 32 : index
        %parallel_loop3A_211 = tpu.vector_load %arg7[%parallel_loop3A_209, %parallel_loop3A_210] {strides = array<i32>} : memref<128x64xf32, #tpu.memory_space<vmem>>, vector<16xf32>,
        tpu.vector_store %arg7[%parallel_loop3A_209, %parallel_loop3A_210], %parallel_loop3A_204 {strides = array<i32>} : memref<128x64xf32, #tpu.memory_space<vmem>>, vector<16xf32>,
        %parallel_loop3A_212 = arith.constant 48 : i32
        %parallel_loop3A_213 = vector.broadcast %parallel_loop3A_212 : i32 to vector<16xi32>
        %parallel_loop3A_214 = arith.addi %iota3A, %parallel_loop3A_213 : vector<16xi32>
        %parallel_loop3A_215 = arith.addi %parallel_loop3A_175, %parallel_loop3A_214 : vector<16xi32>
        %parallel_loop3A_216 = tpu.vector_load_idx %arg5[%parallel_loop3A_215] : memref<65536xf32, #tpu.memory_space<vmem>>[vector<16xi32>], vector<16xf32>,
        %parallel_loop3A_217 = arith.constant 16 : i32
        %parallel_loop3A_218 = arith.muli %parallel_loop3A_57, %parallel_loop3A_217 : i32
        %parallel_loop3A_219 = arith.constant 2 : i32
        %parallel_loop3A_220 = arith.addi %parallel_loop3A_218, %parallel_loop3A_219 : i32
        %parallel_loop3A_221 = arith.index_cast %parallel_loop3A_220 : i32 to index
        %parallel_loop3A_222 = arith.constant 48 : index
        %parallel_loop3A_223 = tpu.vector_load %arg7[%parallel_loop3A_221, %parallel_loop3A_222] {strides = array<i32>} : memref<128x64xf32, #tpu.memory_space<vmem>>, vector<16xf32>,
        tpu.vector_store %arg7[%parallel_loop3A_221, %parallel_loop3A_222], %parallel_loop3A_216 {strides = array<i32>} : memref<128x64xf32, #tpu.memory_space<vmem>>, vector<16xf32>,
        %parallel_loop3A_224 = arith.constant 3 : i32
        %parallel_loop3A_225 = vector.broadcast %parallel_loop3A_224 : i32 to vector<16x1xi32>
        %parallel_loop3A_226 = vector.shape_cast %parallel_loop3A_225 : vector<16x1xi32> to vector<16xi32>
        %parallel_loop3A_227 = tpu.dynamic_gather %parallel_loop3A_67[%parallel_loop3A_226] in [0] : vector<16xi32>, vector<16xi32> -> vector<16xi32>
        %parallel_loop3A_228 = arith.constant 0 : i32
        %parallel_loop3A_229 = vector.broadcast %parallel_loop3A_228 : i32 to vector<16xi32>
        %parallel_loop3A_230 = arith.addi %iota3A, %parallel_loop3A_229 : vector<16xi32>
        %parallel_loop3A_231 = arith.addi %parallel_loop3A_227, %parallel_loop3A_230 : vector<16xi32>
        %parallel_loop3A_232 = tpu.vector_load_idx %arg5[%parallel_loop3A_231] : memref<65536xf32, #tpu.memory_space<vmem>>[vector<16xi32>], vector<16xf32>,
        %parallel_loop3A_233 = arith.constant 16 : i32
        %parallel_loop3A_234 = arith.muli %parallel_loop3A_57, %parallel_loop3A_233 : i32
        %parallel_loop3A_235 = arith.constant 3 : i32
        %parallel_loop3A_236 = arith.addi %parallel_loop3A_234, %parallel_loop3A_235 : i32
        %parallel_loop3A_237 = arith.index_cast %parallel_loop3A_236 : i32 to index
        %parallel_loop3A_238 = arith.constant 0 : index
        %parallel_loop3A_239 = tpu.vector_load %arg7[%parallel_loop3A_237, %parallel_loop3A_238] {strides = array<i32>} : memref<128x64xf32, #tpu.memory_space<vmem>>, vector<16xf32>,
        tpu.vector_store %arg7[%parallel_loop3A_237, %parallel_loop3A_238], %parallel_loop3A_232 {strides = array<i32>} : memref<128x64xf32, #tpu.memory_space<vmem>>, vector<16xf32>,
        %parallel_loop3A_240 = arith.constant 16 : i32
        %parallel_loop3A_241 = vector.broadcast %parallel_loop3A_240 : i32 to vector<16xi32>
        %parallel_loop3A_242 = arith.addi %iota3A, %parallel_loop3A_241 : vector<16xi32>
        %parallel_loop3A_243 = arith.addi %parallel_loop3A_227, %parallel_loop3A_242 : vector<16xi32>
        %parallel_loop3A_244 = tpu.vector_load_idx %arg5[%parallel_loop3A_243] : memref<65536xf32, #tpu.memory_space<vmem>>[vector<16xi32>], vector<16xf32>,
        %parallel_loop3A_245 = arith.constant 16 : i32
        %parallel_loop3A_246 = arith.muli %parallel_loop3A_57, %parallel_loop3A_245 : i32
        %parallel_loop3A_247 = arith.constant 3 : i32
        %parallel_loop3A_248 = arith.addi %parallel_loop3A_246, %parallel_loop3A_247 : i32
        %parallel_loop3A_249 = arith.index_cast %parallel_loop3A_248 : i32 to index
        %parallel_loop3A_250 = arith.constant 16 : index
        %parallel_loop3A_251 = tpu.vector_load %arg7[%parallel_loop3A_249, %parallel_loop3A_250] {strides = array<i32>} : memref<128x64xf32, #tpu.memory_space<vmem>>, vector<16xf32>,
        tpu.vector_store %arg7[%parallel_loop3A_249, %parallel_loop3A_250], %parallel_loop3A_244 {strides = array<i32>} : memref<128x64xf32, #tpu.memory_space<vmem>>, vector<16xf32>,
        %parallel_loop3A_252 = arith.constant 32 : i32
        %parallel_loop3A_253 = vector.broadcast %parallel_loop3A_252 : i32 to vector<16xi32>
        %parallel_loop3A_254 = arith.addi %iota3A, %parallel_loop3A_253 : vector<16xi32>
        %parallel_loop3A_255 = arith.addi %parallel_loop3A_227, %parallel_loop3A_254 : vector<16xi32>
        %parallel_loop3A_256 = tpu.vector_load_idx %arg5[%parallel_loop3A_255] : memref<65536xf32, #tpu.memory_space<vmem>>[vector<16xi32>], vector<16xf32>,
        %parallel_loop3A_257 = arith.constant 16 : i32
        %parallel_loop3A_258 = arith.muli %parallel_loop3A_57, %parallel_loop3A_257 : i32
        %parallel_loop3A_259 = arith.constant 3 : i32
        %parallel_loop3A_260 = arith.addi %parallel_loop3A_258, %parallel_loop3A_259 : i32
        %parallel_loop3A_261 = arith.index_cast %parallel_loop3A_260 : i32 to index
        %parallel_loop3A_262 = arith.constant 32 : index
        %parallel_loop3A_263 = tpu.vector_load %arg7[%parallel_loop3A_261, %parallel_loop3A_262] {strides = array<i32>} : memref<128x64xf32, #tpu.memory_space<vmem>>, vector<16xf32>,
        tpu.vector_store %arg7[%parallel_loop3A_261, %parallel_loop3A_262], %parallel_loop3A_256 {strides = array<i32>} : memref<128x64xf32, #tpu.memory_space<vmem>>, vector<16xf32>,
        %parallel_loop3A_264 = arith.constant 48 : i32
        %parallel_loop3A_265 = vector.broadcast %parallel_loop3A_264 : i32 to vector<16xi32>
        %parallel_loop3A_266 = arith.addi %iota3A, %parallel_loop3A_265 : vector<16xi32>
        %parallel_loop3A_267 = arith.addi %parallel_loop3A_227, %parallel_loop3A_266 : vector<16xi32>
        %parallel_loop3A_268 = tpu.vector_load_idx %arg5[%parallel_loop3A_267] : memref<65536xf32, #tpu.memory_space<vmem>>[vector<16xi32>], vector<16xf32>,
        %parallel_loop3A_269 = arith.constant 16 : i32
        %parallel_loop3A_270 = arith.muli %parallel_loop3A_57, %parallel_loop3A_269 : i32
        %parallel_loop3A_271 = arith.constant 3 : i32
        %parallel_loop3A_272 = arith.addi %parallel_loop3A_270, %parallel_loop3A_271 : i32
        %parallel_loop3A_273 = arith.index_cast %parallel_loop3A_272 : i32 to index
        %parallel_loop3A_274 = arith.constant 48 : index
        %parallel_loop3A_275 = tpu.vector_load %arg7[%parallel_loop3A_273, %parallel_loop3A_274] {strides = array<i32>} : memref<128x64xf32, #tpu.memory_space<vmem>>, vector<16xf32>,
        tpu.vector_store %arg7[%parallel_loop3A_273, %parallel_loop3A_274], %parallel_loop3A_268 {strides = array<i32>} : memref<128x64xf32, #tpu.memory_space<vmem>>, vector<16xf32>,
        %parallel_loop3A_276 = arith.constant 4 : i32
        %parallel_loop3A_277 = vector.broadcast %parallel_loop3A_276 : i32 to vector<16x1xi32>
        %parallel_loop3A_278 = vector.shape_cast %parallel_loop3A_277 : vector<16x1xi32> to vector<16xi32>
        %parallel_loop3A_279 = tpu.dynamic_gather %parallel_loop3A_67[%parallel_loop3A_278] in [0] : vector<16xi32>, vector<16xi32> -> vector<16xi32>
        %parallel_loop3A_280 = arith.constant 0 : i32
        %parallel_loop3A_281 = vector.broadcast %parallel_loop3A_280 : i32 to vector<16xi32>
        %parallel_loop3A_282 = arith.addi %iota3A, %parallel_loop3A_281 : vector<16xi32>
        %parallel_loop3A_283 = arith.addi %parallel_loop3A_279, %parallel_loop3A_282 : vector<16xi32>
        %parallel_loop3A_284 = tpu.vector_load_idx %arg5[%parallel_loop3A_283] : memref<65536xf32, #tpu.memory_space<vmem>>[vector<16xi32>], vector<16xf32>,
        %parallel_loop3A_285 = arith.constant 16 : i32
        %parallel_loop3A_286 = arith.muli %parallel_loop3A_57, %parallel_loop3A_285 : i32
        %parallel_loop3A_287 = arith.constant 4 : i32
        %parallel_loop3A_288 = arith.addi %parallel_loop3A_286, %parallel_loop3A_287 : i32
        %parallel_loop3A_289 = arith.index_cast %parallel_loop3A_288 : i32 to index
        %parallel_loop3A_290 = arith.constant 0 : index
        %parallel_loop3A_291 = tpu.vector_load %arg7[%parallel_loop3A_289, %parallel_loop3A_290] {strides = array<i32>} : memref<128x64xf32, #tpu.memory_space<vmem>>, vector<16xf32>,
        tpu.vector_store %arg7[%parallel_loop3A_289, %parallel_loop3A_290], %parallel_loop3A_284 {strides = array<i32>} : memref<128x64xf32, #tpu.memory_space<vmem>>, vector<16xf32>,
        %parallel_loop3A_292 = arith.constant 16 : i32
        %parallel_loop3A_293 = vector.broadcast %parallel_loop3A_292 : i32 to vector<16xi32>
        %parallel_loop3A_294 = arith.addi %iota3A, %parallel_loop3A_293 : vector<16xi32>
        %parallel_loop3A_295 = arith.addi %parallel_loop3A_279, %parallel_loop3A_294 : vector<16xi32>
        %parallel_loop3A_296 = tpu.vector_load_idx %arg5[%parallel_loop3A_295] : memref<65536xf32, #tpu.memory_space<vmem>>[vector<16xi32>], vector<16xf32>,
        %parallel_loop3A_297 = arith.constant 16 : i32
        %parallel_loop3A_298 = arith.muli %parallel_loop3A_57, %parallel_loop3A_297 : i32
        %parallel_loop3A_299 = arith.constant 4 : i32
        %parallel_loop3A_300 = arith.addi %parallel_loop3A_298, %parallel_loop3A_299 : i32
        %parallel_loop3A_301 = arith.index_cast %parallel_loop3A_300 : i32 to index
        %parallel_loop3A_302 = arith.constant 16 : index
        %parallel_loop3A_303 = tpu.vector_load %arg7[%parallel_loop3A_301, %parallel_loop3A_302] {strides = array<i32>} : memref<128x64xf32, #tpu.memory_space<vmem>>, vector<16xf32>,
        tpu.vector_store %arg7[%parallel_loop3A_301, %parallel_loop3A_302], %parallel_loop3A_296 {strides = array<i32>} : memref<128x64xf32, #tpu.memory_space<vmem>>, vector<16xf32>,
        %parallel_loop3A_304 = arith.constant 32 : i32
        %parallel_loop3A_305 = vector.broadcast %parallel_loop3A_304 : i32 to vector<16xi32>
        %parallel_loop3A_306 = arith.addi %iota3A, %parallel_loop3A_305 : vector<16xi32>
        %parallel_loop3A_307 = arith.addi %parallel_loop3A_279, %parallel_loop3A_306 : vector<16xi32>
        %parallel_loop3A_308 = tpu.vector_load_idx %arg5[%parallel_loop3A_307] : memref<65536xf32, #tpu.memory_space<vmem>>[vector<16xi32>], vector<16xf32>,
        %parallel_loop3A_309 = arith.constant 16 : i32
        %parallel_loop3A_310 = arith.muli %parallel_loop3A_57, %parallel_loop3A_309 : i32
        %parallel_loop3A_311 = arith.constant 4 : i32
        %parallel_loop3A_312 = arith.addi %parallel_loop3A_310, %parallel_loop3A_311 : i32
        %parallel_loop3A_313 = arith.index_cast %parallel_loop3A_312 : i32 to index
        %parallel_loop3A_314 = arith.constant 32 : index
        %parallel_loop3A_315 = tpu.vector_load %arg7[%parallel_loop3A_313, %parallel_loop3A_314] {strides = array<i32>} : memref<128x64xf32, #tpu.memory_space<vmem>>, vector<16xf32>,
        tpu.vector_store %arg7[%parallel_loop3A_313, %parallel_loop3A_314], %parallel_loop3A_308 {strides = array<i32>} : memref<128x64xf32, #tpu.memory_space<vmem>>, vector<16xf32>,
        %parallel_loop3A_316 = arith.constant 48 : i32
        %parallel_loop3A_317 = vector.broadcast %parallel_loop3A_316 : i32 to vector<16xi32>
        %parallel_loop3A_318 = arith.addi %iota3A, %parallel_loop3A_317 : vector<16xi32>
        %parallel_loop3A_319 = arith.addi %parallel_loop3A_279, %parallel_loop3A_318 : vector<16xi32>
        %parallel_loop3A_320 = tpu.vector_load_idx %arg5[%parallel_loop3A_319] : memref<65536xf32, #tpu.memory_space<vmem>>[vector<16xi32>], vector<16xf32>,
        %parallel_loop3A_321 = arith.constant 16 : i32
        %parallel_loop3A_322 = arith.muli %parallel_loop3A_57, %parallel_loop3A_321 : i32
        %parallel_loop3A_323 = arith.constant 4 : i32
        %parallel_loop3A_324 = arith.addi %parallel_loop3A_322, %parallel_loop3A_323 : i32
        %parallel_loop3A_325 = arith.index_cast %parallel_loop3A_324 : i32 to index
        %parallel_loop3A_326 = arith.constant 48 : index
        %parallel_loop3A_327 = tpu.vector_load %arg7[%parallel_loop3A_325, %parallel_loop3A_326] {strides = array<i32>} : memref<128x64xf32, #tpu.memory_space<vmem>>, vector<16xf32>,
        tpu.vector_store %arg7[%parallel_loop3A_325, %parallel_loop3A_326], %parallel_loop3A_320 {strides = array<i32>} : memref<128x64xf32, #tpu.memory_space<vmem>>, vector<16xf32>,
        %parallel_loop3A_328 = arith.constant 5 : i32
        %parallel_loop3A_329 = vector.broadcast %parallel_loop3A_328 : i32 to vector<16x1xi32>
        %parallel_loop3A_330 = vector.shape_cast %parallel_loop3A_329 : vector<16x1xi32> to vector<16xi32>
        %parallel_loop3A_331 = tpu.dynamic_gather %parallel_loop3A_67[%parallel_loop3A_330] in [0] : vector<16xi32>, vector<16xi32> -> vector<16xi32>
        %parallel_loop3A_332 = arith.constant 0 : i32
        %parallel_loop3A_333 = vector.broadcast %parallel_loop3A_332 : i32 to vector<16xi32>
        %parallel_loop3A_334 = arith.addi %iota3A, %parallel_loop3A_333 : vector<16xi32>
        %parallel_loop3A_335 = arith.addi %parallel_loop3A_331, %parallel_loop3A_334 : vector<16xi32>
        %parallel_loop3A_336 = tpu.vector_load_idx %arg5[%parallel_loop3A_335] : memref<65536xf32, #tpu.memory_space<vmem>>[vector<16xi32>], vector<16xf32>,
        %parallel_loop3A_337 = arith.constant 16 : i32
        %parallel_loop3A_338 = arith.muli %parallel_loop3A_57, %parallel_loop3A_337 : i32
        %parallel_loop3A_339 = arith.constant 5 : i32
        %parallel_loop3A_340 = arith.addi %parallel_loop3A_338, %parallel_loop3A_339 : i32
        %parallel_loop3A_341 = arith.index_cast %parallel_loop3A_340 : i32 to index
        %parallel_loop3A_342 = arith.constant 0 : index
        %parallel_loop3A_343 = tpu.vector_load %arg7[%parallel_loop3A_341, %parallel_loop3A_342] {strides = array<i32>} : memref<128x64xf32, #tpu.memory_space<vmem>>, vector<16xf32>,
        tpu.vector_store %arg7[%parallel_loop3A_341, %parallel_loop3A_342], %parallel_loop3A_336 {strides = array<i32>} : memref<128x64xf32, #tpu.memory_space<vmem>>, vector<16xf32>,
        %parallel_loop3A_344 = arith.constant 16 : i32
        %parallel_loop3A_345 = vector.broadcast %parallel_loop3A_344 : i32 to vector<16xi32>
        %parallel_loop3A_346 = arith.addi %iota3A, %parallel_loop3A_345 : vector<16xi32>
        %parallel_loop3A_347 = arith.addi %parallel_loop3A_331, %parallel_loop3A_346 : vector<16xi32>
        %parallel_loop3A_348 = tpu.vector_load_idx %arg5[%parallel_loop3A_347] : memref<65536xf32, #tpu.memory_space<vmem>>[vector<16xi32>], vector<16xf32>,
        %parallel_loop3A_349 = arith.constant 16 : i32
        %parallel_loop3A_350 = arith.muli %parallel_loop3A_57, %parallel_loop3A_349 : i32
        %parallel_loop3A_351 = arith.constant 5 : i32
        %parallel_loop3A_352 = arith.addi %parallel_loop3A_350, %parallel_loop3A_351 : i32
        %parallel_loop3A_353 = arith.index_cast %parallel_loop3A_352 : i32 to index
        %parallel_loop3A_354 = arith.constant 16 : index
        %parallel_loop3A_355 = tpu.vector_load %arg7[%parallel_loop3A_353, %parallel_loop3A_354] {strides = array<i32>} : memref<128x64xf32, #tpu.memory_space<vmem>>, vector<16xf32>,
        tpu.vector_store %arg7[%parallel_loop3A_353, %parallel_loop3A_354], %parallel_loop3A_348 {strides = array<i32>} : memref<128x64xf32, #tpu.memory_space<vmem>>, vector<16xf32>,
        %parallel_loop3A_356 = arith.constant 32 : i32
        %parallel_loop3A_357 = vector.broadcast %parallel_loop3A_356 : i32 to vector<16xi32>
        %parallel_loop3A_358 = arith.addi %iota3A, %parallel_loop3A_357 : vector<16xi32>
        %parallel_loop3A_359 = arith.addi %parallel_loop3A_331, %parallel_loop3A_358 : vector<16xi32>
        %parallel_loop3A_360 = tpu.vector_load_idx %arg5[%parallel_loop3A_359] : memref<65536xf32, #tpu.memory_space<vmem>>[vector<16xi32>], vector<16xf32>,
        %parallel_loop3A_361 = arith.constant 16 : i32
        %parallel_loop3A_362 = arith.muli %parallel_loop3A_57, %parallel_loop3A_361 : i32
        %parallel_loop3A_363 = arith.constant 5 : i32
        %parallel_loop3A_364 = arith.addi %parallel_loop3A_362, %parallel_loop3A_363 : i32
        %parallel_loop3A_365 = arith.index_cast %parallel_loop3A_364 : i32 to index
        %parallel_loop3A_366 = arith.constant 32 : index
        %parallel_loop3A_367 = tpu.vector_load %arg7[%parallel_loop3A_365, %parallel_loop3A_366] {strides = array<i32>} : memref<128x64xf32, #tpu.memory_space<vmem>>, vector<16xf32>,
        tpu.vector_store %arg7[%parallel_loop3A_365, %parallel_loop3A_366], %parallel_loop3A_360 {strides = array<i32>} : memref<128x64xf32, #tpu.memory_space<vmem>>, vector<16xf32>,
        %parallel_loop3A_368 = arith.constant 48 : i32
        %parallel_loop3A_369 = vector.broadcast %parallel_loop3A_368 : i32 to vector<16xi32>
        %parallel_loop3A_370 = arith.addi %iota3A, %parallel_loop3A_369 : vector<16xi32>
        %parallel_loop3A_371 = arith.addi %parallel_loop3A_331, %parallel_loop3A_370 : vector<16xi32>
        %parallel_loop3A_372 = tpu.vector_load_idx %arg5[%parallel_loop3A_371] : memref<65536xf32, #tpu.memory_space<vmem>>[vector<16xi32>], vector<16xf32>,
        %parallel_loop3A_373 = arith.constant 16 : i32
        %parallel_loop3A_374 = arith.muli %parallel_loop3A_57, %parallel_loop3A_373 : i32
        %parallel_loop3A_375 = arith.constant 5 : i32
        %parallel_loop3A_376 = arith.addi %parallel_loop3A_374, %parallel_loop3A_375 : i32
        %parallel_loop3A_377 = arith.index_cast %parallel_loop3A_376 : i32 to index
        %parallel_loop3A_378 = arith.constant 48 : index
        %parallel_loop3A_379 = tpu.vector_load %arg7[%parallel_loop3A_377, %parallel_loop3A_378] {strides = array<i32>} : memref<128x64xf32, #tpu.memory_space<vmem>>, vector<16xf32>,
        tpu.vector_store %arg7[%parallel_loop3A_377, %parallel_loop3A_378], %parallel_loop3A_372 {strides = array<i32>} : memref<128x64xf32, #tpu.memory_space<vmem>>, vector<16xf32>,
        %parallel_loop3A_380 = arith.constant 6 : i32
        %parallel_loop3A_381 = vector.broadcast %parallel_loop3A_380 : i32 to vector<16x1xi32>
        %parallel_loop3A_382 = vector.shape_cast %parallel_loop3A_381 : vector<16x1xi32> to vector<16xi32>
        %parallel_loop3A_383 = tpu.dynamic_gather %parallel_loop3A_67[%parallel_loop3A_382] in [0] : vector<16xi32>, vector<16xi32> -> vector<16xi32>
        %parallel_loop3A_384 = arith.constant 0 : i32
        %parallel_loop3A_385 = vector.broadcast %parallel_loop3A_384 : i32 to vector<16xi32>
        %parallel_loop3A_386 = arith.addi %iota3A, %parallel_loop3A_385 : vector<16xi32>
        %parallel_loop3A_387 = arith.addi %parallel_loop3A_383, %parallel_loop3A_386 : vector<16xi32>
        %parallel_loop3A_388 = tpu.vector_load_idx %arg5[%parallel_loop3A_387] : memref<65536xf32, #tpu.memory_space<vmem>>[vector<16xi32>], vector<16xf32>,
        %parallel_loop3A_389 = arith.constant 16 : i32
        %parallel_loop3A_390 = arith.muli %parallel_loop3A_57, %parallel_loop3A_389 : i32
        %parallel_loop3A_391 = arith.constant 6 : i32
        %parallel_loop3A_392 = arith.addi %parallel_loop3A_390, %parallel_loop3A_391 : i32
        %parallel_loop3A_393 = arith.index_cast %parallel_loop3A_392 : i32 to index
        %parallel_loop3A_394 = arith.constant 0 : index
        %parallel_loop3A_395 = tpu.vector_load %arg7[%parallel_loop3A_393, %parallel_loop3A_394] {strides = array<i32>} : memref<128x64xf32, #tpu.memory_space<vmem>>, vector<16xf32>,
        tpu.vector_store %arg7[%parallel_loop3A_393, %parallel_loop3A_394], %parallel_loop3A_388 {strides = array<i32>} : memref<128x64xf32, #tpu.memory_space<vmem>>, vector<16xf32>,
        %parallel_loop3A_396 = arith.constant 16 : i32
        %parallel_loop3A_397 = vector.broadcast %parallel_loop3A_396 : i32 to vector<16xi32>
        %parallel_loop3A_398 = arith.addi %iota3A, %parallel_loop3A_397 : vector<16xi32>
        %parallel_loop3A_399 = arith.addi %parallel_loop3A_383, %parallel_loop3A_398 : vector<16xi32>
        %parallel_loop3A_400 = tpu.vector_load_idx %arg5[%parallel_loop3A_399] : memref<65536xf32, #tpu.memory_space<vmem>>[vector<16xi32>], vector<16xf32>,
        %parallel_loop3A_401 = arith.constant 16 : i32
        %parallel_loop3A_402 = arith.muli %parallel_loop3A_57, %parallel_loop3A_401 : i32
        %parallel_loop3A_403 = arith.constant 6 : i32
        %parallel_loop3A_404 = arith.addi %parallel_loop3A_402, %parallel_loop3A_403 : i32
        %parallel_loop3A_405 = arith.index_cast %parallel_loop3A_404 : i32 to index
        %parallel_loop3A_406 = arith.constant 16 : index
        %parallel_loop3A_407 = tpu.vector_load %arg7[%parallel_loop3A_405, %parallel_loop3A_406] {strides = array<i32>} : memref<128x64xf32, #tpu.memory_space<vmem>>, vector<16xf32>,
        tpu.vector_store %arg7[%parallel_loop3A_405, %parallel_loop3A_406], %parallel_loop3A_400 {strides = array<i32>} : memref<128x64xf32, #tpu.memory_space<vmem>>, vector<16xf32>,
        %parallel_loop3A_408 = arith.constant 32 : i32
        %parallel_loop3A_409 = vector.broadcast %parallel_loop3A_408 : i32 to vector<16xi32>
        %parallel_loop3A_410 = arith.addi %iota3A, %parallel_loop3A_409 : vector<16xi32>
        %parallel_loop3A_411 = arith.addi %parallel_loop3A_383, %parallel_loop3A_410 : vector<16xi32>
        %parallel_loop3A_412 = tpu.vector_load_idx %arg5[%parallel_loop3A_411] : memref<65536xf32, #tpu.memory_space<vmem>>[vector<16xi32>], vector<16xf32>,
        %parallel_loop3A_413 = arith.constant 16 : i32
        %parallel_loop3A_414 = arith.muli %parallel_loop3A_57, %parallel_loop3A_413 : i32
        %parallel_loop3A_415 = arith.constant 6 : i32
        %parallel_loop3A_416 = arith.addi %parallel_loop3A_414, %parallel_loop3A_415 : i32
        %parallel_loop3A_417 = arith.index_cast %parallel_loop3A_416 : i32 to index
        %parallel_loop3A_418 = arith.constant 32 : index
        %parallel_loop3A_419 = tpu.vector_load %arg7[%parallel_loop3A_417, %parallel_loop3A_418] {strides = array<i32>} : memref<128x64xf32, #tpu.memory_space<vmem>>, vector<16xf32>,
        tpu.vector_store %arg7[%parallel_loop3A_417, %parallel_loop3A_418], %parallel_loop3A_412 {strides = array<i32>} : memref<128x64xf32, #tpu.memory_space<vmem>>, vector<16xf32>,
        %parallel_loop3A_420 = arith.constant 48 : i32
        %parallel_loop3A_421 = vector.broadcast %parallel_loop3A_420 : i32 to vector<16xi32>
        %parallel_loop3A_422 = arith.addi %iota3A, %parallel_loop3A_421 : vector<16xi32>
        %parallel_loop3A_423 = arith.addi %parallel_loop3A_383, %parallel_loop3A_422 : vector<16xi32>
        %parallel_loop3A_424 = tpu.vector_load_idx %arg5[%parallel_loop3A_423] : memref<65536xf32, #tpu.memory_space<vmem>>[vector<16xi32>], vector<16xf32>,
        %parallel_loop3A_425 = arith.constant 16 : i32
        %parallel_loop3A_426 = arith.muli %parallel_loop3A_57, %parallel_loop3A_425 : i32
        %parallel_loop3A_427 = arith.constant 6 : i32
        %parallel_loop3A_428 = arith.addi %parallel_loop3A_426, %parallel_loop3A_427 : i32
        %parallel_loop3A_429 = arith.index_cast %parallel_loop3A_428 : i32 to index
        %parallel_loop3A_430 = arith.constant 48 : index
        %parallel_loop3A_431 = tpu.vector_load %arg7[%parallel_loop3A_429, %parallel_loop3A_430] {strides = array<i32>} : memref<128x64xf32, #tpu.memory_space<vmem>>, vector<16xf32>,
        tpu.vector_store %arg7[%parallel_loop3A_429, %parallel_loop3A_430], %parallel_loop3A_424 {strides = array<i32>} : memref<128x64xf32, #tpu.memory_space<vmem>>, vector<16xf32>,
        %parallel_loop3A_432 = arith.constant 7 : i32
        %parallel_loop3A_433 = vector.broadcast %parallel_loop3A_432 : i32 to vector<16x1xi32>
        %parallel_loop3A_434 = vector.shape_cast %parallel_loop3A_433 : vector<16x1xi32> to vector<16xi32>
        %parallel_loop3A_435 = tpu.dynamic_gather %parallel_loop3A_67[%parallel_loop3A_434] in [0] : vector<16xi32>, vector<16xi32> -> vector<16xi32>
        %parallel_loop3A_436 = arith.constant 0 : i32
        %parallel_loop3A_437 = vector.broadcast %parallel_loop3A_436 : i32 to vector<16xi32>
        %parallel_loop3A_438 = arith.addi %iota3A, %parallel_loop3A_437 : vector<16xi32>
        %parallel_loop3A_439 = arith.addi %parallel_loop3A_435, %parallel_loop3A_438 : vector<16xi32>
        %parallel_loop3A_440 = tpu.vector_load_idx %arg5[%parallel_loop3A_439] : memref<65536xf32, #tpu.memory_space<vmem>>[vector<16xi32>], vector<16xf32>,
        %parallel_loop3A_441 = arith.constant 16 : i32
        %parallel_loop3A_442 = arith.muli %parallel_loop3A_57, %parallel_loop3A_441 : i32
        %parallel_loop3A_443 = arith.constant 7 : i32
        %parallel_loop3A_444 = arith.addi %parallel_loop3A_442, %parallel_loop3A_443 : i32
        %parallel_loop3A_445 = arith.index_cast %parallel_loop3A_444 : i32 to index
        %parallel_loop3A_446 = arith.constant 0 : index
        %parallel_loop3A_447 = tpu.vector_load %arg7[%parallel_loop3A_445, %parallel_loop3A_446] {strides = array<i32>} : memref<128x64xf32, #tpu.memory_space<vmem>>, vector<16xf32>,
        tpu.vector_store %arg7[%parallel_loop3A_445, %parallel_loop3A_446], %parallel_loop3A_440 {strides = array<i32>} : memref<128x64xf32, #tpu.memory_space<vmem>>, vector<16xf32>,
        %parallel_loop3A_448 = arith.constant 16 : i32
        %parallel_loop3A_449 = vector.broadcast %parallel_loop3A_448 : i32 to vector<16xi32>
        %parallel_loop3A_450 = arith.addi %iota3A, %parallel_loop3A_449 : vector<16xi32>
        %parallel_loop3A_451 = arith.addi %parallel_loop3A_435, %parallel_loop3A_450 : vector<16xi32>
        %parallel_loop3A_452 = tpu.vector_load_idx %arg5[%parallel_loop3A_451] : memref<65536xf32, #tpu.memory_space<vmem>>[vector<16xi32>], vector<16xf32>,
        %parallel_loop3A_453 = arith.constant 16 : i32
        %parallel_loop3A_454 = arith.muli %parallel_loop3A_57, %parallel_loop3A_453 : i32
        %parallel_loop3A_455 = arith.constant 7 : i32
        %parallel_loop3A_456 = arith.addi %parallel_loop3A_454, %parallel_loop3A_455 : i32
        %parallel_loop3A_457 = arith.index_cast %parallel_loop3A_456 : i32 to index
        %parallel_loop3A_458 = arith.constant 16 : index
        %parallel_loop3A_459 = tpu.vector_load %arg7[%parallel_loop3A_457, %parallel_loop3A_458] {strides = array<i32>} : memref<128x64xf32, #tpu.memory_space<vmem>>, vector<16xf32>,
        tpu.vector_store %arg7[%parallel_loop3A_457, %parallel_loop3A_458], %parallel_loop3A_452 {strides = array<i32>} : memref<128x64xf32, #tpu.memory_space<vmem>>, vector<16xf32>,
        %parallel_loop3A_460 = arith.constant 32 : i32
        %parallel_loop3A_461 = vector.broadcast %parallel_loop3A_460 : i32 to vector<16xi32>
        %parallel_loop3A_462 = arith.addi %iota3A, %parallel_loop3A_461 : vector<16xi32>
        %parallel_loop3A_463 = arith.addi %parallel_loop3A_435, %parallel_loop3A_462 : vector<16xi32>
        %parallel_loop3A_464 = tpu.vector_load_idx %arg5[%parallel_loop3A_463] : memref<65536xf32, #tpu.memory_space<vmem>>[vector<16xi32>], vector<16xf32>,
        %parallel_loop3A_465 = arith.constant 16 : i32
        %parallel_loop3A_466 = arith.muli %parallel_loop3A_57, %parallel_loop3A_465 : i32
        %parallel_loop3A_467 = arith.constant 7 : i32
        %parallel_loop3A_468 = arith.addi %parallel_loop3A_466, %parallel_loop3A_467 : i32
        %parallel_loop3A_469 = arith.index_cast %parallel_loop3A_468 : i32 to index
        %parallel_loop3A_470 = arith.constant 32 : index
        %parallel_loop3A_471 = tpu.vector_load %arg7[%parallel_loop3A_469, %parallel_loop3A_470] {strides = array<i32>} : memref<128x64xf32, #tpu.memory_space<vmem>>, vector<16xf32>,
        tpu.vector_store %arg7[%parallel_loop3A_469, %parallel_loop3A_470], %parallel_loop3A_464 {strides = array<i32>} : memref<128x64xf32, #tpu.memory_space<vmem>>, vector<16xf32>,
        %parallel_loop3A_472 = arith.constant 48 : i32
        %parallel_loop3A_473 = vector.broadcast %parallel_loop3A_472 : i32 to vector<16xi32>
        %parallel_loop3A_474 = arith.addi %iota3A, %parallel_loop3A_473 : vector<16xi32>
        %parallel_loop3A_475 = arith.addi %parallel_loop3A_435, %parallel_loop3A_474 : vector<16xi32>
        %parallel_loop3A_476 = tpu.vector_load_idx %arg5[%parallel_loop3A_475] : memref<65536xf32, #tpu.memory_space<vmem>>[vector<16xi32>], vector<16xf32>,
        %parallel_loop3A_477 = arith.constant 16 : i32
        %parallel_loop3A_478 = arith.muli %parallel_loop3A_57, %parallel_loop3A_477 : i32
        %parallel_loop3A_479 = arith.constant 7 : i32
        %parallel_loop3A_480 = arith.addi %parallel_loop3A_478, %parallel_loop3A_479 : i32
        %parallel_loop3A_481 = arith.index_cast %parallel_loop3A_480 : i32 to index
        %parallel_loop3A_482 = arith.constant 48 : index
        %parallel_loop3A_483 = tpu.vector_load %arg7[%parallel_loop3A_481, %parallel_loop3A_482] {strides = array<i32>} : memref<128x64xf32, #tpu.memory_space<vmem>>, vector<16xf32>,
        tpu.vector_store %arg7[%parallel_loop3A_481, %parallel_loop3A_482], %parallel_loop3A_476 {strides = array<i32>} : memref<128x64xf32, #tpu.memory_space<vmem>>, vector<16xf32>,
        %parallel_loop3A_484 = arith.constant 8 : i32
        %parallel_loop3A_485 = vector.broadcast %parallel_loop3A_484 : i32 to vector<16x1xi32>
        %parallel_loop3A_486 = vector.shape_cast %parallel_loop3A_485 : vector<16x1xi32> to vector<16xi32>
        %parallel_loop3A_487 = tpu.dynamic_gather %parallel_loop3A_67[%parallel_loop3A_486] in [0] : vector<16xi32>, vector<16xi32> -> vector<16xi32>
        %parallel_loop3A_488 = arith.constant 0 : i32
        %parallel_loop3A_489 = vector.broadcast %parallel_loop3A_488 : i32 to vector<16xi32>
        %parallel_loop3A_490 = arith.addi %iota3A, %parallel_loop3A_489 : vector<16xi32>
        %parallel_loop3A_491 = arith.addi %parallel_loop3A_487, %parallel_loop3A_490 : vector<16xi32>
        %parallel_loop3A_492 = tpu.vector_load_idx %arg5[%parallel_loop3A_491] : memref<65536xf32, #tpu.memory_space<vmem>>[vector<16xi32>], vector<16xf32>,
        %parallel_loop3A_493 = arith.constant 16 : i32
        %parallel_loop3A_494 = arith.muli %parallel_loop3A_57, %parallel_loop3A_493 : i32
        %parallel_loop3A_495 = arith.constant 8 : i32
        %parallel_loop3A_496 = arith.addi %parallel_loop3A_494, %parallel_loop3A_495 : i32
        %parallel_loop3A_497 = arith.index_cast %parallel_loop3A_496 : i32 to index
        %parallel_loop3A_498 = arith.constant 0 : index
        %parallel_loop3A_499 = tpu.vector_load %arg7[%parallel_loop3A_497, %parallel_loop3A_498] {strides = array<i32>} : memref<128x64xf32, #tpu.memory_space<vmem>>, vector<16xf32>,
        tpu.vector_store %arg7[%parallel_loop3A_497, %parallel_loop3A_498], %parallel_loop3A_492 {strides = array<i32>} : memref<128x64xf32, #tpu.memory_space<vmem>>, vector<16xf32>,
        %parallel_loop3A_500 = arith.constant 16 : i32
        %parallel_loop3A_501 = vector.broadcast %parallel_loop3A_500 : i32 to vector<16xi32>
        %parallel_loop3A_502 = arith.addi %iota3A, %parallel_loop3A_501 : vector<16xi32>
        %parallel_loop3A_503 = arith.addi %parallel_loop3A_487, %parallel_loop3A_502 : vector<16xi32>
        %parallel_loop3A_504 = tpu.vector_load_idx %arg5[%parallel_loop3A_503] : memref<65536xf32, #tpu.memory_space<vmem>>[vector<16xi32>], vector<16xf32>,
        %parallel_loop3A_505 = arith.constant 16 : i32
        %parallel_loop3A_506 = arith.muli %parallel_loop3A_57, %parallel_loop3A_505 : i32
        %parallel_loop3A_507 = arith.constant 8 : i32
        %parallel_loop3A_508 = arith.addi %parallel_loop3A_506, %parallel_loop3A_507 : i32
        %parallel_loop3A_509 = arith.index_cast %parallel_loop3A_508 : i32 to index
        %parallel_loop3A_510 = arith.constant 16 : index
        %parallel_loop3A_511 = tpu.vector_load %arg7[%parallel_loop3A_509, %parallel_loop3A_510] {strides = array<i32>} : memref<128x64xf32, #tpu.memory_space<vmem>>, vector<16xf32>,
        tpu.vector_store %arg7[%parallel_loop3A_509, %parallel_loop3A_510], %parallel_loop3A_504 {strides = array<i32>} : memref<128x64xf32, #tpu.memory_space<vmem>>, vector<16xf32>,
        %parallel_loop3A_512 = arith.constant 32 : i32
        %parallel_loop3A_513 = vector.broadcast %parallel_loop3A_512 : i32 to vector<16xi32>
        %parallel_loop3A_514 = arith.addi %iota3A, %parallel_loop3A_513 : vector<16xi32>
        %parallel_loop3A_515 = arith.addi %parallel_loop3A_487, %parallel_loop3A_514 : vector<16xi32>
        %parallel_loop3A_516 = tpu.vector_load_idx %arg5[%parallel_loop3A_515] : memref<65536xf32, #tpu.memory_space<vmem>>[vector<16xi32>], vector<16xf32>,
        %parallel_loop3A_517 = arith.constant 16 : i32
        %parallel_loop3A_518 = arith.muli %parallel_loop3A_57, %parallel_loop3A_517 : i32
        %parallel_loop3A_519 = arith.constant 8 : i32
        %parallel_loop3A_520 = arith.addi %parallel_loop3A_518, %parallel_loop3A_519 : i32
        %parallel_loop3A_521 = arith.index_cast %parallel_loop3A_520 : i32 to index
        %parallel_loop3A_522 = arith.constant 32 : index
        %parallel_loop3A_523 = tpu.vector_load %arg7[%parallel_loop3A_521, %parallel_loop3A_522] {strides = array<i32>} : memref<128x64xf32, #tpu.memory_space<vmem>>, vector<16xf32>,
        tpu.vector_store %arg7[%parallel_loop3A_521, %parallel_loop3A_522], %parallel_loop3A_516 {strides = array<i32>} : memref<128x64xf32, #tpu.memory_space<vmem>>, vector<16xf32>,
        %parallel_loop3A_524 = arith.constant 48 : i32
        %parallel_loop3A_525 = vector.broadcast %parallel_loop3A_524 : i32 to vector<16xi32>
        %parallel_loop3A_526 = arith.addi %iota3A, %parallel_loop3A_525 : vector<16xi32>
        %parallel_loop3A_527 = arith.addi %parallel_loop3A_487, %parallel_loop3A_526 : vector<16xi32>
        %parallel_loop3A_528 = tpu.vector_load_idx %arg5[%parallel_loop3A_527] : memref<65536xf32, #tpu.memory_space<vmem>>[vector<16xi32>], vector<16xf32>,
        %parallel_loop3A_529 = arith.constant 16 : i32
        %parallel_loop3A_530 = arith.muli %parallel_loop3A_57, %parallel_loop3A_529 : i32
        %parallel_loop3A_531 = arith.constant 8 : i32
        %parallel_loop3A_532 = arith.addi %parallel_loop3A_530, %parallel_loop3A_531 : i32
        %parallel_loop3A_533 = arith.index_cast %parallel_loop3A_532 : i32 to index
        %parallel_loop3A_534 = arith.constant 48 : index
        %parallel_loop3A_535 = tpu.vector_load %arg7[%parallel_loop3A_533, %parallel_loop3A_534] {strides = array<i32>} : memref<128x64xf32, #tpu.memory_space<vmem>>, vector<16xf32>,
        tpu.vector_store %arg7[%parallel_loop3A_533, %parallel_loop3A_534], %parallel_loop3A_528 {strides = array<i32>} : memref<128x64xf32, #tpu.memory_space<vmem>>, vector<16xf32>,
        %parallel_loop3A_536 = arith.constant 9 : i32
        %parallel_loop3A_537 = vector.broadcast %parallel_loop3A_536 : i32 to vector<16x1xi32>
        %parallel_loop3A_538 = vector.shape_cast %parallel_loop3A_537 : vector<16x1xi32> to vector<16xi32>
        %parallel_loop3A_539 = tpu.dynamic_gather %parallel_loop3A_67[%parallel_loop3A_538] in [0] : vector<16xi32>, vector<16xi32> -> vector<16xi32>
        %parallel_loop3A_540 = arith.constant 0 : i32
        %parallel_loop3A_541 = vector.broadcast %parallel_loop3A_540 : i32 to vector<16xi32>
        %parallel_loop3A_542 = arith.addi %iota3A, %parallel_loop3A_541 : vector<16xi32>
        %parallel_loop3A_543 = arith.addi %parallel_loop3A_539, %parallel_loop3A_542 : vector<16xi32>
        %parallel_loop3A_544 = tpu.vector_load_idx %arg5[%parallel_loop3A_543] : memref<65536xf32, #tpu.memory_space<vmem>>[vector<16xi32>], vector<16xf32>,
        %parallel_loop3A_545 = arith.constant 16 : i32
        %parallel_loop3A_546 = arith.muli %parallel_loop3A_57, %parallel_loop3A_545 : i32
        %parallel_loop3A_547 = arith.constant 9 : i32
        %parallel_loop3A_548 = arith.addi %parallel_loop3A_546, %parallel_loop3A_547 : i32
        %parallel_loop3A_549 = arith.index_cast %parallel_loop3A_548 : i32 to index
        %parallel_loop3A_550 = arith.constant 0 : index
        %parallel_loop3A_551 = tpu.vector_load %arg7[%parallel_loop3A_549, %parallel_loop3A_550] {strides = array<i32>} : memref<128x64xf32, #tpu.memory_space<vmem>>, vector<16xf32>,
        tpu.vector_store %arg7[%parallel_loop3A_549, %parallel_loop3A_550], %parallel_loop3A_544 {strides = array<i32>} : memref<128x64xf32, #tpu.memory_space<vmem>>, vector<16xf32>,
        %parallel_loop3A_552 = arith.constant 16 : i32
        %parallel_loop3A_553 = vector.broadcast %parallel_loop3A_552 : i32 to vector<16xi32>
        %parallel_loop3A_554 = arith.addi %iota3A, %parallel_loop3A_553 : vector<16xi32>
        %parallel_loop3A_555 = arith.addi %parallel_loop3A_539, %parallel_loop3A_554 : vector<16xi32>
        %parallel_loop3A_556 = tpu.vector_load_idx %arg5[%parallel_loop3A_555] : memref<65536xf32, #tpu.memory_space<vmem>>[vector<16xi32>], vector<16xf32>,
        %parallel_loop3A_557 = arith.constant 16 : i32
        %parallel_loop3A_558 = arith.muli %parallel_loop3A_57, %parallel_loop3A_557 : i32
        %parallel_loop3A_559 = arith.constant 9 : i32
        %parallel_loop3A_560 = arith.addi %parallel_loop3A_558, %parallel_loop3A_559 : i32
        %parallel_loop3A_561 = arith.index_cast %parallel_loop3A_560 : i32 to index
        %parallel_loop3A_562 = arith.constant 16 : index
        %parallel_loop3A_563 = tpu.vector_load %arg7[%parallel_loop3A_561, %parallel_loop3A_562] {strides = array<i32>} : memref<128x64xf32, #tpu.memory_space<vmem>>, vector<16xf32>,
        tpu.vector_store %arg7[%parallel_loop3A_561, %parallel_loop3A_562], %parallel_loop3A_556 {strides = array<i32>} : memref<128x64xf32, #tpu.memory_space<vmem>>, vector<16xf32>,
        %parallel_loop3A_564 = arith.constant 32 : i32
        %parallel_loop3A_565 = vector.broadcast %parallel_loop3A_564 : i32 to vector<16xi32>
        %parallel_loop3A_566 = arith.addi %iota3A, %parallel_loop3A_565 : vector<16xi32>
        %parallel_loop3A_567 = arith.addi %parallel_loop3A_539, %parallel_loop3A_566 : vector<16xi32>
        %parallel_loop3A_568 = tpu.vector_load_idx %arg5[%parallel_loop3A_567] : memref<65536xf32, #tpu.memory_space<vmem>>[vector<16xi32>], vector<16xf32>,
        %parallel_loop3A_569 = arith.constant 16 : i32
        %parallel_loop3A_570 = arith.muli %parallel_loop3A_57, %parallel_loop3A_569 : i32
        %parallel_loop3A_571 = arith.constant 9 : i32
        %parallel_loop3A_572 = arith.addi %parallel_loop3A_570, %parallel_loop3A_571 : i32
        %parallel_loop3A_573 = arith.index_cast %parallel_loop3A_572 : i32 to index
        %parallel_loop3A_574 = arith.constant 32 : index
        %parallel_loop3A_575 = tpu.vector_load %arg7[%parallel_loop3A_573, %parallel_loop3A_574] {strides = array<i32>} : memref<128x64xf32, #tpu.memory_space<vmem>>, vector<16xf32>,
        tpu.vector_store %arg7[%parallel_loop3A_573, %parallel_loop3A_574], %parallel_loop3A_568 {strides = array<i32>} : memref<128x64xf32, #tpu.memory_space<vmem>>, vector<16xf32>,
        %parallel_loop3A_576 = arith.constant 48 : i32
        %parallel_loop3A_577 = vector.broadcast %parallel_loop3A_576 : i32 to vector<16xi32>
        %parallel_loop3A_578 = arith.addi %iota3A, %parallel_loop3A_577 : vector<16xi32>
        %parallel_loop3A_579 = arith.addi %parallel_loop3A_539, %parallel_loop3A_578 : vector<16xi32>
        %parallel_loop3A_580 = tpu.vector_load_idx %arg5[%parallel_loop3A_579] : memref<65536xf32, #tpu.memory_space<vmem>>[vector<16xi32>], vector<16xf32>,
        %parallel_loop3A_581 = arith.constant 16 : i32
        %parallel_loop3A_582 = arith.muli %parallel_loop3A_57, %parallel_loop3A_581 : i32
        %parallel_loop3A_583 = arith.constant 9 : i32
        %parallel_loop3A_584 = arith.addi %parallel_loop3A_582, %parallel_loop3A_583 : i32
        %parallel_loop3A_585 = arith.index_cast %parallel_loop3A_584 : i32 to index
        %parallel_loop3A_586 = arith.constant 48 : index
        %parallel_loop3A_587 = tpu.vector_load %arg7[%parallel_loop3A_585, %parallel_loop3A_586] {strides = array<i32>} : memref<128x64xf32, #tpu.memory_space<vmem>>, vector<16xf32>,
        tpu.vector_store %arg7[%parallel_loop3A_585, %parallel_loop3A_586], %parallel_loop3A_580 {strides = array<i32>} : memref<128x64xf32, #tpu.memory_space<vmem>>, vector<16xf32>,
        %parallel_loop3A_588 = arith.constant 10 : i32
        %parallel_loop3A_589 = vector.broadcast %parallel_loop3A_588 : i32 to vector<16x1xi32>
        %parallel_loop3A_590 = vector.shape_cast %parallel_loop3A_589 : vector<16x1xi32> to vector<16xi32>
        %parallel_loop3A_591 = tpu.dynamic_gather %parallel_loop3A_67[%parallel_loop3A_590] in [0] : vector<16xi32>, vector<16xi32> -> vector<16xi32>
        %parallel_loop3A_592 = arith.constant 0 : i32
        %parallel_loop3A_593 = vector.broadcast %parallel_loop3A_592 : i32 to vector<16xi32>
        %parallel_loop3A_594 = arith.addi %iota3A, %parallel_loop3A_593 : vector<16xi32>
        %parallel_loop3A_595 = arith.addi %parallel_loop3A_591, %parallel_loop3A_594 : vector<16xi32>
        %parallel_loop3A_596 = tpu.vector_load_idx %arg5[%parallel_loop3A_595] : memref<65536xf32, #tpu.memory_space<vmem>>[vector<16xi32>], vector<16xf32>,
        %parallel_loop3A_597 = arith.constant 16 : i32
        %parallel_loop3A_598 = arith.muli %parallel_loop3A_57, %parallel_loop3A_597 : i32
        %parallel_loop3A_599 = arith.constant 10 : i32
        %parallel_loop3A_600 = arith.addi %parallel_loop3A_598, %parallel_loop3A_599 : i32
        %parallel_loop3A_601 = arith.index_cast %parallel_loop3A_600 : i32 to index
        %parallel_loop3A_602 = arith.constant 0 : index
        %parallel_loop3A_603 = tpu.vector_load %arg7[%parallel_loop3A_601, %parallel_loop3A_602] {strides = array<i32>} : memref<128x64xf32, #tpu.memory_space<vmem>>, vector<16xf32>,
        tpu.vector_store %arg7[%parallel_loop3A_601, %parallel_loop3A_602], %parallel_loop3A_596 {strides = array<i32>} : memref<128x64xf32, #tpu.memory_space<vmem>>, vector<16xf32>,
        %parallel_loop3A_604 = arith.constant 16 : i32
        %parallel_loop3A_605 = vector.broadcast %parallel_loop3A_604 : i32 to vector<16xi32>
        %parallel_loop3A_606 = arith.addi %iota3A, %parallel_loop3A_605 : vector<16xi32>
        %parallel_loop3A_607 = arith.addi %parallel_loop3A_591, %parallel_loop3A_606 : vector<16xi32>
        %parallel_loop3A_608 = tpu.vector_load_idx %arg5[%parallel_loop3A_607] : memref<65536xf32, #tpu.memory_space<vmem>>[vector<16xi32>], vector<16xf32>,
        %parallel_loop3A_609 = arith.constant 16 : i32
        %parallel_loop3A_610 = arith.muli %parallel_loop3A_57, %parallel_loop3A_609 : i32
        %parallel_loop3A_611 = arith.constant 10 : i32
        %parallel_loop3A_612 = arith.addi %parallel_loop3A_610, %parallel_loop3A_611 : i32
        %parallel_loop3A_613 = arith.index_cast %parallel_loop3A_612 : i32 to index
        %parallel_loop3A_614 = arith.constant 16 : index
        %parallel_loop3A_615 = tpu.vector_load %arg7[%parallel_loop3A_613, %parallel_loop3A_614] {strides = array<i32>} : memref<128x64xf32, #tpu.memory_space<vmem>>, vector<16xf32>,
        tpu.vector_store %arg7[%parallel_loop3A_613, %parallel_loop3A_614], %parallel_loop3A_608 {strides = array<i32>} : memref<128x64xf32, #tpu.memory_space<vmem>>, vector<16xf32>,
        %parallel_loop3A_616 = arith.constant 32 : i32
        %parallel_loop3A_617 = vector.broadcast %parallel_loop3A_616 : i32 to vector<16xi32>
        %parallel_loop3A_618 = arith.addi %iota3A, %parallel_loop3A_617 : vector<16xi32>
        %parallel_loop3A_619 = arith.addi %parallel_loop3A_591, %parallel_loop3A_618 : vector<16xi32>
        %parallel_loop3A_620 = tpu.vector_load_idx %arg5[%parallel_loop3A_619] : memref<65536xf32, #tpu.memory_space<vmem>>[vector<16xi32>], vector<16xf32>,
        %parallel_loop3A_621 = arith.constant 16 : i32
        %parallel_loop3A_622 = arith.muli %parallel_loop3A_57, %parallel_loop3A_621 : i32
        %parallel_loop3A_623 = arith.constant 10 : i32
        %parallel_loop3A_624 = arith.addi %parallel_loop3A_622, %parallel_loop3A_623 : i32
        %parallel_loop3A_625 = arith.index_cast %parallel_loop3A_624 : i32 to index
        %parallel_loop3A_626 = arith.constant 32 : index
        %parallel_loop3A_627 = tpu.vector_load %arg7[%parallel_loop3A_625, %parallel_loop3A_626] {strides = array<i32>} : memref<128x64xf32, #tpu.memory_space<vmem>>, vector<16xf32>,
        tpu.vector_store %arg7[%parallel_loop3A_625, %parallel_loop3A_626], %parallel_loop3A_620 {strides = array<i32>} : memref<128x64xf32, #tpu.memory_space<vmem>>, vector<16xf32>,
        %parallel_loop3A_628 = arith.constant 48 : i32
        %parallel_loop3A_629 = vector.broadcast %parallel_loop3A_628 : i32 to vector<16xi32>
        %parallel_loop3A_630 = arith.addi %iota3A, %parallel_loop3A_629 : vector<16xi32>
        %parallel_loop3A_631 = arith.addi %parallel_loop3A_591, %parallel_loop3A_630 : vector<16xi32>
        %parallel_loop3A_632 = tpu.vector_load_idx %arg5[%parallel_loop3A_631] : memref<65536xf32, #tpu.memory_space<vmem>>[vector<16xi32>], vector<16xf32>,
        %parallel_loop3A_633 = arith.constant 16 : i32
        %parallel_loop3A_634 = arith.muli %parallel_loop3A_57, %parallel_loop3A_633 : i32
        %parallel_loop3A_635 = arith.constant 10 : i32
        %parallel_loop3A_636 = arith.addi %parallel_loop3A_634, %parallel_loop3A_635 : i32
        %parallel_loop3A_637 = arith.index_cast %parallel_loop3A_636 : i32 to index
        %parallel_loop3A_638 = arith.constant 48 : index
        %parallel_loop3A_639 = tpu.vector_load %arg7[%parallel_loop3A_637, %parallel_loop3A_638] {strides = array<i32>} : memref<128x64xf32, #tpu.memory_space<vmem>>, vector<16xf32>,
        tpu.vector_store %arg7[%parallel_loop3A_637, %parallel_loop3A_638], %parallel_loop3A_632 {strides = array<i32>} : memref<128x64xf32, #tpu.memory_space<vmem>>, vector<16xf32>,
        %parallel_loop3A_640 = arith.constant 11 : i32
        %parallel_loop3A_641 = vector.broadcast %parallel_loop3A_640 : i32 to vector<16x1xi32>
        %parallel_loop3A_642 = vector.shape_cast %parallel_loop3A_641 : vector<16x1xi32> to vector<16xi32>
        %parallel_loop3A_643 = tpu.dynamic_gather %parallel_loop3A_67[%parallel_loop3A_642] in [0] : vector<16xi32>, vector<16xi32> -> vector<16xi32>
        %parallel_loop3A_644 = arith.constant 0 : i32
        %parallel_loop3A_645 = vector.broadcast %parallel_loop3A_644 : i32 to vector<16xi32>
        %parallel_loop3A_646 = arith.addi %iota3A, %parallel_loop3A_645 : vector<16xi32>
        %parallel_loop3A_647 = arith.addi %parallel_loop3A_643, %parallel_loop3A_646 : vector<16xi32>
        %parallel_loop3A_648 = tpu.vector_load_idx %arg5[%parallel_loop3A_647] : memref<65536xf32, #tpu.memory_space<vmem>>[vector<16xi32>], vector<16xf32>,
        %parallel_loop3A_649 = arith.constant 16 : i32
        %parallel_loop3A_650 = arith.muli %parallel_loop3A_57, %parallel_loop3A_649 : i32
        %parallel_loop3A_651 = arith.constant 11 : i32
        %parallel_loop3A_652 = arith.addi %parallel_loop3A_650, %parallel_loop3A_651 : i32
        %parallel_loop3A_653 = arith.index_cast %parallel_loop3A_652 : i32 to index
        %parallel_loop3A_654 = arith.constant 0 : index
        %parallel_loop3A_655 = tpu.vector_load %arg7[%parallel_loop3A_653, %parallel_loop3A_654] {strides = array<i32>} : memref<128x64xf32, #tpu.memory_space<vmem>>, vector<16xf32>,
        tpu.vector_store %arg7[%parallel_loop3A_653, %parallel_loop3A_654], %parallel_loop3A_648 {strides = array<i32>} : memref<128x64xf32, #tpu.memory_space<vmem>>, vector<16xf32>,
        %parallel_loop3A_656 = arith.constant 16 : i32
        %parallel_loop3A_657 = vector.broadcast %parallel_loop3A_656 : i32 to vector<16xi32>
        %parallel_loop3A_658 = arith.addi %iota3A, %parallel_loop3A_657 : vector<16xi32>
        %parallel_loop3A_659 = arith.addi %parallel_loop3A_643, %parallel_loop3A_658 : vector<16xi32>
        %parallel_loop3A_660 = tpu.vector_load_idx %arg5[%parallel_loop3A_659] : memref<65536xf32, #tpu.memory_space<vmem>>[vector<16xi32>], vector<16xf32>,
        %parallel_loop3A_661 = arith.constant 16 : i32
        %parallel_loop3A_662 = arith.muli %parallel_loop3A_57, %parallel_loop3A_661 : i32
        %parallel_loop3A_663 = arith.constant 11 : i32
        %parallel_loop3A_664 = arith.addi %parallel_loop3A_662, %parallel_loop3A_663 : i32
        %parallel_loop3A_665 = arith.index_cast %parallel_loop3A_664 : i32 to index
        %parallel_loop3A_666 = arith.constant 16 : index
        %parallel_loop3A_667 = tpu.vector_load %arg7[%parallel_loop3A_665, %parallel_loop3A_666] {strides = array<i32>} : memref<128x64xf32, #tpu.memory_space<vmem>>, vector<16xf32>,
        tpu.vector_store %arg7[%parallel_loop3A_665, %parallel_loop3A_666], %parallel_loop3A_660 {strides = array<i32>} : memref<128x64xf32, #tpu.memory_space<vmem>>, vector<16xf32>,
        %parallel_loop3A_668 = arith.constant 32 : i32
        %parallel_loop3A_669 = vector.broadcast %parallel_loop3A_668 : i32 to vector<16xi32>
        %parallel_loop3A_670 = arith.addi %iota3A, %parallel_loop3A_669 : vector<16xi32>
        %parallel_loop3A_671 = arith.addi %parallel_loop3A_643, %parallel_loop3A_670 : vector<16xi32>
        %parallel_loop3A_672 = tpu.vector_load_idx %arg5[%parallel_loop3A_671] : memref<65536xf32, #tpu.memory_space<vmem>>[vector<16xi32>], vector<16xf32>,
        %parallel_loop3A_673 = arith.constant 16 : i32
        %parallel_loop3A_674 = arith.muli %parallel_loop3A_57, %parallel_loop3A_673 : i32
        %parallel_loop3A_675 = arith.constant 11 : i32
        %parallel_loop3A_676 = arith.addi %parallel_loop3A_674, %parallel_loop3A_675 : i32
        %parallel_loop3A_677 = arith.index_cast %parallel_loop3A_676 : i32 to index
        %parallel_loop3A_678 = arith.constant 32 : index
        %parallel_loop3A_679 = tpu.vector_load %arg7[%parallel_loop3A_677, %parallel_loop3A_678] {strides = array<i32>} : memref<128x64xf32, #tpu.memory_space<vmem>>, vector<16xf32>,
        tpu.vector_store %arg7[%parallel_loop3A_677, %parallel_loop3A_678], %parallel_loop3A_672 {strides = array<i32>} : memref<128x64xf32, #tpu.memory_space<vmem>>, vector<16xf32>,
        %parallel_loop3A_680 = arith.constant 48 : i32
        %parallel_loop3A_681 = vector.broadcast %parallel_loop3A_680 : i32 to vector<16xi32>
        %parallel_loop3A_682 = arith.addi %iota3A, %parallel_loop3A_681 : vector<16xi32>
        %parallel_loop3A_683 = arith.addi %parallel_loop3A_643, %parallel_loop3A_682 : vector<16xi32>
        %parallel_loop3A_684 = tpu.vector_load_idx %arg5[%parallel_loop3A_683] : memref<65536xf32, #tpu.memory_space<vmem>>[vector<16xi32>], vector<16xf32>,
        %parallel_loop3A_685 = arith.constant 16 : i32
        %parallel_loop3A_686 = arith.muli %parallel_loop3A_57, %parallel_loop3A_685 : i32
        %parallel_loop3A_687 = arith.constant 11 : i32
        %parallel_loop3A_688 = arith.addi %parallel_loop3A_686, %parallel_loop3A_687 : i32
        %parallel_loop3A_689 = arith.index_cast %parallel_loop3A_688 : i32 to index
        %parallel_loop3A_690 = arith.constant 48 : index
        %parallel_loop3A_691 = tpu.vector_load %arg7[%parallel_loop3A_689, %parallel_loop3A_690] {strides = array<i32>} : memref<128x64xf32, #tpu.memory_space<vmem>>, vector<16xf32>,
        tpu.vector_store %arg7[%parallel_loop3A_689, %parallel_loop3A_690], %parallel_loop3A_684 {strides = array<i32>} : memref<128x64xf32, #tpu.memory_space<vmem>>, vector<16xf32>,
        %parallel_loop3A_692 = arith.constant 12 : i32
        %parallel_loop3A_693 = vector.broadcast %parallel_loop3A_692 : i32 to vector<16x1xi32>
        %parallel_loop3A_694 = vector.shape_cast %parallel_loop3A_693 : vector<16x1xi32> to vector<16xi32>
        %parallel_loop3A_695 = tpu.dynamic_gather %parallel_loop3A_67[%parallel_loop3A_694] in [0] : vector<16xi32>, vector<16xi32> -> vector<16xi32>
        %parallel_loop3A_696 = arith.constant 0 : i32
        %parallel_loop3A_697 = vector.broadcast %parallel_loop3A_696 : i32 to vector<16xi32>
        %parallel_loop3A_698 = arith.addi %iota3A, %parallel_loop3A_697 : vector<16xi32>
        %parallel_loop3A_699 = arith.addi %parallel_loop3A_695, %parallel_loop3A_698 : vector<16xi32>
        %parallel_loop3A_700 = tpu.vector_load_idx %arg5[%parallel_loop3A_699] : memref<65536xf32, #tpu.memory_space<vmem>>[vector<16xi32>], vector<16xf32>,
        %parallel_loop3A_701 = arith.constant 16 : i32
        %parallel_loop3A_702 = arith.muli %parallel_loop3A_57, %parallel_loop3A_701 : i32
        %parallel_loop3A_703 = arith.constant 12 : i32
        %parallel_loop3A_704 = arith.addi %parallel_loop3A_702, %parallel_loop3A_703 : i32
        %parallel_loop3A_705 = arith.index_cast %parallel_loop3A_704 : i32 to index
        %parallel_loop3A_706 = arith.constant 0 : index
        %parallel_loop3A_707 = tpu.vector_load %arg7[%parallel_loop3A_705, %parallel_loop3A_706] {strides = array<i32>} : memref<128x64xf32, #tpu.memory_space<vmem>>, vector<16xf32>,
        tpu.vector_store %arg7[%parallel_loop3A_705, %parallel_loop3A_706], %parallel_loop3A_700 {strides = array<i32>} : memref<128x64xf32, #tpu.memory_space<vmem>>, vector<16xf32>,
        %parallel_loop3A_708 = arith.constant 16 : i32
        %parallel_loop3A_709 = vector.broadcast %parallel_loop3A_708 : i32 to vector<16xi32>
        %parallel_loop3A_710 = arith.addi %iota3A, %parallel_loop3A_709 : vector<16xi32>
        %parallel_loop3A_711 = arith.addi %parallel_loop3A_695, %parallel_loop3A_710 : vector<16xi32>
        %parallel_loop3A_712 = tpu.vector_load_idx %arg5[%parallel_loop3A_711] : memref<65536xf32, #tpu.memory_space<vmem>>[vector<16xi32>], vector<16xf32>,
        %parallel_loop3A_713 = arith.constant 16 : i32
        %parallel_loop3A_714 = arith.muli %parallel_loop3A_57, %parallel_loop3A_713 : i32
        %parallel_loop3A_715 = arith.constant 12 : i32
        %parallel_loop3A_716 = arith.addi %parallel_loop3A_714, %parallel_loop3A_715 : i32
        %parallel_loop3A_717 = arith.index_cast %parallel_loop3A_716 : i32 to index
        %parallel_loop3A_718 = arith.constant 16 : index
        %parallel_loop3A_719 = tpu.vector_load %arg7[%parallel_loop3A_717, %parallel_loop3A_718] {strides = array<i32>} : memref<128x64xf32, #tpu.memory_space<vmem>>, vector<16xf32>,
        tpu.vector_store %arg7[%parallel_loop3A_717, %parallel_loop3A_718], %parallel_loop3A_712 {strides = array<i32>} : memref<128x64xf32, #tpu.memory_space<vmem>>, vector<16xf32>,
        %parallel_loop3A_720 = arith.constant 32 : i32
        %parallel_loop3A_721 = vector.broadcast %parallel_loop3A_720 : i32 to vector<16xi32>
        %parallel_loop3A_722 = arith.addi %iota3A, %parallel_loop3A_721 : vector<16xi32>
        %parallel_loop3A_723 = arith.addi %parallel_loop3A_695, %parallel_loop3A_722 : vector<16xi32>
        %parallel_loop3A_724 = tpu.vector_load_idx %arg5[%parallel_loop3A_723] : memref<65536xf32, #tpu.memory_space<vmem>>[vector<16xi32>], vector<16xf32>,
        %parallel_loop3A_725 = arith.constant 16 : i32
        %parallel_loop3A_726 = arith.muli %parallel_loop3A_57, %parallel_loop3A_725 : i32
        %parallel_loop3A_727 = arith.constant 12 : i32
        %parallel_loop3A_728 = arith.addi %parallel_loop3A_726, %parallel_loop3A_727 : i32
        %parallel_loop3A_729 = arith.index_cast %parallel_loop3A_728 : i32 to index
        %parallel_loop3A_730 = arith.constant 32 : index
        %parallel_loop3A_731 = tpu.vector_load %arg7[%parallel_loop3A_729, %parallel_loop3A_730] {strides = array<i32>} : memref<128x64xf32, #tpu.memory_space<vmem>>, vector<16xf32>,
        tpu.vector_store %arg7[%parallel_loop3A_729, %parallel_loop3A_730], %parallel_loop3A_724 {strides = array<i32>} : memref<128x64xf32, #tpu.memory_space<vmem>>, vector<16xf32>,
        %parallel_loop3A_732 = arith.constant 48 : i32
        %parallel_loop3A_733 = vector.broadcast %parallel_loop3A_732 : i32 to vector<16xi32>
        %parallel_loop3A_734 = arith.addi %iota3A, %parallel_loop3A_733 : vector<16xi32>
        %parallel_loop3A_735 = arith.addi %parallel_loop3A_695, %parallel_loop3A_734 : vector<16xi32>
        %parallel_loop3A_736 = tpu.vector_load_idx %arg5[%parallel_loop3A_735] : memref<65536xf32, #tpu.memory_space<vmem>>[vector<16xi32>], vector<16xf32>,
        %parallel_loop3A_737 = arith.constant 16 : i32
        %parallel_loop3A_738 = arith.muli %parallel_loop3A_57, %parallel_loop3A_737 : i32
        %parallel_loop3A_739 = arith.constant 12 : i32
        %parallel_loop3A_740 = arith.addi %parallel_loop3A_738, %parallel_loop3A_739 : i32
        %parallel_loop3A_741 = arith.index_cast %parallel_loop3A_740 : i32 to index
        %parallel_loop3A_742 = arith.constant 48 : index
        %parallel_loop3A_743 = tpu.vector_load %arg7[%parallel_loop3A_741, %parallel_loop3A_742] {strides = array<i32>} : memref<128x64xf32, #tpu.memory_space<vmem>>, vector<16xf32>,
        tpu.vector_store %arg7[%parallel_loop3A_741, %parallel_loop3A_742], %parallel_loop3A_736 {strides = array<i32>} : memref<128x64xf32, #tpu.memory_space<vmem>>, vector<16xf32>,
        %parallel_loop3A_744 = arith.constant 13 : i32
        %parallel_loop3A_745 = vector.broadcast %parallel_loop3A_744 : i32 to vector<16x1xi32>
        %parallel_loop3A_746 = vector.shape_cast %parallel_loop3A_745 : vector<16x1xi32> to vector<16xi32>
        %parallel_loop3A_747 = tpu.dynamic_gather %parallel_loop3A_67[%parallel_loop3A_746] in [0] : vector<16xi32>, vector<16xi32> -> vector<16xi32>
        %parallel_loop3A_748 = arith.constant 0 : i32
        %parallel_loop3A_749 = vector.broadcast %parallel_loop3A_748 : i32 to vector<16xi32>
        %parallel_loop3A_750 = arith.addi %iota3A, %parallel_loop3A_749 : vector<16xi32>
        %parallel_loop3A_751 = arith.addi %parallel_loop3A_747, %parallel_loop3A_750 : vector<16xi32>
        %parallel_loop3A_752 = tpu.vector_load_idx %arg5[%parallel_loop3A_751] : memref<65536xf32, #tpu.memory_space<vmem>>[vector<16xi32>], vector<16xf32>,
        %parallel_loop3A_753 = arith.constant 16 : i32
        %parallel_loop3A_754 = arith.muli %parallel_loop3A_57, %parallel_loop3A_753 : i32
        %parallel_loop3A_755 = arith.constant 13 : i32
        %parallel_loop3A_756 = arith.addi %parallel_loop3A_754, %parallel_loop3A_755 : i32
        %parallel_loop3A_757 = arith.index_cast %parallel_loop3A_756 : i32 to index
        %parallel_loop3A_758 = arith.constant 0 : index
        %parallel_loop3A_759 = tpu.vector_load %arg7[%parallel_loop3A_757, %parallel_loop3A_758] {strides = array<i32>} : memref<128x64xf32, #tpu.memory_space<vmem>>, vector<16xf32>,
        tpu.vector_store %arg7[%parallel_loop3A_757, %parallel_loop3A_758], %parallel_loop3A_752 {strides = array<i32>} : memref<128x64xf32, #tpu.memory_space<vmem>>, vector<16xf32>,
        %parallel_loop3A_760 = arith.constant 16 : i32
        %parallel_loop3A_761 = vector.broadcast %parallel_loop3A_760 : i32 to vector<16xi32>
        %parallel_loop3A_762 = arith.addi %iota3A, %parallel_loop3A_761 : vector<16xi32>
        %parallel_loop3A_763 = arith.addi %parallel_loop3A_747, %parallel_loop3A_762 : vector<16xi32>
        %parallel_loop3A_764 = tpu.vector_load_idx %arg5[%parallel_loop3A_763] : memref<65536xf32, #tpu.memory_space<vmem>>[vector<16xi32>], vector<16xf32>,
        %parallel_loop3A_765 = arith.constant 16 : i32
        %parallel_loop3A_766 = arith.muli %parallel_loop3A_57, %parallel_loop3A_765 : i32
        %parallel_loop3A_767 = arith.constant 13 : i32
        %parallel_loop3A_768 = arith.addi %parallel_loop3A_766, %parallel_loop3A_767 : i32
        %parallel_loop3A_769 = arith.index_cast %parallel_loop3A_768 : i32 to index
        %parallel_loop3A_770 = arith.constant 16 : index
        %parallel_loop3A_771 = tpu.vector_load %arg7[%parallel_loop3A_769, %parallel_loop3A_770] {strides = array<i32>} : memref<128x64xf32, #tpu.memory_space<vmem>>, vector<16xf32>,
        tpu.vector_store %arg7[%parallel_loop3A_769, %parallel_loop3A_770], %parallel_loop3A_764 {strides = array<i32>} : memref<128x64xf32, #tpu.memory_space<vmem>>, vector<16xf32>,
        %parallel_loop3A_772 = arith.constant 32 : i32
        %parallel_loop3A_773 = vector.broadcast %parallel_loop3A_772 : i32 to vector<16xi32>
        %parallel_loop3A_774 = arith.addi %iota3A, %parallel_loop3A_773 : vector<16xi32>
        %parallel_loop3A_775 = arith.addi %parallel_loop3A_747, %parallel_loop3A_774 : vector<16xi32>
        %parallel_loop3A_776 = tpu.vector_load_idx %arg5[%parallel_loop3A_775] : memref<65536xf32, #tpu.memory_space<vmem>>[vector<16xi32>], vector<16xf32>,
        %parallel_loop3A_777 = arith.constant 16 : i32
        %parallel_loop3A_778 = arith.muli %parallel_loop3A_57, %parallel_loop3A_777 : i32
        %parallel_loop3A_779 = arith.constant 13 : i32
        %parallel_loop3A_780 = arith.addi %parallel_loop3A_778, %parallel_loop3A_779 : i32
        %parallel_loop3A_781 = arith.index_cast %parallel_loop3A_780 : i32 to index
        %parallel_loop3A_782 = arith.constant 32 : index
        %parallel_loop3A_783 = tpu.vector_load %arg7[%parallel_loop3A_781, %parallel_loop3A_782] {strides = array<i32>} : memref<128x64xf32, #tpu.memory_space<vmem>>, vector<16xf32>,
        tpu.vector_store %arg7[%parallel_loop3A_781, %parallel_loop3A_782], %parallel_loop3A_776 {strides = array<i32>} : memref<128x64xf32, #tpu.memory_space<vmem>>, vector<16xf32>,
        %parallel_loop3A_784 = arith.constant 48 : i32
        %parallel_loop3A_785 = vector.broadcast %parallel_loop3A_784 : i32 to vector<16xi32>
        %parallel_loop3A_786 = arith.addi %iota3A, %parallel_loop3A_785 : vector<16xi32>
        %parallel_loop3A_787 = arith.addi %parallel_loop3A_747, %parallel_loop3A_786 : vector<16xi32>
        %parallel_loop3A_788 = tpu.vector_load_idx %arg5[%parallel_loop3A_787] : memref<65536xf32, #tpu.memory_space<vmem>>[vector<16xi32>], vector<16xf32>,
        %parallel_loop3A_789 = arith.constant 16 : i32
        %parallel_loop3A_790 = arith.muli %parallel_loop3A_57, %parallel_loop3A_789 : i32
        %parallel_loop3A_791 = arith.constant 13 : i32
        %parallel_loop3A_792 = arith.addi %parallel_loop3A_790, %parallel_loop3A_791 : i32
        %parallel_loop3A_793 = arith.index_cast %parallel_loop3A_792 : i32 to index
        %parallel_loop3A_794 = arith.constant 48 : index
        %parallel_loop3A_795 = tpu.vector_load %arg7[%parallel_loop3A_793, %parallel_loop3A_794] {strides = array<i32>} : memref<128x64xf32, #tpu.memory_space<vmem>>, vector<16xf32>,
        tpu.vector_store %arg7[%parallel_loop3A_793, %parallel_loop3A_794], %parallel_loop3A_788 {strides = array<i32>} : memref<128x64xf32, #tpu.memory_space<vmem>>, vector<16xf32>,
        %parallel_loop3A_796 = arith.constant 14 : i32
        %parallel_loop3A_797 = vector.broadcast %parallel_loop3A_796 : i32 to vector<16x1xi32>
        %parallel_loop3A_798 = vector.shape_cast %parallel_loop3A_797 : vector<16x1xi32> to vector<16xi32>
        %parallel_loop3A_799 = tpu.dynamic_gather %parallel_loop3A_67[%parallel_loop3A_798] in [0] : vector<16xi32>, vector<16xi32> -> vector<16xi32>
        %parallel_loop3A_800 = arith.constant 0 : i32
        %parallel_loop3A_801 = vector.broadcast %parallel_loop3A_800 : i32 to vector<16xi32>
        %parallel_loop3A_802 = arith.addi %iota3A, %parallel_loop3A_801 : vector<16xi32>
        %parallel_loop3A_803 = arith.addi %parallel_loop3A_799, %parallel_loop3A_802 : vector<16xi32>
        %parallel_loop3A_804 = tpu.vector_load_idx %arg5[%parallel_loop3A_803] : memref<65536xf32, #tpu.memory_space<vmem>>[vector<16xi32>], vector<16xf32>,
        %parallel_loop3A_805 = arith.constant 16 : i32
        %parallel_loop3A_806 = arith.muli %parallel_loop3A_57, %parallel_loop3A_805 : i32
        %parallel_loop3A_807 = arith.constant 14 : i32
        %parallel_loop3A_808 = arith.addi %parallel_loop3A_806, %parallel_loop3A_807 : i32
        %parallel_loop3A_809 = arith.index_cast %parallel_loop3A_808 : i32 to index
        %parallel_loop3A_810 = arith.constant 0 : index
        %parallel_loop3A_811 = tpu.vector_load %arg7[%parallel_loop3A_809, %parallel_loop3A_810] {strides = array<i32>} : memref<128x64xf32, #tpu.memory_space<vmem>>, vector<16xf32>,
        tpu.vector_store %arg7[%parallel_loop3A_809, %parallel_loop3A_810], %parallel_loop3A_804 {strides = array<i32>} : memref<128x64xf32, #tpu.memory_space<vmem>>, vector<16xf32>,
        %parallel_loop3A_812 = arith.constant 16 : i32
        %parallel_loop3A_813 = vector.broadcast %parallel_loop3A_812 : i32 to vector<16xi32>
        %parallel_loop3A_814 = arith.addi %iota3A, %parallel_loop3A_813 : vector<16xi32>
        %parallel_loop3A_815 = arith.addi %parallel_loop3A_799, %parallel_loop3A_814 : vector<16xi32>
        %parallel_loop3A_816 = tpu.vector_load_idx %arg5[%parallel_loop3A_815] : memref<65536xf32, #tpu.memory_space<vmem>>[vector<16xi32>], vector<16xf32>,
        %parallel_loop3A_817 = arith.constant 16 : i32
        %parallel_loop3A_818 = arith.muli %parallel_loop3A_57, %parallel_loop3A_817 : i32
        %parallel_loop3A_819 = arith.constant 14 : i32
        %parallel_loop3A_820 = arith.addi %parallel_loop3A_818, %parallel_loop3A_819 : i32
        %parallel_loop3A_821 = arith.index_cast %parallel_loop3A_820 : i32 to index
        %parallel_loop3A_822 = arith.constant 16 : index
        %parallel_loop3A_823 = tpu.vector_load %arg7[%parallel_loop3A_821, %parallel_loop3A_822] {strides = array<i32>} : memref<128x64xf32, #tpu.memory_space<vmem>>, vector<16xf32>,
        tpu.vector_store %arg7[%parallel_loop3A_821, %parallel_loop3A_822], %parallel_loop3A_816 {strides = array<i32>} : memref<128x64xf32, #tpu.memory_space<vmem>>, vector<16xf32>,
        %parallel_loop3A_824 = arith.constant 32 : i32
        %parallel_loop3A_825 = vector.broadcast %parallel_loop3A_824 : i32 to vector<16xi32>
        %parallel_loop3A_826 = arith.addi %iota3A, %parallel_loop3A_825 : vector<16xi32>
        %parallel_loop3A_827 = arith.addi %parallel_loop3A_799, %parallel_loop3A_826 : vector<16xi32>
        %parallel_loop3A_828 = tpu.vector_load_idx %arg5[%parallel_loop3A_827] : memref<65536xf32, #tpu.memory_space<vmem>>[vector<16xi32>], vector<16xf32>,
        %parallel_loop3A_829 = arith.constant 16 : i32
        %parallel_loop3A_830 = arith.muli %parallel_loop3A_57, %parallel_loop3A_829 : i32
        %parallel_loop3A_831 = arith.constant 14 : i32
        %parallel_loop3A_832 = arith.addi %parallel_loop3A_830, %parallel_loop3A_831 : i32
        %parallel_loop3A_833 = arith.index_cast %parallel_loop3A_832 : i32 to index
        %parallel_loop3A_834 = arith.constant 32 : index
        %parallel_loop3A_835 = tpu.vector_load %arg7[%parallel_loop3A_833, %parallel_loop3A_834] {strides = array<i32>} : memref<128x64xf32, #tpu.memory_space<vmem>>, vector<16xf32>,
        tpu.vector_store %arg7[%parallel_loop3A_833, %parallel_loop3A_834], %parallel_loop3A_828 {strides = array<i32>} : memref<128x64xf32, #tpu.memory_space<vmem>>, vector<16xf32>,
        %parallel_loop3A_836 = arith.constant 48 : i32
        %parallel_loop3A_837 = vector.broadcast %parallel_loop3A_836 : i32 to vector<16xi32>
        %parallel_loop3A_838 = arith.addi %iota3A, %parallel_loop3A_837 : vector<16xi32>
        %parallel_loop3A_839 = arith.addi %parallel_loop3A_799, %parallel_loop3A_838 : vector<16xi32>
        %parallel_loop3A_840 = tpu.vector_load_idx %arg5[%parallel_loop3A_839] : memref<65536xf32, #tpu.memory_space<vmem>>[vector<16xi32>], vector<16xf32>,
        %parallel_loop3A_841 = arith.constant 16 : i32
        %parallel_loop3A_842 = arith.muli %parallel_loop3A_57, %parallel_loop3A_841 : i32
        %parallel_loop3A_843 = arith.constant 14 : i32
        %parallel_loop3A_844 = arith.addi %parallel_loop3A_842, %parallel_loop3A_843 : i32
        %parallel_loop3A_845 = arith.index_cast %parallel_loop3A_844 : i32 to index
        %parallel_loop3A_846 = arith.constant 48 : index
        %parallel_loop3A_847 = tpu.vector_load %arg7[%parallel_loop3A_845, %parallel_loop3A_846] {strides = array<i32>} : memref<128x64xf32, #tpu.memory_space<vmem>>, vector<16xf32>,
        tpu.vector_store %arg7[%parallel_loop3A_845, %parallel_loop3A_846], %parallel_loop3A_840 {strides = array<i32>} : memref<128x64xf32, #tpu.memory_space<vmem>>, vector<16xf32>,
        %parallel_loop3A_848 = arith.constant 15 : i32
        %parallel_loop3A_849 = vector.broadcast %parallel_loop3A_848 : i32 to vector<16x1xi32>
        %parallel_loop3A_850 = vector.shape_cast %parallel_loop3A_849 : vector<16x1xi32> to vector<16xi32>
        %parallel_loop3A_851 = tpu.dynamic_gather %parallel_loop3A_67[%parallel_loop3A_850] in [0] : vector<16xi32>, vector<16xi32> -> vector<16xi32>
        %parallel_loop3A_852 = arith.constant 0 : i32
        %parallel_loop3A_853 = vector.broadcast %parallel_loop3A_852 : i32 to vector<16xi32>
        %parallel_loop3A_854 = arith.addi %iota3A, %parallel_loop3A_853 : vector<16xi32>
        %parallel_loop3A_855 = arith.addi %parallel_loop3A_851, %parallel_loop3A_854 : vector<16xi32>
        %parallel_loop3A_856 = tpu.vector_load_idx %arg5[%parallel_loop3A_855] : memref<65536xf32, #tpu.memory_space<vmem>>[vector<16xi32>], vector<16xf32>,
        %parallel_loop3A_857 = arith.constant 16 : i32
        %parallel_loop3A_858 = arith.muli %parallel_loop3A_57, %parallel_loop3A_857 : i32
        %parallel_loop3A_859 = arith.constant 15 : i32
        %parallel_loop3A_860 = arith.addi %parallel_loop3A_858, %parallel_loop3A_859 : i32
        %parallel_loop3A_861 = arith.index_cast %parallel_loop3A_860 : i32 to index
        %parallel_loop3A_862 = arith.constant 0 : index
        %parallel_loop3A_863 = tpu.vector_load %arg7[%parallel_loop3A_861, %parallel_loop3A_862] {strides = array<i32>} : memref<128x64xf32, #tpu.memory_space<vmem>>, vector<16xf32>,
        tpu.vector_store %arg7[%parallel_loop3A_861, %parallel_loop3A_862], %parallel_loop3A_856 {strides = array<i32>} : memref<128x64xf32, #tpu.memory_space<vmem>>, vector<16xf32>,
        %parallel_loop3A_864 = arith.constant 16 : i32
        %parallel_loop3A_865 = vector.broadcast %parallel_loop3A_864 : i32 to vector<16xi32>
        %parallel_loop3A_866 = arith.addi %iota3A, %parallel_loop3A_865 : vector<16xi32>
        %parallel_loop3A_867 = arith.addi %parallel_loop3A_851, %parallel_loop3A_866 : vector<16xi32>
        %parallel_loop3A_868 = tpu.vector_load_idx %arg5[%parallel_loop3A_867] : memref<65536xf32, #tpu.memory_space<vmem>>[vector<16xi32>], vector<16xf32>,
        %parallel_loop3A_869 = arith.constant 16 : i32
        %parallel_loop3A_870 = arith.muli %parallel_loop3A_57, %parallel_loop3A_869 : i32
        %parallel_loop3A_871 = arith.constant 15 : i32
        %parallel_loop3A_872 = arith.addi %parallel_loop3A_870, %parallel_loop3A_871 : i32
        %parallel_loop3A_873 = arith.index_cast %parallel_loop3A_872 : i32 to index
        %parallel_loop3A_874 = arith.constant 16 : index
        %parallel_loop3A_875 = tpu.vector_load %arg7[%parallel_loop3A_873, %parallel_loop3A_874] {strides = array<i32>} : memref<128x64xf32, #tpu.memory_space<vmem>>, vector<16xf32>,
        tpu.vector_store %arg7[%parallel_loop3A_873, %parallel_loop3A_874], %parallel_loop3A_868 {strides = array<i32>} : memref<128x64xf32, #tpu.memory_space<vmem>>, vector<16xf32>,
        %parallel_loop3A_876 = arith.constant 32 : i32
        %parallel_loop3A_877 = vector.broadcast %parallel_loop3A_876 : i32 to vector<16xi32>
        %parallel_loop3A_878 = arith.addi %iota3A, %parallel_loop3A_877 : vector<16xi32>
        %parallel_loop3A_879 = arith.addi %parallel_loop3A_851, %parallel_loop3A_878 : vector<16xi32>
        %parallel_loop3A_880 = tpu.vector_load_idx %arg5[%parallel_loop3A_879] : memref<65536xf32, #tpu.memory_space<vmem>>[vector<16xi32>], vector<16xf32>,
        %parallel_loop3A_881 = arith.constant 16 : i32
        %parallel_loop3A_882 = arith.muli %parallel_loop3A_57, %parallel_loop3A_881 : i32
        %parallel_loop3A_883 = arith.constant 15 : i32
        %parallel_loop3A_884 = arith.addi %parallel_loop3A_882, %parallel_loop3A_883 : i32
        %parallel_loop3A_885 = arith.index_cast %parallel_loop3A_884 : i32 to index
        %parallel_loop3A_886 = arith.constant 32 : index
        %parallel_loop3A_887 = tpu.vector_load %arg7[%parallel_loop3A_885, %parallel_loop3A_886] {strides = array<i32>} : memref<128x64xf32, #tpu.memory_space<vmem>>, vector<16xf32>,
        tpu.vector_store %arg7[%parallel_loop3A_885, %parallel_loop3A_886], %parallel_loop3A_880 {strides = array<i32>} : memref<128x64xf32, #tpu.memory_space<vmem>>, vector<16xf32>,
        %parallel_loop3A_888 = arith.constant 48 : i32
        %parallel_loop3A_889 = vector.broadcast %parallel_loop3A_888 : i32 to vector<16xi32>
        %parallel_loop3A_890 = arith.addi %iota3A, %parallel_loop3A_889 : vector<16xi32>
        %parallel_loop3A_891 = arith.addi %parallel_loop3A_851, %parallel_loop3A_890 : vector<16xi32>
        %parallel_loop3A_892 = tpu.vector_load_idx %arg5[%parallel_loop3A_891] : memref<65536xf32, #tpu.memory_space<vmem>>[vector<16xi32>], vector<16xf32>,
        %parallel_loop3A_893 = arith.constant 16 : i32
        %parallel_loop3A_894 = arith.muli %parallel_loop3A_57, %parallel_loop3A_893 : i32
        %parallel_loop3A_895 = arith.constant 15 : i32
        %parallel_loop3A_896 = arith.addi %parallel_loop3A_894, %parallel_loop3A_895 : i32
        %parallel_loop3A_897 = arith.index_cast %parallel_loop3A_896 : i32 to index
        %parallel_loop3A_898 = arith.constant 48 : index
        %parallel_loop3A_899 = tpu.vector_load %arg7[%parallel_loop3A_897, %parallel_loop3A_898] {strides = array<i32>} : memref<128x64xf32, #tpu.memory_space<vmem>>, vector<16xf32>,
        tpu.vector_store %arg7[%parallel_loop3A_897, %parallel_loop3A_898], %parallel_loop3A_892 {strides = array<i32>} : memref<128x64xf32, #tpu.memory_space<vmem>>, vector<16xf32>,
      } {sc.loop_unroll_factor = 4 : i64, sc.parallel_access}
      %mul3A_26 = arith.constant 2 : i32
      %mul3A_27 = arith.muli %mul3A_26, %scan3A_19 : i32
      %mul3A_28 = arith.constant 128 : i32
      %mul3A_29 = arith.muli %mul3A_27, %mul3A_28 : i32
      %add3A_30 = arith.addi %mul3A_2, %mul3A_29 : i32
      %dma_start3A = arith.constant 0 : i32
      %dma_start3A_31 = tpu.memref_slice %arg4[%add3A_30, %dma_start3A] : memref<65536x64xf32, #tpu.memory_space<hbm>> -> memref<128x64xf32, #tpu.memory_space<hbm>>
      %dma_start3A_32 = arith.constant 0 : i32
      %dma_start3A_33 = tpu.memref_slice %arg4[%add3A_30, %dma_start3A_32] : memref<65536x64xf32, #tpu.memory_space<hbm>> -> memref<128x64xf32, #tpu.memory_space<hbm>>
      tpu.enqueue_dma source(%arg7 : memref<128x64xf32, #tpu.memory_space<vmem>>) target(%dma_start3A_33 : memref<128x64xf32, #tpu.memory_space<hbm>>) target_semaphore(%arg9 : memref<!tpu.dma_semaphore, #tpu.memory_space<semaphore_mem>>)
      %gt3A_34 = arith.constant 0 : i32
      %gt3A_35 = arith.cmpi sgt, %scan3A_19, %gt3A_34 : i32
      %convert_element_type3A_36 = arith.extui %gt3A_35 : i1 to i32
      %cond3A_37 = arith.constant 0 : i32
      %cond3A_38 = arith.cmpi ne, %convert_element_type3A_36, %cond3A_37 : i32
      scf.if %cond3A_38 {
        %mul3A_57 = arith.constant 2 : i32
        %mul3A_58 = arith.muli %mul3A_57, %scan3A_19 : i32
        %add3A_59 = arith.constant 1 : i32
        %add3A_60 = arith.addi %mul3A_58, %add3A_59 : i32
        %mul3A_61 = arith.constant 128 : i32
        %mul3A_62 = arith.muli %add3A_60, %mul3A_61 : i32
        %add3A_63 = arith.addi %mul3A_2, %mul3A_62 : i32
        %dma_wait3A_64 = arith.constant 0 : i32
        %dma_wait3A_65 = tpu.memref_slice %arg4[%add3A_63, %dma_wait3A_64] : memref<65536x64xf32, #tpu.memory_space<hbm>> -> memref<128x64xf32, #tpu.memory_space<hbm>>
        %dma_wait3A_66 = arith.constant 0 : i32
        %dma_wait3A_67 = tpu.memref_slice %arg4[%add3A_63, %dma_wait3A_66] : memref<65536x64xf32, #tpu.memory_space<hbm>> -> memref<128x64xf32, #tpu.memory_space<hbm>>
        tpu.wait_dma2 semaphore(%arg10 : memref<!tpu.dma_semaphore, #tpu.memory_space<semaphore_mem>>) src(%arg8 : memref<128x64xf32, #tpu.memory_space<vmem>>) dst(%dma_wait3A_67 : memref<128x64xf32, #tpu.memory_space<hbm>>)
      } else {
      }
      %mul3A_39 = arith.constant 2 : i32
      %mul3A_40 = arith.muli %mul3A_39, %scan3A_19 : i32
      %add3A_41 = arith.constant 1 : i32
      %add3A_42 = arith.addi %mul3A_40, %add3A_41 : i32
      %parallel_loop3A_43 = arith.constant 0 : i32
      %parallel_loop3A_44 = arith.constant 8 : i32
      %parallel_loop3A_45 = arith.constant 1 : i32
      scf.for %parallel_loop3A_57 = %parallel_loop3A_43 to %parallel_loop3A_44 step %parallel_loop3A_45  : i32 {
        %parallel_loop3A_58 = arith.constant 128 : i32
        %parallel_loop3A_59 = arith.muli %add3A_42, %parallel_loop3A_58 : i32
        %parallel_loop3A_60 = arith.constant 16 : i32
        %parallel_loop3A_61 = arith.muli %parallel_loop3A_57, %parallel_loop3A_60 : i32
        %parallel_loop3A_62 = arith.addi %parallel_loop3A_59, %parallel_loop3A_61 : i32
        %parallel_loop3A_63 = arith.index_cast %parallel_loop3A_62 : i32 to index
        %parallel_loop3A_64 = tpu.vector_load %arg6[%parallel_loop3A_63] {strides = array<i32>} : memref<2048xi32, #tpu.memory_space<vmem>>, vector<16xi32>,
        %parallel_loop3A_65 = arith.constant 64 : i32
        %parallel_loop3A_66 = vector.broadcast %parallel_loop3A_65 : i32 to vector<16xi32>
        %parallel_loop3A_67 = arith.muli %parallel_loop3A_64, %parallel_loop3A_66 : vector<16xi32>
        %parallel_loop3A_68 = arith.constant 0 : i32
        %parallel_loop3A_69 = vector.broadcast %parallel_loop3A_68 : i32 to vector<16x1xi32>
        %parallel_loop3A_70 = vector.shape_cast %parallel_loop3A_69 : vector<16x1xi32> to vector<16xi32>
        %parallel_loop3A_71 = tpu.dynamic_gather %parallel_loop3A_67[%parallel_loop3A_70] in [0] : vector<16xi32>, vector<16xi32> -> vector<16xi32>
        %parallel_loop3A_72 = arith.constant 0 : i32
        %parallel_loop3A_73 = vector.broadcast %parallel_loop3A_72 : i32 to vector<16xi32>
        %parallel_loop3A_74 = arith.addi %iota3A, %parallel_loop3A_73 : vector<16xi32>
        %parallel_loop3A_75 = arith.addi %parallel_loop3A_71, %parallel_loop3A_74 : vector<16xi32>
        %parallel_loop3A_76 = tpu.vector_load_idx %arg5[%parallel_loop3A_75] : memref<65536xf32, #tpu.memory_space<vmem>>[vector<16xi32>], vector<16xf32>,
        %parallel_loop3A_77 = arith.constant 16 : i32
        %parallel_loop3A_78 = arith.muli %parallel_loop3A_57, %parallel_loop3A_77 : i32
        %parallel_loop3A_79 = arith.constant 0 : i32
        %parallel_loop3A_80 = arith.addi %parallel_loop3A_78, %parallel_loop3A_79 : i32
        %parallel_loop3A_81 = arith.index_cast %parallel_loop3A_80 : i32 to index
        %parallel_loop3A_82 = arith.constant 0 : index
        %parallel_loop3A_83 = tpu.vector_load %arg8[%parallel_loop3A_81, %parallel_loop3A_82] {strides = array<i32>} : memref<128x64xf32, #tpu.memory_space<vmem>>, vector<16xf32>,
        tpu.vector_store %arg8[%parallel_loop3A_81, %parallel_loop3A_82], %parallel_loop3A_76 {strides = array<i32>} : memref<128x64xf32, #tpu.memory_space<vmem>>, vector<16xf32>,
        %parallel_loop3A_84 = arith.constant 16 : i32
        %parallel_loop3A_85 = vector.broadcast %parallel_loop3A_84 : i32 to vector<16xi32>
        %parallel_loop3A_86 = arith.addi %iota3A, %parallel_loop3A_85 : vector<16xi32>
        %parallel_loop3A_87 = arith.addi %parallel_loop3A_71, %parallel_loop3A_86 : vector<16xi32>
        %parallel_loop3A_88 = tpu.vector_load_idx %arg5[%parallel_loop3A_87] : memref<65536xf32, #tpu.memory_space<vmem>>[vector<16xi32>], vector<16xf32>,
        %parallel_loop3A_89 = arith.constant 16 : i32
        %parallel_loop3A_90 = arith.muli %parallel_loop3A_57, %parallel_loop3A_89 : i32
        %parallel_loop3A_91 = arith.constant 0 : i32
        %parallel_loop3A_92 = arith.addi %parallel_loop3A_90, %parallel_loop3A_91 : i32
        %parallel_loop3A_93 = arith.index_cast %parallel_loop3A_92 : i32 to index
        %parallel_loop3A_94 = arith.constant 16 : index
        %parallel_loop3A_95 = tpu.vector_load %arg8[%parallel_loop3A_93, %parallel_loop3A_94] {strides = array<i32>} : memref<128x64xf32, #tpu.memory_space<vmem>>, vector<16xf32>,
        tpu.vector_store %arg8[%parallel_loop3A_93, %parallel_loop3A_94], %parallel_loop3A_88 {strides = array<i32>} : memref<128x64xf32, #tpu.memory_space<vmem>>, vector<16xf32>,
        %parallel_loop3A_96 = arith.constant 32 : i32
        %parallel_loop3A_97 = vector.broadcast %parallel_loop3A_96 : i32 to vector<16xi32>
        %parallel_loop3A_98 = arith.addi %iota3A, %parallel_loop3A_97 : vector<16xi32>
        %parallel_loop3A_99 = arith.addi %parallel_loop3A_71, %parallel_loop3A_98 : vector<16xi32>
        %parallel_loop3A_100 = tpu.vector_load_idx %arg5[%parallel_loop3A_99] : memref<65536xf32, #tpu.memory_space<vmem>>[vector<16xi32>], vector<16xf32>,
        %parallel_loop3A_101 = arith.constant 16 : i32
        %parallel_loop3A_102 = arith.muli %parallel_loop3A_57, %parallel_loop3A_101 : i32
        %parallel_loop3A_103 = arith.constant 0 : i32
        %parallel_loop3A_104 = arith.addi %parallel_loop3A_102, %parallel_loop3A_103 : i32
        %parallel_loop3A_105 = arith.index_cast %parallel_loop3A_104 : i32 to index
        %parallel_loop3A_106 = arith.constant 32 : index
        %parallel_loop3A_107 = tpu.vector_load %arg8[%parallel_loop3A_105, %parallel_loop3A_106] {strides = array<i32>} : memref<128x64xf32, #tpu.memory_space<vmem>>, vector<16xf32>,
        tpu.vector_store %arg8[%parallel_loop3A_105, %parallel_loop3A_106], %parallel_loop3A_100 {strides = array<i32>} : memref<128x64xf32, #tpu.memory_space<vmem>>, vector<16xf32>,
        %parallel_loop3A_108 = arith.constant 48 : i32
        %parallel_loop3A_109 = vector.broadcast %parallel_loop3A_108 : i32 to vector<16xi32>
        %parallel_loop3A_110 = arith.addi %iota3A, %parallel_loop3A_109 : vector<16xi32>
        %parallel_loop3A_111 = arith.addi %parallel_loop3A_71, %parallel_loop3A_110 : vector<16xi32>
        %parallel_loop3A_112 = tpu.vector_load_idx %arg5[%parallel_loop3A_111] : memref<65536xf32, #tpu.memory_space<vmem>>[vector<16xi32>], vector<16xf32>,
        %parallel_loop3A_113 = arith.constant 16 : i32
        %parallel_loop3A_114 = arith.muli %parallel_loop3A_57, %parallel_loop3A_113 : i32
        %parallel_loop3A_115 = arith.constant 0 : i32
        %parallel_loop3A_116 = arith.addi %parallel_loop3A_114, %parallel_loop3A_115 : i32
        %parallel_loop3A_117 = arith.index_cast %parallel_loop3A_116 : i32 to index
        %parallel_loop3A_118 = arith.constant 48 : index
        %parallel_loop3A_119 = tpu.vector_load %arg8[%parallel_loop3A_117, %parallel_loop3A_118] {strides = array<i32>} : memref<128x64xf32, #tpu.memory_space<vmem>>, vector<16xf32>,
        tpu.vector_store %arg8[%parallel_loop3A_117, %parallel_loop3A_118], %parallel_loop3A_112 {strides = array<i32>} : memref<128x64xf32, #tpu.memory_space<vmem>>, vector<16xf32>,
        %parallel_loop3A_120 = arith.constant 1 : i32
        %parallel_loop3A_121 = vector.broadcast %parallel_loop3A_120 : i32 to vector<16x1xi32>
        %parallel_loop3A_122 = vector.shape_cast %parallel_loop3A_121 : vector<16x1xi32> to vector<16xi32>
        %parallel_loop3A_123 = tpu.dynamic_gather %parallel_loop3A_67[%parallel_loop3A_122] in [0] : vector<16xi32>, vector<16xi32> -> vector<16xi32>
        %parallel_loop3A_124 = arith.constant 0 : i32
        %parallel_loop3A_125 = vector.broadcast %parallel_loop3A_124 : i32 to vector<16xi32>
        %parallel_loop3A_126 = arith.addi %iota3A, %parallel_loop3A_125 : vector<16xi32>
        %parallel_loop3A_127 = arith.addi %parallel_loop3A_123, %parallel_loop3A_126 : vector<16xi32>
        %parallel_loop3A_128 = tpu.vector_load_idx %arg5[%parallel_loop3A_127] : memref<65536xf32, #tpu.memory_space<vmem>>[vector<16xi32>], vector<16xf32>,
        %parallel_loop3A_129 = arith.constant 16 : i32
        %parallel_loop3A_130 = arith.muli %parallel_loop3A_57, %parallel_loop3A_129 : i32
        %parallel_loop3A_131 = arith.constant 1 : i32
        %parallel_loop3A_132 = arith.addi %parallel_loop3A_130, %parallel_loop3A_131 : i32
        %parallel_loop3A_133 = arith.index_cast %parallel_loop3A_132 : i32 to index
        %parallel_loop3A_134 = arith.constant 0 : index
        %parallel_loop3A_135 = tpu.vector_load %arg8[%parallel_loop3A_133, %parallel_loop3A_134] {strides = array<i32>} : memref<128x64xf32, #tpu.memory_space<vmem>>, vector<16xf32>,
        tpu.vector_store %arg8[%parallel_loop3A_133, %parallel_loop3A_134], %parallel_loop3A_128 {strides = array<i32>} : memref<128x64xf32, #tpu.memory_space<vmem>>, vector<16xf32>,
        %parallel_loop3A_136 = arith.constant 16 : i32
        %parallel_loop3A_137 = vector.broadcast %parallel_loop3A_136 : i32 to vector<16xi32>
        %parallel_loop3A_138 = arith.addi %iota3A, %parallel_loop3A_137 : vector<16xi32>
        %parallel_loop3A_139 = arith.addi %parallel_loop3A_123, %parallel_loop3A_138 : vector<16xi32>
        %parallel_loop3A_140 = tpu.vector_load_idx %arg5[%parallel_loop3A_139] : memref<65536xf32, #tpu.memory_space<vmem>>[vector<16xi32>], vector<16xf32>,
        %parallel_loop3A_141 = arith.constant 16 : i32
        %parallel_loop3A_142 = arith.muli %parallel_loop3A_57, %parallel_loop3A_141 : i32
        %parallel_loop3A_143 = arith.constant 1 : i32
        %parallel_loop3A_144 = arith.addi %parallel_loop3A_142, %parallel_loop3A_143 : i32
        %parallel_loop3A_145 = arith.index_cast %parallel_loop3A_144 : i32 to index
        %parallel_loop3A_146 = arith.constant 16 : index
        %parallel_loop3A_147 = tpu.vector_load %arg8[%parallel_loop3A_145, %parallel_loop3A_146] {strides = array<i32>} : memref<128x64xf32, #tpu.memory_space<vmem>>, vector<16xf32>,
        tpu.vector_store %arg8[%parallel_loop3A_145, %parallel_loop3A_146], %parallel_loop3A_140 {strides = array<i32>} : memref<128x64xf32, #tpu.memory_space<vmem>>, vector<16xf32>,
        %parallel_loop3A_148 = arith.constant 32 : i32
        %parallel_loop3A_149 = vector.broadcast %parallel_loop3A_148 : i32 to vector<16xi32>
        %parallel_loop3A_150 = arith.addi %iota3A, %parallel_loop3A_149 : vector<16xi32>
        %parallel_loop3A_151 = arith.addi %parallel_loop3A_123, %parallel_loop3A_150 : vector<16xi32>
        %parallel_loop3A_152 = tpu.vector_load_idx %arg5[%parallel_loop3A_151] : memref<65536xf32, #tpu.memory_space<vmem>>[vector<16xi32>], vector<16xf32>,
        %parallel_loop3A_153 = arith.constant 16 : i32
        %parallel_loop3A_154 = arith.muli %parallel_loop3A_57, %parallel_loop3A_153 : i32
        %parallel_loop3A_155 = arith.constant 1 : i32
        %parallel_loop3A_156 = arith.addi %parallel_loop3A_154, %parallel_loop3A_155 : i32
        %parallel_loop3A_157 = arith.index_cast %parallel_loop3A_156 : i32 to index
        %parallel_loop3A_158 = arith.constant 32 : index
        %parallel_loop3A_159 = tpu.vector_load %arg8[%parallel_loop3A_157, %parallel_loop3A_158] {strides = array<i32>} : memref<128x64xf32, #tpu.memory_space<vmem>>, vector<16xf32>,
        tpu.vector_store %arg8[%parallel_loop3A_157, %parallel_loop3A_158], %parallel_loop3A_152 {strides = array<i32>} : memref<128x64xf32, #tpu.memory_space<vmem>>, vector<16xf32>,
        %parallel_loop3A_160 = arith.constant 48 : i32
        %parallel_loop3A_161 = vector.broadcast %parallel_loop3A_160 : i32 to vector<16xi32>
        %parallel_loop3A_162 = arith.addi %iota3A, %parallel_loop3A_161 : vector<16xi32>
        %parallel_loop3A_163 = arith.addi %parallel_loop3A_123, %parallel_loop3A_162 : vector<16xi32>
        %parallel_loop3A_164 = tpu.vector_load_idx %arg5[%parallel_loop3A_163] : memref<65536xf32, #tpu.memory_space<vmem>>[vector<16xi32>], vector<16xf32>,
        %parallel_loop3A_165 = arith.constant 16 : i32
        %parallel_loop3A_166 = arith.muli %parallel_loop3A_57, %parallel_loop3A_165 : i32
        %parallel_loop3A_167 = arith.constant 1 : i32
        %parallel_loop3A_168 = arith.addi %parallel_loop3A_166, %parallel_loop3A_167 : i32
        %parallel_loop3A_169 = arith.index_cast %parallel_loop3A_168 : i32 to index
        %parallel_loop3A_170 = arith.constant 48 : index
        %parallel_loop3A_171 = tpu.vector_load %arg8[%parallel_loop3A_169, %parallel_loop3A_170] {strides = array<i32>} : memref<128x64xf32, #tpu.memory_space<vmem>>, vector<16xf32>,
        tpu.vector_store %arg8[%parallel_loop3A_169, %parallel_loop3A_170], %parallel_loop3A_164 {strides = array<i32>} : memref<128x64xf32, #tpu.memory_space<vmem>>, vector<16xf32>,
        %parallel_loop3A_172 = arith.constant 2 : i32
        %parallel_loop3A_173 = vector.broadcast %parallel_loop3A_172 : i32 to vector<16x1xi32>
        %parallel_loop3A_174 = vector.shape_cast %parallel_loop3A_173 : vector<16x1xi32> to vector<16xi32>
        %parallel_loop3A_175 = tpu.dynamic_gather %parallel_loop3A_67[%parallel_loop3A_174] in [0] : vector<16xi32>, vector<16xi32> -> vector<16xi32>
        %parallel_loop3A_176 = arith.constant 0 : i32
        %parallel_loop3A_177 = vector.broadcast %parallel_loop3A_176 : i32 to vector<16xi32>
        %parallel_loop3A_178 = arith.addi %iota3A, %parallel_loop3A_177 : vector<16xi32>
        %parallel_loop3A_179 = arith.addi %parallel_loop3A_175, %parallel_loop3A_178 : vector<16xi32>
        %parallel_loop3A_180 = tpu.vector_load_idx %arg5[%parallel_loop3A_179] : memref<65536xf32, #tpu.memory_space<vmem>>[vector<16xi32>], vector<16xf32>,
        %parallel_loop3A_181 = arith.constant 16 : i32
        %parallel_loop3A_182 = arith.muli %parallel_loop3A_57, %parallel_loop3A_181 : i32
        %parallel_loop3A_183 = arith.constant 2 : i32
        %parallel_loop3A_184 = arith.addi %parallel_loop3A_182, %parallel_loop3A_183 : i32
        %parallel_loop3A_185 = arith.index_cast %parallel_loop3A_184 : i32 to index
        %parallel_loop3A_186 = arith.constant 0 : index
        %parallel_loop3A_187 = tpu.vector_load %arg8[%parallel_loop3A_185, %parallel_loop3A_186] {strides = array<i32>} : memref<128x64xf32, #tpu.memory_space<vmem>>, vector<16xf32>,
        tpu.vector_store %arg8[%parallel_loop3A_185, %parallel_loop3A_186], %parallel_loop3A_180 {strides = array<i32>} : memref<128x64xf32, #tpu.memory_space<vmem>>, vector<16xf32>,
        %parallel_loop3A_188 = arith.constant 16 : i32
        %parallel_loop3A_189 = vector.broadcast %parallel_loop3A_188 : i32 to vector<16xi32>
        %parallel_loop3A_190 = arith.addi %iota3A, %parallel_loop3A_189 : vector<16xi32>
        %parallel_loop3A_191 = arith.addi %parallel_loop3A_175, %parallel_loop3A_190 : vector<16xi32>
        %parallel_loop3A_192 = tpu.vector_load_idx %arg5[%parallel_loop3A_191] : memref<65536xf32, #tpu.memory_space<vmem>>[vector<16xi32>], vector<16xf32>,
        %parallel_loop3A_193 = arith.constant 16 : i32
        %parallel_loop3A_194 = arith.muli %parallel_loop3A_57, %parallel_loop3A_193 : i32
        %parallel_loop3A_195 = arith.constant 2 : i32
        %parallel_loop3A_196 = arith.addi %parallel_loop3A_194, %parallel_loop3A_195 : i32
        %parallel_loop3A_197 = arith.index_cast %parallel_loop3A_196 : i32 to index
        %parallel_loop3A_198 = arith.constant 16 : index
        %parallel_loop3A_199 = tpu.vector_load %arg8[%parallel_loop3A_197, %parallel_loop3A_198] {strides = array<i32>} : memref<128x64xf32, #tpu.memory_space<vmem>>, vector<16xf32>,
        tpu.vector_store %arg8[%parallel_loop3A_197, %parallel_loop3A_198], %parallel_loop3A_192 {strides = array<i32>} : memref<128x64xf32, #tpu.memory_space<vmem>>, vector<16xf32>,
        %parallel_loop3A_200 = arith.constant 32 : i32
        %parallel_loop3A_201 = vector.broadcast %parallel_loop3A_200 : i32 to vector<16xi32>
        %parallel_loop3A_202 = arith.addi %iota3A, %parallel_loop3A_201 : vector<16xi32>
        %parallel_loop3A_203 = arith.addi %parallel_loop3A_175, %parallel_loop3A_202 : vector<16xi32>
        %parallel_loop3A_204 = tpu.vector_load_idx %arg5[%parallel_loop3A_203] : memref<65536xf32, #tpu.memory_space<vmem>>[vector<16xi32>], vector<16xf32>,
        %parallel_loop3A_205 = arith.constant 16 : i32
        %parallel_loop3A_206 = arith.muli %parallel_loop3A_57, %parallel_loop3A_205 : i32
        %parallel_loop3A_207 = arith.constant 2 : i32
        %parallel_loop3A_208 = arith.addi %parallel_loop3A_206, %parallel_loop3A_207 : i32
        %parallel_loop3A_209 = arith.index_cast %parallel_loop3A_208 : i32 to index
        %parallel_loop3A_210 = arith.constant 32 : index
        %parallel_loop3A_211 = tpu.vector_load %arg8[%parallel_loop3A_209, %parallel_loop3A_210] {strides = array<i32>} : memref<128x64xf32, #tpu.memory_space<vmem>>, vector<16xf32>,
        tpu.vector_store %arg8[%parallel_loop3A_209, %parallel_loop3A_210], %parallel_loop3A_204 {strides = array<i32>} : memref<128x64xf32, #tpu.memory_space<vmem>>, vector<16xf32>,
        %parallel_loop3A_212 = arith.constant 48 : i32
        %parallel_loop3A_213 = vector.broadcast %parallel_loop3A_212 : i32 to vector<16xi32>
        %parallel_loop3A_214 = arith.addi %iota3A, %parallel_loop3A_213 : vector<16xi32>
        %parallel_loop3A_215 = arith.addi %parallel_loop3A_175, %parallel_loop3A_214 : vector<16xi32>
        %parallel_loop3A_216 = tpu.vector_load_idx %arg5[%parallel_loop3A_215] : memref<65536xf32, #tpu.memory_space<vmem>>[vector<16xi32>], vector<16xf32>,
        %parallel_loop3A_217 = arith.constant 16 : i32
        %parallel_loop3A_218 = arith.muli %parallel_loop3A_57, %parallel_loop3A_217 : i32
        %parallel_loop3A_219 = arith.constant 2 : i32
        %parallel_loop3A_220 = arith.addi %parallel_loop3A_218, %parallel_loop3A_219 : i32
        %parallel_loop3A_221 = arith.index_cast %parallel_loop3A_220 : i32 to index
        %parallel_loop3A_222 = arith.constant 48 : index
        %parallel_loop3A_223 = tpu.vector_load %arg8[%parallel_loop3A_221, %parallel_loop3A_222] {strides = array<i32>} : memref<128x64xf32, #tpu.memory_space<vmem>>, vector<16xf32>,
        tpu.vector_store %arg8[%parallel_loop3A_221, %parallel_loop3A_222], %parallel_loop3A_216 {strides = array<i32>} : memref<128x64xf32, #tpu.memory_space<vmem>>, vector<16xf32>,
        %parallel_loop3A_224 = arith.constant 3 : i32
        %parallel_loop3A_225 = vector.broadcast %parallel_loop3A_224 : i32 to vector<16x1xi32>
        %parallel_loop3A_226 = vector.shape_cast %parallel_loop3A_225 : vector<16x1xi32> to vector<16xi32>
        %parallel_loop3A_227 = tpu.dynamic_gather %parallel_loop3A_67[%parallel_loop3A_226] in [0] : vector<16xi32>, vector<16xi32> -> vector<16xi32>
        %parallel_loop3A_228 = arith.constant 0 : i32
        %parallel_loop3A_229 = vector.broadcast %parallel_loop3A_228 : i32 to vector<16xi32>
        %parallel_loop3A_230 = arith.addi %iota3A, %parallel_loop3A_229 : vector<16xi32>
        %parallel_loop3A_231 = arith.addi %parallel_loop3A_227, %parallel_loop3A_230 : vector<16xi32>
        %parallel_loop3A_232 = tpu.vector_load_idx %arg5[%parallel_loop3A_231] : memref<65536xf32, #tpu.memory_space<vmem>>[vector<16xi32>], vector<16xf32>,
        %parallel_loop3A_233 = arith.constant 16 : i32
        %parallel_loop3A_234 = arith.muli %parallel_loop3A_57, %parallel_loop3A_233 : i32
        %parallel_loop3A_235 = arith.constant 3 : i32
        %parallel_loop3A_236 = arith.addi %parallel_loop3A_234, %parallel_loop3A_235 : i32
        %parallel_loop3A_237 = arith.index_cast %parallel_loop3A_236 : i32 to index
        %parallel_loop3A_238 = arith.constant 0 : index
        %parallel_loop3A_239 = tpu.vector_load %arg8[%parallel_loop3A_237, %parallel_loop3A_238] {strides = array<i32>} : memref<128x64xf32, #tpu.memory_space<vmem>>, vector<16xf32>,
        tpu.vector_store %arg8[%parallel_loop3A_237, %parallel_loop3A_238], %parallel_loop3A_232 {strides = array<i32>} : memref<128x64xf32, #tpu.memory_space<vmem>>, vector<16xf32>,
        %parallel_loop3A_240 = arith.constant 16 : i32
        %parallel_loop3A_241 = vector.broadcast %parallel_loop3A_240 : i32 to vector<16xi32>
        %parallel_loop3A_242 = arith.addi %iota3A, %parallel_loop3A_241 : vector<16xi32>
        %parallel_loop3A_243 = arith.addi %parallel_loop3A_227, %parallel_loop3A_242 : vector<16xi32>
        %parallel_loop3A_244 = tpu.vector_load_idx %arg5[%parallel_loop3A_243] : memref<65536xf32, #tpu.memory_space<vmem>>[vector<16xi32>], vector<16xf32>,
        %parallel_loop3A_245 = arith.constant 16 : i32
        %parallel_loop3A_246 = arith.muli %parallel_loop3A_57, %parallel_loop3A_245 : i32
        %parallel_loop3A_247 = arith.constant 3 : i32
        %parallel_loop3A_248 = arith.addi %parallel_loop3A_246, %parallel_loop3A_247 : i32
        %parallel_loop3A_249 = arith.index_cast %parallel_loop3A_248 : i32 to index
        %parallel_loop3A_250 = arith.constant 16 : index
        %parallel_loop3A_251 = tpu.vector_load %arg8[%parallel_loop3A_249, %parallel_loop3A_250] {strides = array<i32>} : memref<128x64xf32, #tpu.memory_space<vmem>>, vector<16xf32>,
        tpu.vector_store %arg8[%parallel_loop3A_249, %parallel_loop3A_250], %parallel_loop3A_244 {strides = array<i32>} : memref<128x64xf32, #tpu.memory_space<vmem>>, vector<16xf32>,
        %parallel_loop3A_252 = arith.constant 32 : i32
        %parallel_loop3A_253 = vector.broadcast %parallel_loop3A_252 : i32 to vector<16xi32>
        %parallel_loop3A_254 = arith.addi %iota3A, %parallel_loop3A_253 : vector<16xi32>
        %parallel_loop3A_255 = arith.addi %parallel_loop3A_227, %parallel_loop3A_254 : vector<16xi32>
        %parallel_loop3A_256 = tpu.vector_load_idx %arg5[%parallel_loop3A_255] : memref<65536xf32, #tpu.memory_space<vmem>>[vector<16xi32>], vector<16xf32>,
        %parallel_loop3A_257 = arith.constant 16 : i32
        %parallel_loop3A_258 = arith.muli %parallel_loop3A_57, %parallel_loop3A_257 : i32
        %parallel_loop3A_259 = arith.constant 3 : i32
        %parallel_loop3A_260 = arith.addi %parallel_loop3A_258, %parallel_loop3A_259 : i32
        %parallel_loop3A_261 = arith.index_cast %parallel_loop3A_260 : i32 to index
        %parallel_loop3A_262 = arith.constant 32 : index
        %parallel_loop3A_263 = tpu.vector_load %arg8[%parallel_loop3A_261, %parallel_loop3A_262] {strides = array<i32>} : memref<128x64xf32, #tpu.memory_space<vmem>>, vector<16xf32>,
        tpu.vector_store %arg8[%parallel_loop3A_261, %parallel_loop3A_262], %parallel_loop3A_256 {strides = array<i32>} : memref<128x64xf32, #tpu.memory_space<vmem>>, vector<16xf32>,
        %parallel_loop3A_264 = arith.constant 48 : i32
        %parallel_loop3A_265 = vector.broadcast %parallel_loop3A_264 : i32 to vector<16xi32>
        %parallel_loop3A_266 = arith.addi %iota3A, %parallel_loop3A_265 : vector<16xi32>
        %parallel_loop3A_267 = arith.addi %parallel_loop3A_227, %parallel_loop3A_266 : vector<16xi32>
        %parallel_loop3A_268 = tpu.vector_load_idx %arg5[%parallel_loop3A_267] : memref<65536xf32, #tpu.memory_space<vmem>>[vector<16xi32>], vector<16xf32>,
        %parallel_loop3A_269 = arith.constant 16 : i32
        %parallel_loop3A_270 = arith.muli %parallel_loop3A_57, %parallel_loop3A_269 : i32
        %parallel_loop3A_271 = arith.constant 3 : i32
        %parallel_loop3A_272 = arith.addi %parallel_loop3A_270, %parallel_loop3A_271 : i32
        %parallel_loop3A_273 = arith.index_cast %parallel_loop3A_272 : i32 to index
        %parallel_loop3A_274 = arith.constant 48 : index
        %parallel_loop3A_275 = tpu.vector_load %arg8[%parallel_loop3A_273, %parallel_loop3A_274] {strides = array<i32>} : memref<128x64xf32, #tpu.memory_space<vmem>>, vector<16xf32>,
        tpu.vector_store %arg8[%parallel_loop3A_273, %parallel_loop3A_274], %parallel_loop3A_268 {strides = array<i32>} : memref<128x64xf32, #tpu.memory_space<vmem>>, vector<16xf32>,
        %parallel_loop3A_276 = arith.constant 4 : i32
        %parallel_loop3A_277 = vector.broadcast %parallel_loop3A_276 : i32 to vector<16x1xi32>
        %parallel_loop3A_278 = vector.shape_cast %parallel_loop3A_277 : vector<16x1xi32> to vector<16xi32>
        %parallel_loop3A_279 = tpu.dynamic_gather %parallel_loop3A_67[%parallel_loop3A_278] in [0] : vector<16xi32>, vector<16xi32> -> vector<16xi32>
        %parallel_loop3A_280 = arith.constant 0 : i32
        %parallel_loop3A_281 = vector.broadcast %parallel_loop3A_280 : i32 to vector<16xi32>
        %parallel_loop3A_282 = arith.addi %iota3A, %parallel_loop3A_281 : vector<16xi32>
        %parallel_loop3A_283 = arith.addi %parallel_loop3A_279, %parallel_loop3A_282 : vector<16xi32>
        %parallel_loop3A_284 = tpu.vector_load_idx %arg5[%parallel_loop3A_283] : memref<65536xf32, #tpu.memory_space<vmem>>[vector<16xi32>], vector<16xf32>,
        %parallel_loop3A_285 = arith.constant 16 : i32
        %parallel_loop3A_286 = arith.muli %parallel_loop3A_57, %parallel_loop3A_285 : i32
        %parallel_loop3A_287 = arith.constant 4 : i32
        %parallel_loop3A_288 = arith.addi %parallel_loop3A_286, %parallel_loop3A_287 : i32
        %parallel_loop3A_289 = arith.index_cast %parallel_loop3A_288 : i32 to index
        %parallel_loop3A_290 = arith.constant 0 : index
        %parallel_loop3A_291 = tpu.vector_load %arg8[%parallel_loop3A_289, %parallel_loop3A_290] {strides = array<i32>} : memref<128x64xf32, #tpu.memory_space<vmem>>, vector<16xf32>,
        tpu.vector_store %arg8[%parallel_loop3A_289, %parallel_loop3A_290], %parallel_loop3A_284 {strides = array<i32>} : memref<128x64xf32, #tpu.memory_space<vmem>>, vector<16xf32>,
        %parallel_loop3A_292 = arith.constant 16 : i32
        %parallel_loop3A_293 = vector.broadcast %parallel_loop3A_292 : i32 to vector<16xi32>
        %parallel_loop3A_294 = arith.addi %iota3A, %parallel_loop3A_293 : vector<16xi32>
        %parallel_loop3A_295 = arith.addi %parallel_loop3A_279, %parallel_loop3A_294 : vector<16xi32>
        %parallel_loop3A_296 = tpu.vector_load_idx %arg5[%parallel_loop3A_295] : memref<65536xf32, #tpu.memory_space<vmem>>[vector<16xi32>], vector<16xf32>,
        %parallel_loop3A_297 = arith.constant 16 : i32
        %parallel_loop3A_298 = arith.muli %parallel_loop3A_57, %parallel_loop3A_297 : i32
        %parallel_loop3A_299 = arith.constant 4 : i32
        %parallel_loop3A_300 = arith.addi %parallel_loop3A_298, %parallel_loop3A_299 : i32
        %parallel_loop3A_301 = arith.index_cast %parallel_loop3A_300 : i32 to index
        %parallel_loop3A_302 = arith.constant 16 : index
        %parallel_loop3A_303 = tpu.vector_load %arg8[%parallel_loop3A_301, %parallel_loop3A_302] {strides = array<i32>} : memref<128x64xf32, #tpu.memory_space<vmem>>, vector<16xf32>,
        tpu.vector_store %arg8[%parallel_loop3A_301, %parallel_loop3A_302], %parallel_loop3A_296 {strides = array<i32>} : memref<128x64xf32, #tpu.memory_space<vmem>>, vector<16xf32>,
        %parallel_loop3A_304 = arith.constant 32 : i32
        %parallel_loop3A_305 = vector.broadcast %parallel_loop3A_304 : i32 to vector<16xi32>
        %parallel_loop3A_306 = arith.addi %iota3A, %parallel_loop3A_305 : vector<16xi32>
        %parallel_loop3A_307 = arith.addi %parallel_loop3A_279, %parallel_loop3A_306 : vector<16xi32>
        %parallel_loop3A_308 = tpu.vector_load_idx %arg5[%parallel_loop3A_307] : memref<65536xf32, #tpu.memory_space<vmem>>[vector<16xi32>], vector<16xf32>,
        %parallel_loop3A_309 = arith.constant 16 : i32
        %parallel_loop3A_310 = arith.muli %parallel_loop3A_57, %parallel_loop3A_309 : i32
        %parallel_loop3A_311 = arith.constant 4 : i32
        %parallel_loop3A_312 = arith.addi %parallel_loop3A_310, %parallel_loop3A_311 : i32
        %parallel_loop3A_313 = arith.index_cast %parallel_loop3A_312 : i32 to index
        %parallel_loop3A_314 = arith.constant 32 : index
        %parallel_loop3A_315 = tpu.vector_load %arg8[%parallel_loop3A_313, %parallel_loop3A_314] {strides = array<i32>} : memref<128x64xf32, #tpu.memory_space<vmem>>, vector<16xf32>,
        tpu.vector_store %arg8[%parallel_loop3A_313, %parallel_loop3A_314], %parallel_loop3A_308 {strides = array<i32>} : memref<128x64xf32, #tpu.memory_space<vmem>>, vector<16xf32>,
        %parallel_loop3A_316 = arith.constant 48 : i32
        %parallel_loop3A_317 = vector.broadcast %parallel_loop3A_316 : i32 to vector<16xi32>
        %parallel_loop3A_318 = arith.addi %iota3A, %parallel_loop3A_317 : vector<16xi32>
        %parallel_loop3A_319 = arith.addi %parallel_loop3A_279, %parallel_loop3A_318 : vector<16xi32>
        %parallel_loop3A_320 = tpu.vector_load_idx %arg5[%parallel_loop3A_319] : memref<65536xf32, #tpu.memory_space<vmem>>[vector<16xi32>], vector<16xf32>,
        %parallel_loop3A_321 = arith.constant 16 : i32
        %parallel_loop3A_322 = arith.muli %parallel_loop3A_57, %parallel_loop3A_321 : i32
        %parallel_loop3A_323 = arith.constant 4 : i32
        %parallel_loop3A_324 = arith.addi %parallel_loop3A_322, %parallel_loop3A_323 : i32
        %parallel_loop3A_325 = arith.index_cast %parallel_loop3A_324 : i32 to index
        %parallel_loop3A_326 = arith.constant 48 : index
        %parallel_loop3A_327 = tpu.vector_load %arg8[%parallel_loop3A_325, %parallel_loop3A_326] {strides = array<i32>} : memref<128x64xf32, #tpu.memory_space<vmem>>, vector<16xf32>,
        tpu.vector_store %arg8[%parallel_loop3A_325, %parallel_loop3A_326], %parallel_loop3A_320 {strides = array<i32>} : memref<128x64xf32, #tpu.memory_space<vmem>>, vector<16xf32>,
        %parallel_loop3A_328 = arith.constant 5 : i32
        %parallel_loop3A_329 = vector.broadcast %parallel_loop3A_328 : i32 to vector<16x1xi32>
        %parallel_loop3A_330 = vector.shape_cast %parallel_loop3A_329 : vector<16x1xi32> to vector<16xi32>
        %parallel_loop3A_331 = tpu.dynamic_gather %parallel_loop3A_67[%parallel_loop3A_330] in [0] : vector<16xi32>, vector<16xi32> -> vector<16xi32>
        %parallel_loop3A_332 = arith.constant 0 : i32
        %parallel_loop3A_333 = vector.broadcast %parallel_loop3A_332 : i32 to vector<16xi32>
        %parallel_loop3A_334 = arith.addi %iota3A, %parallel_loop3A_333 : vector<16xi32>
        %parallel_loop3A_335 = arith.addi %parallel_loop3A_331, %parallel_loop3A_334 : vector<16xi32>
        %parallel_loop3A_336 = tpu.vector_load_idx %arg5[%parallel_loop3A_335] : memref<65536xf32, #tpu.memory_space<vmem>>[vector<16xi32>], vector<16xf32>,
        %parallel_loop3A_337 = arith.constant 16 : i32
        %parallel_loop3A_338 = arith.muli %parallel_loop3A_57, %parallel_loop3A_337 : i32
        %parallel_loop3A_339 = arith.constant 5 : i32
        %parallel_loop3A_340 = arith.addi %parallel_loop3A_338, %parallel_loop3A_339 : i32
        %parallel_loop3A_341 = arith.index_cast %parallel_loop3A_340 : i32 to index
        %parallel_loop3A_342 = arith.constant 0 : index
        %parallel_loop3A_343 = tpu.vector_load %arg8[%parallel_loop3A_341, %parallel_loop3A_342] {strides = array<i32>} : memref<128x64xf32, #tpu.memory_space<vmem>>, vector<16xf32>,
        tpu.vector_store %arg8[%parallel_loop3A_341, %parallel_loop3A_342], %parallel_loop3A_336 {strides = array<i32>} : memref<128x64xf32, #tpu.memory_space<vmem>>, vector<16xf32>,
        %parallel_loop3A_344 = arith.constant 16 : i32
        %parallel_loop3A_345 = vector.broadcast %parallel_loop3A_344 : i32 to vector<16xi32>
        %parallel_loop3A_346 = arith.addi %iota3A, %parallel_loop3A_345 : vector<16xi32>
        %parallel_loop3A_347 = arith.addi %parallel_loop3A_331, %parallel_loop3A_346 : vector<16xi32>
        %parallel_loop3A_348 = tpu.vector_load_idx %arg5[%parallel_loop3A_347] : memref<65536xf32, #tpu.memory_space<vmem>>[vector<16xi32>], vector<16xf32>,
        %parallel_loop3A_349 = arith.constant 16 : i32
        %parallel_loop3A_350 = arith.muli %parallel_loop3A_57, %parallel_loop3A_349 : i32
        %parallel_loop3A_351 = arith.constant 5 : i32
        %parallel_loop3A_352 = arith.addi %parallel_loop3A_350, %parallel_loop3A_351 : i32
        %parallel_loop3A_353 = arith.index_cast %parallel_loop3A_352 : i32 to index
        %parallel_loop3A_354 = arith.constant 16 : index
        %parallel_loop3A_355 = tpu.vector_load %arg8[%parallel_loop3A_353, %parallel_loop3A_354] {strides = array<i32>} : memref<128x64xf32, #tpu.memory_space<vmem>>, vector<16xf32>,
        tpu.vector_store %arg8[%parallel_loop3A_353, %parallel_loop3A_354], %parallel_loop3A_348 {strides = array<i32>} : memref<128x64xf32, #tpu.memory_space<vmem>>, vector<16xf32>,
        %parallel_loop3A_356 = arith.constant 32 : i32
        %parallel_loop3A_357 = vector.broadcast %parallel_loop3A_356 : i32 to vector<16xi32>
        %parallel_loop3A_358 = arith.addi %iota3A, %parallel_loop3A_357 : vector<16xi32>
        %parallel_loop3A_359 = arith.addi %parallel_loop3A_331, %parallel_loop3A_358 : vector<16xi32>
        %parallel_loop3A_360 = tpu.vector_load_idx %arg5[%parallel_loop3A_359] : memref<65536xf32, #tpu.memory_space<vmem>>[vector<16xi32>], vector<16xf32>,
        %parallel_loop3A_361 = arith.constant 16 : i32
        %parallel_loop3A_362 = arith.muli %parallel_loop3A_57, %parallel_loop3A_361 : i32
        %parallel_loop3A_363 = arith.constant 5 : i32
        %parallel_loop3A_364 = arith.addi %parallel_loop3A_362, %parallel_loop3A_363 : i32
        %parallel_loop3A_365 = arith.index_cast %parallel_loop3A_364 : i32 to index
        %parallel_loop3A_366 = arith.constant 32 : index
        %parallel_loop3A_367 = tpu.vector_load %arg8[%parallel_loop3A_365, %parallel_loop3A_366] {strides = array<i32>} : memref<128x64xf32, #tpu.memory_space<vmem>>, vector<16xf32>,
        tpu.vector_store %arg8[%parallel_loop3A_365, %parallel_loop3A_366], %parallel_loop3A_360 {strides = array<i32>} : memref<128x64xf32, #tpu.memory_space<vmem>>, vector<16xf32>,
        %parallel_loop3A_368 = arith.constant 48 : i32
        %parallel_loop3A_369 = vector.broadcast %parallel_loop3A_368 : i32 to vector<16xi32>
        %parallel_loop3A_370 = arith.addi %iota3A, %parallel_loop3A_369 : vector<16xi32>
        %parallel_loop3A_371 = arith.addi %parallel_loop3A_331, %parallel_loop3A_370 : vector<16xi32>
        %parallel_loop3A_372 = tpu.vector_load_idx %arg5[%parallel_loop3A_371] : memref<65536xf32, #tpu.memory_space<vmem>>[vector<16xi32>], vector<16xf32>,
        %parallel_loop3A_373 = arith.constant 16 : i32
        %parallel_loop3A_374 = arith.muli %parallel_loop3A_57, %parallel_loop3A_373 : i32
        %parallel_loop3A_375 = arith.constant 5 : i32
        %parallel_loop3A_376 = arith.addi %parallel_loop3A_374, %parallel_loop3A_375 : i32
        %parallel_loop3A_377 = arith.index_cast %parallel_loop3A_376 : i32 to index
        %parallel_loop3A_378 = arith.constant 48 : index
        %parallel_loop3A_379 = tpu.vector_load %arg8[%parallel_loop3A_377, %parallel_loop3A_378] {strides = array<i32>} : memref<128x64xf32, #tpu.memory_space<vmem>>, vector<16xf32>,
        tpu.vector_store %arg8[%parallel_loop3A_377, %parallel_loop3A_378], %parallel_loop3A_372 {strides = array<i32>} : memref<128x64xf32, #tpu.memory_space<vmem>>, vector<16xf32>,
        %parallel_loop3A_380 = arith.constant 6 : i32
        %parallel_loop3A_381 = vector.broadcast %parallel_loop3A_380 : i32 to vector<16x1xi32>
        %parallel_loop3A_382 = vector.shape_cast %parallel_loop3A_381 : vector<16x1xi32> to vector<16xi32>
        %parallel_loop3A_383 = tpu.dynamic_gather %parallel_loop3A_67[%parallel_loop3A_382] in [0] : vector<16xi32>, vector<16xi32> -> vector<16xi32>
        %parallel_loop3A_384 = arith.constant 0 : i32
        %parallel_loop3A_385 = vector.broadcast %parallel_loop3A_384 : i32 to vector<16xi32>
        %parallel_loop3A_386 = arith.addi %iota3A, %parallel_loop3A_385 : vector<16xi32>
        %parallel_loop3A_387 = arith.addi %parallel_loop3A_383, %parallel_loop3A_386 : vector<16xi32>
        %parallel_loop3A_388 = tpu.vector_load_idx %arg5[%parallel_loop3A_387] : memref<65536xf32, #tpu.memory_space<vmem>>[vector<16xi32>], vector<16xf32>,
        %parallel_loop3A_389 = arith.constant 16 : i32
        %parallel_loop3A_390 = arith.muli %parallel_loop3A_57, %parallel_loop3A_389 : i32
        %parallel_loop3A_391 = arith.constant 6 : i32
        %parallel_loop3A_392 = arith.addi %parallel_loop3A_390, %parallel_loop3A_391 : i32
        %parallel_loop3A_393 = arith.index_cast %parallel_loop3A_392 : i32 to index
        %parallel_loop3A_394 = arith.constant 0 : index
        %parallel_loop3A_395 = tpu.vector_load %arg8[%parallel_loop3A_393, %parallel_loop3A_394] {strides = array<i32>} : memref<128x64xf32, #tpu.memory_space<vmem>>, vector<16xf32>,
        tpu.vector_store %arg8[%parallel_loop3A_393, %parallel_loop3A_394], %parallel_loop3A_388 {strides = array<i32>} : memref<128x64xf32, #tpu.memory_space<vmem>>, vector<16xf32>,
        %parallel_loop3A_396 = arith.constant 16 : i32
        %parallel_loop3A_397 = vector.broadcast %parallel_loop3A_396 : i32 to vector<16xi32>
        %parallel_loop3A_398 = arith.addi %iota3A, %parallel_loop3A_397 : vector<16xi32>
        %parallel_loop3A_399 = arith.addi %parallel_loop3A_383, %parallel_loop3A_398 : vector<16xi32>
        %parallel_loop3A_400 = tpu.vector_load_idx %arg5[%parallel_loop3A_399] : memref<65536xf32, #tpu.memory_space<vmem>>[vector<16xi32>], vector<16xf32>,
        %parallel_loop3A_401 = arith.constant 16 : i32
        %parallel_loop3A_402 = arith.muli %parallel_loop3A_57, %parallel_loop3A_401 : i32
        %parallel_loop3A_403 = arith.constant 6 : i32
        %parallel_loop3A_404 = arith.addi %parallel_loop3A_402, %parallel_loop3A_403 : i32
        %parallel_loop3A_405 = arith.index_cast %parallel_loop3A_404 : i32 to index
        %parallel_loop3A_406 = arith.constant 16 : index
        %parallel_loop3A_407 = tpu.vector_load %arg8[%parallel_loop3A_405, %parallel_loop3A_406] {strides = array<i32>} : memref<128x64xf32, #tpu.memory_space<vmem>>, vector<16xf32>,
        tpu.vector_store %arg8[%parallel_loop3A_405, %parallel_loop3A_406], %parallel_loop3A_400 {strides = array<i32>} : memref<128x64xf32, #tpu.memory_space<vmem>>, vector<16xf32>,
        %parallel_loop3A_408 = arith.constant 32 : i32
        %parallel_loop3A_409 = vector.broadcast %parallel_loop3A_408 : i32 to vector<16xi32>
        %parallel_loop3A_410 = arith.addi %iota3A, %parallel_loop3A_409 : vector<16xi32>
        %parallel_loop3A_411 = arith.addi %parallel_loop3A_383, %parallel_loop3A_410 : vector<16xi32>
        %parallel_loop3A_412 = tpu.vector_load_idx %arg5[%parallel_loop3A_411] : memref<65536xf32, #tpu.memory_space<vmem>>[vector<16xi32>], vector<16xf32>,
        %parallel_loop3A_413 = arith.constant 16 : i32
        %parallel_loop3A_414 = arith.muli %parallel_loop3A_57, %parallel_loop3A_413 : i32
        %parallel_loop3A_415 = arith.constant 6 : i32
        %parallel_loop3A_416 = arith.addi %parallel_loop3A_414, %parallel_loop3A_415 : i32
        %parallel_loop3A_417 = arith.index_cast %parallel_loop3A_416 : i32 to index
        %parallel_loop3A_418 = arith.constant 32 : index
        %parallel_loop3A_419 = tpu.vector_load %arg8[%parallel_loop3A_417, %parallel_loop3A_418] {strides = array<i32>} : memref<128x64xf32, #tpu.memory_space<vmem>>, vector<16xf32>,
        tpu.vector_store %arg8[%parallel_loop3A_417, %parallel_loop3A_418], %parallel_loop3A_412 {strides = array<i32>} : memref<128x64xf32, #tpu.memory_space<vmem>>, vector<16xf32>,
        %parallel_loop3A_420 = arith.constant 48 : i32
        %parallel_loop3A_421 = vector.broadcast %parallel_loop3A_420 : i32 to vector<16xi32>
        %parallel_loop3A_422 = arith.addi %iota3A, %parallel_loop3A_421 : vector<16xi32>
        %parallel_loop3A_423 = arith.addi %parallel_loop3A_383, %parallel_loop3A_422 : vector<16xi32>
        %parallel_loop3A_424 = tpu.vector_load_idx %arg5[%parallel_loop3A_423] : memref<65536xf32, #tpu.memory_space<vmem>>[vector<16xi32>], vector<16xf32>,
        %parallel_loop3A_425 = arith.constant 16 : i32
        %parallel_loop3A_426 = arith.muli %parallel_loop3A_57, %parallel_loop3A_425 : i32
        %parallel_loop3A_427 = arith.constant 6 : i32
        %parallel_loop3A_428 = arith.addi %parallel_loop3A_426, %parallel_loop3A_427 : i32
        %parallel_loop3A_429 = arith.index_cast %parallel_loop3A_428 : i32 to index
        %parallel_loop3A_430 = arith.constant 48 : index
        %parallel_loop3A_431 = tpu.vector_load %arg8[%parallel_loop3A_429, %parallel_loop3A_430] {strides = array<i32>} : memref<128x64xf32, #tpu.memory_space<vmem>>, vector<16xf32>,
        tpu.vector_store %arg8[%parallel_loop3A_429, %parallel_loop3A_430], %parallel_loop3A_424 {strides = array<i32>} : memref<128x64xf32, #tpu.memory_space<vmem>>, vector<16xf32>,
        %parallel_loop3A_432 = arith.constant 7 : i32
        %parallel_loop3A_433 = vector.broadcast %parallel_loop3A_432 : i32 to vector<16x1xi32>
        %parallel_loop3A_434 = vector.shape_cast %parallel_loop3A_433 : vector<16x1xi32> to vector<16xi32>
        %parallel_loop3A_435 = tpu.dynamic_gather %parallel_loop3A_67[%parallel_loop3A_434] in [0] : vector<16xi32>, vector<16xi32> -> vector<16xi32>
        %parallel_loop3A_436 = arith.constant 0 : i32
        %parallel_loop3A_437 = vector.broadcast %parallel_loop3A_436 : i32 to vector<16xi32>
        %parallel_loop3A_438 = arith.addi %iota3A, %parallel_loop3A_437 : vector<16xi32>
        %parallel_loop3A_439 = arith.addi %parallel_loop3A_435, %parallel_loop3A_438 : vector<16xi32>
        %parallel_loop3A_440 = tpu.vector_load_idx %arg5[%parallel_loop3A_439] : memref<65536xf32, #tpu.memory_space<vmem>>[vector<16xi32>], vector<16xf32>,
        %parallel_loop3A_441 = arith.constant 16 : i32
        %parallel_loop3A_442 = arith.muli %parallel_loop3A_57, %parallel_loop3A_441 : i32
        %parallel_loop3A_443 = arith.constant 7 : i32
        %parallel_loop3A_444 = arith.addi %parallel_loop3A_442, %parallel_loop3A_443 : i32
        %parallel_loop3A_445 = arith.index_cast %parallel_loop3A_444 : i32 to index
        %parallel_loop3A_446 = arith.constant 0 : index
        %parallel_loop3A_447 = tpu.vector_load %arg8[%parallel_loop3A_445, %parallel_loop3A_446] {strides = array<i32>} : memref<128x64xf32, #tpu.memory_space<vmem>>, vector<16xf32>,
        tpu.vector_store %arg8[%parallel_loop3A_445, %parallel_loop3A_446], %parallel_loop3A_440 {strides = array<i32>} : memref<128x64xf32, #tpu.memory_space<vmem>>, vector<16xf32>,
        %parallel_loop3A_448 = arith.constant 16 : i32
        %parallel_loop3A_449 = vector.broadcast %parallel_loop3A_448 : i32 to vector<16xi32>
        %parallel_loop3A_450 = arith.addi %iota3A, %parallel_loop3A_449 : vector<16xi32>
        %parallel_loop3A_451 = arith.addi %parallel_loop3A_435, %parallel_loop3A_450 : vector<16xi32>
        %parallel_loop3A_452 = tpu.vector_load_idx %arg5[%parallel_loop3A_451] : memref<65536xf32, #tpu.memory_space<vmem>>[vector<16xi32>], vector<16xf32>,
        %parallel_loop3A_453 = arith.constant 16 : i32
        %parallel_loop3A_454 = arith.muli %parallel_loop3A_57, %parallel_loop3A_453 : i32
        %parallel_loop3A_455 = arith.constant 7 : i32
        %parallel_loop3A_456 = arith.addi %parallel_loop3A_454, %parallel_loop3A_455 : i32
        %parallel_loop3A_457 = arith.index_cast %parallel_loop3A_456 : i32 to index
        %parallel_loop3A_458 = arith.constant 16 : index
        %parallel_loop3A_459 = tpu.vector_load %arg8[%parallel_loop3A_457, %parallel_loop3A_458] {strides = array<i32>} : memref<128x64xf32, #tpu.memory_space<vmem>>, vector<16xf32>,
        tpu.vector_store %arg8[%parallel_loop3A_457, %parallel_loop3A_458], %parallel_loop3A_452 {strides = array<i32>} : memref<128x64xf32, #tpu.memory_space<vmem>>, vector<16xf32>,
        %parallel_loop3A_460 = arith.constant 32 : i32
        %parallel_loop3A_461 = vector.broadcast %parallel_loop3A_460 : i32 to vector<16xi32>
        %parallel_loop3A_462 = arith.addi %iota3A, %parallel_loop3A_461 : vector<16xi32>
        %parallel_loop3A_463 = arith.addi %parallel_loop3A_435, %parallel_loop3A_462 : vector<16xi32>
        %parallel_loop3A_464 = tpu.vector_load_idx %arg5[%parallel_loop3A_463] : memref<65536xf32, #tpu.memory_space<vmem>>[vector<16xi32>], vector<16xf32>,
        %parallel_loop3A_465 = arith.constant 16 : i32
        %parallel_loop3A_466 = arith.muli %parallel_loop3A_57, %parallel_loop3A_465 : i32
        %parallel_loop3A_467 = arith.constant 7 : i32
        %parallel_loop3A_468 = arith.addi %parallel_loop3A_466, %parallel_loop3A_467 : i32
        %parallel_loop3A_469 = arith.index_cast %parallel_loop3A_468 : i32 to index
        %parallel_loop3A_470 = arith.constant 32 : index
        %parallel_loop3A_471 = tpu.vector_load %arg8[%parallel_loop3A_469, %parallel_loop3A_470] {strides = array<i32>} : memref<128x64xf32, #tpu.memory_space<vmem>>, vector<16xf32>,
        tpu.vector_store %arg8[%parallel_loop3A_469, %parallel_loop3A_470], %parallel_loop3A_464 {strides = array<i32>} : memref<128x64xf32, #tpu.memory_space<vmem>>, vector<16xf32>,
        %parallel_loop3A_472 = arith.constant 48 : i32
        %parallel_loop3A_473 = vector.broadcast %parallel_loop3A_472 : i32 to vector<16xi32>
        %parallel_loop3A_474 = arith.addi %iota3A, %parallel_loop3A_473 : vector<16xi32>
        %parallel_loop3A_475 = arith.addi %parallel_loop3A_435, %parallel_loop3A_474 : vector<16xi32>
        %parallel_loop3A_476 = tpu.vector_load_idx %arg5[%parallel_loop3A_475] : memref<65536xf32, #tpu.memory_space<vmem>>[vector<16xi32>], vector<16xf32>,
        %parallel_loop3A_477 = arith.constant 16 : i32
        %parallel_loop3A_478 = arith.muli %parallel_loop3A_57, %parallel_loop3A_477 : i32
        %parallel_loop3A_479 = arith.constant 7 : i32
        %parallel_loop3A_480 = arith.addi %parallel_loop3A_478, %parallel_loop3A_479 : i32
        %parallel_loop3A_481 = arith.index_cast %parallel_loop3A_480 : i32 to index
        %parallel_loop3A_482 = arith.constant 48 : index
        %parallel_loop3A_483 = tpu.vector_load %arg8[%parallel_loop3A_481, %parallel_loop3A_482] {strides = array<i32>} : memref<128x64xf32, #tpu.memory_space<vmem>>, vector<16xf32>,
        tpu.vector_store %arg8[%parallel_loop3A_481, %parallel_loop3A_482], %parallel_loop3A_476 {strides = array<i32>} : memref<128x64xf32, #tpu.memory_space<vmem>>, vector<16xf32>,
        %parallel_loop3A_484 = arith.constant 8 : i32
        %parallel_loop3A_485 = vector.broadcast %parallel_loop3A_484 : i32 to vector<16x1xi32>
        %parallel_loop3A_486 = vector.shape_cast %parallel_loop3A_485 : vector<16x1xi32> to vector<16xi32>
        %parallel_loop3A_487 = tpu.dynamic_gather %parallel_loop3A_67[%parallel_loop3A_486] in [0] : vector<16xi32>, vector<16xi32> -> vector<16xi32>
        %parallel_loop3A_488 = arith.constant 0 : i32
        %parallel_loop3A_489 = vector.broadcast %parallel_loop3A_488 : i32 to vector<16xi32>
        %parallel_loop3A_490 = arith.addi %iota3A, %parallel_loop3A_489 : vector<16xi32>
        %parallel_loop3A_491 = arith.addi %parallel_loop3A_487, %parallel_loop3A_490 : vector<16xi32>
        %parallel_loop3A_492 = tpu.vector_load_idx %arg5[%parallel_loop3A_491] : memref<65536xf32, #tpu.memory_space<vmem>>[vector<16xi32>], vector<16xf32>,
        %parallel_loop3A_493 = arith.constant 16 : i32
        %parallel_loop3A_494 = arith.muli %parallel_loop3A_57, %parallel_loop3A_493 : i32
        %parallel_loop3A_495 = arith.constant 8 : i32
        %parallel_loop3A_496 = arith.addi %parallel_loop3A_494, %parallel_loop3A_495 : i32
        %parallel_loop3A_497 = arith.index_cast %parallel_loop3A_496 : i32 to index
        %parallel_loop3A_498 = arith.constant 0 : index
        %parallel_loop3A_499 = tpu.vector_load %arg8[%parallel_loop3A_497, %parallel_loop3A_498] {strides = array<i32>} : memref<128x64xf32, #tpu.memory_space<vmem>>, vector<16xf32>,
        tpu.vector_store %arg8[%parallel_loop3A_497, %parallel_loop3A_498], %parallel_loop3A_492 {strides = array<i32>} : memref<128x64xf32, #tpu.memory_space<vmem>>, vector<16xf32>,
        %parallel_loop3A_500 = arith.constant 16 : i32
        %parallel_loop3A_501 = vector.broadcast %parallel_loop3A_500 : i32 to vector<16xi32>
        %parallel_loop3A_502 = arith.addi %iota3A, %parallel_loop3A_501 : vector<16xi32>
        %parallel_loop3A_503 = arith.addi %parallel_loop3A_487, %parallel_loop3A_502 : vector<16xi32>
        %parallel_loop3A_504 = tpu.vector_load_idx %arg5[%parallel_loop3A_503] : memref<65536xf32, #tpu.memory_space<vmem>>[vector<16xi32>], vector<16xf32>,
        %parallel_loop3A_505 = arith.constant 16 : i32
        %parallel_loop3A_506 = arith.muli %parallel_loop3A_57, %parallel_loop3A_505 : i32
        %parallel_loop3A_507 = arith.constant 8 : i32
        %parallel_loop3A_508 = arith.addi %parallel_loop3A_506, %parallel_loop3A_507 : i32
        %parallel_loop3A_509 = arith.index_cast %parallel_loop3A_508 : i32 to index
        %parallel_loop3A_510 = arith.constant 16 : index
        %parallel_loop3A_511 = tpu.vector_load %arg8[%parallel_loop3A_509, %parallel_loop3A_510] {strides = array<i32>} : memref<128x64xf32, #tpu.memory_space<vmem>>, vector<16xf32>,
        tpu.vector_store %arg8[%parallel_loop3A_509, %parallel_loop3A_510], %parallel_loop3A_504 {strides = array<i32>} : memref<128x64xf32, #tpu.memory_space<vmem>>, vector<16xf32>,
        %parallel_loop3A_512 = arith.constant 32 : i32
        %parallel_loop3A_513 = vector.broadcast %parallel_loop3A_512 : i32 to vector<16xi32>
        %parallel_loop3A_514 = arith.addi %iota3A, %parallel_loop3A_513 : vector<16xi32>
        %parallel_loop3A_515 = arith.addi %parallel_loop3A_487, %parallel_loop3A_514 : vector<16xi32>
        %parallel_loop3A_516 = tpu.vector_load_idx %arg5[%parallel_loop3A_515] : memref<65536xf32, #tpu.memory_space<vmem>>[vector<16xi32>], vector<16xf32>,
        %parallel_loop3A_517 = arith.constant 16 : i32
        %parallel_loop3A_518 = arith.muli %parallel_loop3A_57, %parallel_loop3A_517 : i32
        %parallel_loop3A_519 = arith.constant 8 : i32
        %parallel_loop3A_520 = arith.addi %parallel_loop3A_518, %parallel_loop3A_519 : i32
        %parallel_loop3A_521 = arith.index_cast %parallel_loop3A_520 : i32 to index
        %parallel_loop3A_522 = arith.constant 32 : index
        %parallel_loop3A_523 = tpu.vector_load %arg8[%parallel_loop3A_521, %parallel_loop3A_522] {strides = array<i32>} : memref<128x64xf32, #tpu.memory_space<vmem>>, vector<16xf32>,
        tpu.vector_store %arg8[%parallel_loop3A_521, %parallel_loop3A_522], %parallel_loop3A_516 {strides = array<i32>} : memref<128x64xf32, #tpu.memory_space<vmem>>, vector<16xf32>,
        %parallel_loop3A_524 = arith.constant 48 : i32
        %parallel_loop3A_525 = vector.broadcast %parallel_loop3A_524 : i32 to vector<16xi32>
        %parallel_loop3A_526 = arith.addi %iota3A, %parallel_loop3A_525 : vector<16xi32>
        %parallel_loop3A_527 = arith.addi %parallel_loop3A_487, %parallel_loop3A_526 : vector<16xi32>
        %parallel_loop3A_528 = tpu.vector_load_idx %arg5[%parallel_loop3A_527] : memref<65536xf32, #tpu.memory_space<vmem>>[vector<16xi32>], vector<16xf32>,
        %parallel_loop3A_529 = arith.constant 16 : i32
        %parallel_loop3A_530 = arith.muli %parallel_loop3A_57, %parallel_loop3A_529 : i32
        %parallel_loop3A_531 = arith.constant 8 : i32
        %parallel_loop3A_532 = arith.addi %parallel_loop3A_530, %parallel_loop3A_531 : i32
        %parallel_loop3A_533 = arith.index_cast %parallel_loop3A_532 : i32 to index
        %parallel_loop3A_534 = arith.constant 48 : index
        %parallel_loop3A_535 = tpu.vector_load %arg8[%parallel_loop3A_533, %parallel_loop3A_534] {strides = array<i32>} : memref<128x64xf32, #tpu.memory_space<vmem>>, vector<16xf32>,
        tpu.vector_store %arg8[%parallel_loop3A_533, %parallel_loop3A_534], %parallel_loop3A_528 {strides = array<i32>} : memref<128x64xf32, #tpu.memory_space<vmem>>, vector<16xf32>,
        %parallel_loop3A_536 = arith.constant 9 : i32
        %parallel_loop3A_537 = vector.broadcast %parallel_loop3A_536 : i32 to vector<16x1xi32>
        %parallel_loop3A_538 = vector.shape_cast %parallel_loop3A_537 : vector<16x1xi32> to vector<16xi32>
        %parallel_loop3A_539 = tpu.dynamic_gather %parallel_loop3A_67[%parallel_loop3A_538] in [0] : vector<16xi32>, vector<16xi32> -> vector<16xi32>
        %parallel_loop3A_540 = arith.constant 0 : i32
        %parallel_loop3A_541 = vector.broadcast %parallel_loop3A_540 : i32 to vector<16xi32>
        %parallel_loop3A_542 = arith.addi %iota3A, %parallel_loop3A_541 : vector<16xi32>
        %parallel_loop3A_543 = arith.addi %parallel_loop3A_539, %parallel_loop3A_542 : vector<16xi32>
        %parallel_loop3A_544 = tpu.vector_load_idx %arg5[%parallel_loop3A_543] : memref<65536xf32, #tpu.memory_space<vmem>>[vector<16xi32>], vector<16xf32>,
        %parallel_loop3A_545 = arith.constant 16 : i32
        %parallel_loop3A_546 = arith.muli %parallel_loop3A_57, %parallel_loop3A_545 : i32
        %parallel_loop3A_547 = arith.constant 9 : i32
        %parallel_loop3A_548 = arith.addi %parallel_loop3A_546, %parallel_loop3A_547 : i32
        %parallel_loop3A_549 = arith.index_cast %parallel_loop3A_548 : i32 to index
        %parallel_loop3A_550 = arith.constant 0 : index
        %parallel_loop3A_551 = tpu.vector_load %arg8[%parallel_loop3A_549, %parallel_loop3A_550] {strides = array<i32>} : memref<128x64xf32, #tpu.memory_space<vmem>>, vector<16xf32>,
        tpu.vector_store %arg8[%parallel_loop3A_549, %parallel_loop3A_550], %parallel_loop3A_544 {strides = array<i32>} : memref<128x64xf32, #tpu.memory_space<vmem>>, vector<16xf32>,
        %parallel_loop3A_552 = arith.constant 16 : i32
        %parallel_loop3A_553 = vector.broadcast %parallel_loop3A_552 : i32 to vector<16xi32>
        %parallel_loop3A_554 = arith.addi %iota3A, %parallel_loop3A_553 : vector<16xi32>
        %parallel_loop3A_555 = arith.addi %parallel_loop3A_539, %parallel_loop3A_554 : vector<16xi32>
        %parallel_loop3A_556 = tpu.vector_load_idx %arg5[%parallel_loop3A_555] : memref<65536xf32, #tpu.memory_space<vmem>>[vector<16xi32>], vector<16xf32>,
        %parallel_loop3A_557 = arith.constant 16 : i32
        %parallel_loop3A_558 = arith.muli %parallel_loop3A_57, %parallel_loop3A_557 : i32
        %parallel_loop3A_559 = arith.constant 9 : i32
        %parallel_loop3A_560 = arith.addi %parallel_loop3A_558, %parallel_loop3A_559 : i32
        %parallel_loop3A_561 = arith.index_cast %parallel_loop3A_560 : i32 to index
        %parallel_loop3A_562 = arith.constant 16 : index
        %parallel_loop3A_563 = tpu.vector_load %arg8[%parallel_loop3A_561, %parallel_loop3A_562] {strides = array<i32>} : memref<128x64xf32, #tpu.memory_space<vmem>>, vector<16xf32>,
        tpu.vector_store %arg8[%parallel_loop3A_561, %parallel_loop3A_562], %parallel_loop3A_556 {strides = array<i32>} : memref<128x64xf32, #tpu.memory_space<vmem>>, vector<16xf32>,
        %parallel_loop3A_564 = arith.constant 32 : i32
        %parallel_loop3A_565 = vector.broadcast %parallel_loop3A_564 : i32 to vector<16xi32>
        %parallel_loop3A_566 = arith.addi %iota3A, %parallel_loop3A_565 : vector<16xi32>
        %parallel_loop3A_567 = arith.addi %parallel_loop3A_539, %parallel_loop3A_566 : vector<16xi32>
        %parallel_loop3A_568 = tpu.vector_load_idx %arg5[%parallel_loop3A_567] : memref<65536xf32, #tpu.memory_space<vmem>>[vector<16xi32>], vector<16xf32>,
        %parallel_loop3A_569 = arith.constant 16 : i32
        %parallel_loop3A_570 = arith.muli %parallel_loop3A_57, %parallel_loop3A_569 : i32
        %parallel_loop3A_571 = arith.constant 9 : i32
        %parallel_loop3A_572 = arith.addi %parallel_loop3A_570, %parallel_loop3A_571 : i32
        %parallel_loop3A_573 = arith.index_cast %parallel_loop3A_572 : i32 to index
        %parallel_loop3A_574 = arith.constant 32 : index
        %parallel_loop3A_575 = tpu.vector_load %arg8[%parallel_loop3A_573, %parallel_loop3A_574] {strides = array<i32>} : memref<128x64xf32, #tpu.memory_space<vmem>>, vector<16xf32>,
        tpu.vector_store %arg8[%parallel_loop3A_573, %parallel_loop3A_574], %parallel_loop3A_568 {strides = array<i32>} : memref<128x64xf32, #tpu.memory_space<vmem>>, vector<16xf32>,
        %parallel_loop3A_576 = arith.constant 48 : i32
        %parallel_loop3A_577 = vector.broadcast %parallel_loop3A_576 : i32 to vector<16xi32>
        %parallel_loop3A_578 = arith.addi %iota3A, %parallel_loop3A_577 : vector<16xi32>
        %parallel_loop3A_579 = arith.addi %parallel_loop3A_539, %parallel_loop3A_578 : vector<16xi32>
        %parallel_loop3A_580 = tpu.vector_load_idx %arg5[%parallel_loop3A_579] : memref<65536xf32, #tpu.memory_space<vmem>>[vector<16xi32>], vector<16xf32>,
        %parallel_loop3A_581 = arith.constant 16 : i32
        %parallel_loop3A_582 = arith.muli %parallel_loop3A_57, %parallel_loop3A_581 : i32
        %parallel_loop3A_583 = arith.constant 9 : i32
        %parallel_loop3A_584 = arith.addi %parallel_loop3A_582, %parallel_loop3A_583 : i32
        %parallel_loop3A_585 = arith.index_cast %parallel_loop3A_584 : i32 to index
        %parallel_loop3A_586 = arith.constant 48 : index
        %parallel_loop3A_587 = tpu.vector_load %arg8[%parallel_loop3A_585, %parallel_loop3A_586] {strides = array<i32>} : memref<128x64xf32, #tpu.memory_space<vmem>>, vector<16xf32>,
        tpu.vector_store %arg8[%parallel_loop3A_585, %parallel_loop3A_586], %parallel_loop3A_580 {strides = array<i32>} : memref<128x64xf32, #tpu.memory_space<vmem>>, vector<16xf32>,
        %parallel_loop3A_588 = arith.constant 10 : i32
        %parallel_loop3A_589 = vector.broadcast %parallel_loop3A_588 : i32 to vector<16x1xi32>
        %parallel_loop3A_590 = vector.shape_cast %parallel_loop3A_589 : vector<16x1xi32> to vector<16xi32>
        %parallel_loop3A_591 = tpu.dynamic_gather %parallel_loop3A_67[%parallel_loop3A_590] in [0] : vector<16xi32>, vector<16xi32> -> vector<16xi32>
        %parallel_loop3A_592 = arith.constant 0 : i32
        %parallel_loop3A_593 = vector.broadcast %parallel_loop3A_592 : i32 to vector<16xi32>
        %parallel_loop3A_594 = arith.addi %iota3A, %parallel_loop3A_593 : vector<16xi32>
        %parallel_loop3A_595 = arith.addi %parallel_loop3A_591, %parallel_loop3A_594 : vector<16xi32>
        %parallel_loop3A_596 = tpu.vector_load_idx %arg5[%parallel_loop3A_595] : memref<65536xf32, #tpu.memory_space<vmem>>[vector<16xi32>], vector<16xf32>,
        %parallel_loop3A_597 = arith.constant 16 : i32
        %parallel_loop3A_598 = arith.muli %parallel_loop3A_57, %parallel_loop3A_597 : i32
        %parallel_loop3A_599 = arith.constant 10 : i32
        %parallel_loop3A_600 = arith.addi %parallel_loop3A_598, %parallel_loop3A_599 : i32
        %parallel_loop3A_601 = arith.index_cast %parallel_loop3A_600 : i32 to index
        %parallel_loop3A_602 = arith.constant 0 : index
        %parallel_loop3A_603 = tpu.vector_load %arg8[%parallel_loop3A_601, %parallel_loop3A_602] {strides = array<i32>} : memref<128x64xf32, #tpu.memory_space<vmem>>, vector<16xf32>,
        tpu.vector_store %arg8[%parallel_loop3A_601, %parallel_loop3A_602], %parallel_loop3A_596 {strides = array<i32>} : memref<128x64xf32, #tpu.memory_space<vmem>>, vector<16xf32>,
        %parallel_loop3A_604 = arith.constant 16 : i32
        %parallel_loop3A_605 = vector.broadcast %parallel_loop3A_604 : i32 to vector<16xi32>
        %parallel_loop3A_606 = arith.addi %iota3A, %parallel_loop3A_605 : vector<16xi32>
        %parallel_loop3A_607 = arith.addi %parallel_loop3A_591, %parallel_loop3A_606 : vector<16xi32>
        %parallel_loop3A_608 = tpu.vector_load_idx %arg5[%parallel_loop3A_607] : memref<65536xf32, #tpu.memory_space<vmem>>[vector<16xi32>], vector<16xf32>,
        %parallel_loop3A_609 = arith.constant 16 : i32
        %parallel_loop3A_610 = arith.muli %parallel_loop3A_57, %parallel_loop3A_609 : i32
        %parallel_loop3A_611 = arith.constant 10 : i32
        %parallel_loop3A_612 = arith.addi %parallel_loop3A_610, %parallel_loop3A_611 : i32
        %parallel_loop3A_613 = arith.index_cast %parallel_loop3A_612 : i32 to index
        %parallel_loop3A_614 = arith.constant 16 : index
        %parallel_loop3A_615 = tpu.vector_load %arg8[%parallel_loop3A_613, %parallel_loop3A_614] {strides = array<i32>} : memref<128x64xf32, #tpu.memory_space<vmem>>, vector<16xf32>,
        tpu.vector_store %arg8[%parallel_loop3A_613, %parallel_loop3A_614], %parallel_loop3A_608 {strides = array<i32>} : memref<128x64xf32, #tpu.memory_space<vmem>>, vector<16xf32>,
        %parallel_loop3A_616 = arith.constant 32 : i32
        %parallel_loop3A_617 = vector.broadcast %parallel_loop3A_616 : i32 to vector<16xi32>
        %parallel_loop3A_618 = arith.addi %iota3A, %parallel_loop3A_617 : vector<16xi32>
        %parallel_loop3A_619 = arith.addi %parallel_loop3A_591, %parallel_loop3A_618 : vector<16xi32>
        %parallel_loop3A_620 = tpu.vector_load_idx %arg5[%parallel_loop3A_619] : memref<65536xf32, #tpu.memory_space<vmem>>[vector<16xi32>], vector<16xf32>,
        %parallel_loop3A_621 = arith.constant 16 : i32
        %parallel_loop3A_622 = arith.muli %parallel_loop3A_57, %parallel_loop3A_621 : i32
        %parallel_loop3A_623 = arith.constant 10 : i32
        %parallel_loop3A_624 = arith.addi %parallel_loop3A_622, %parallel_loop3A_623 : i32
        %parallel_loop3A_625 = arith.index_cast %parallel_loop3A_624 : i32 to index
        %parallel_loop3A_626 = arith.constant 32 : index
        %parallel_loop3A_627 = tpu.vector_load %arg8[%parallel_loop3A_625, %parallel_loop3A_626] {strides = array<i32>} : memref<128x64xf32, #tpu.memory_space<vmem>>, vector<16xf32>,
        tpu.vector_store %arg8[%parallel_loop3A_625, %parallel_loop3A_626], %parallel_loop3A_620 {strides = array<i32>} : memref<128x64xf32, #tpu.memory_space<vmem>>, vector<16xf32>,
        %parallel_loop3A_628 = arith.constant 48 : i32
        %parallel_loop3A_629 = vector.broadcast %parallel_loop3A_628 : i32 to vector<16xi32>
        %parallel_loop3A_630 = arith.addi %iota3A, %parallel_loop3A_629 : vector<16xi32>
        %parallel_loop3A_631 = arith.addi %parallel_loop3A_591, %parallel_loop3A_630 : vector<16xi32>
        %parallel_loop3A_632 = tpu.vector_load_idx %arg5[%parallel_loop3A_631] : memref<65536xf32, #tpu.memory_space<vmem>>[vector<16xi32>], vector<16xf32>,
        %parallel_loop3A_633 = arith.constant 16 : i32
        %parallel_loop3A_634 = arith.muli %parallel_loop3A_57, %parallel_loop3A_633 : i32
        %parallel_loop3A_635 = arith.constant 10 : i32
        %parallel_loop3A_636 = arith.addi %parallel_loop3A_634, %parallel_loop3A_635 : i32
        %parallel_loop3A_637 = arith.index_cast %parallel_loop3A_636 : i32 to index
        %parallel_loop3A_638 = arith.constant 48 : index
        %parallel_loop3A_639 = tpu.vector_load %arg8[%parallel_loop3A_637, %parallel_loop3A_638] {strides = array<i32>} : memref<128x64xf32, #tpu.memory_space<vmem>>, vector<16xf32>,
        tpu.vector_store %arg8[%parallel_loop3A_637, %parallel_loop3A_638], %parallel_loop3A_632 {strides = array<i32>} : memref<128x64xf32, #tpu.memory_space<vmem>>, vector<16xf32>,
        %parallel_loop3A_640 = arith.constant 11 : i32
        %parallel_loop3A_641 = vector.broadcast %parallel_loop3A_640 : i32 to vector<16x1xi32>
        %parallel_loop3A_642 = vector.shape_cast %parallel_loop3A_641 : vector<16x1xi32> to vector<16xi32>
        %parallel_loop3A_643 = tpu.dynamic_gather %parallel_loop3A_67[%parallel_loop3A_642] in [0] : vector<16xi32>, vector<16xi32> -> vector<16xi32>
        %parallel_loop3A_644 = arith.constant 0 : i32
        %parallel_loop3A_645 = vector.broadcast %parallel_loop3A_644 : i32 to vector<16xi32>
        %parallel_loop3A_646 = arith.addi %iota3A, %parallel_loop3A_645 : vector<16xi32>
        %parallel_loop3A_647 = arith.addi %parallel_loop3A_643, %parallel_loop3A_646 : vector<16xi32>
        %parallel_loop3A_648 = tpu.vector_load_idx %arg5[%parallel_loop3A_647] : memref<65536xf32, #tpu.memory_space<vmem>>[vector<16xi32>], vector<16xf32>,
        %parallel_loop3A_649 = arith.constant 16 : i32
        %parallel_loop3A_650 = arith.muli %parallel_loop3A_57, %parallel_loop3A_649 : i32
        %parallel_loop3A_651 = arith.constant 11 : i32
        %parallel_loop3A_652 = arith.addi %parallel_loop3A_650, %parallel_loop3A_651 : i32
        %parallel_loop3A_653 = arith.index_cast %parallel_loop3A_652 : i32 to index
        %parallel_loop3A_654 = arith.constant 0 : index
        %parallel_loop3A_655 = tpu.vector_load %arg8[%parallel_loop3A_653, %parallel_loop3A_654] {strides = array<i32>} : memref<128x64xf32, #tpu.memory_space<vmem>>, vector<16xf32>,
        tpu.vector_store %arg8[%parallel_loop3A_653, %parallel_loop3A_654], %parallel_loop3A_648 {strides = array<i32>} : memref<128x64xf32, #tpu.memory_space<vmem>>, vector<16xf32>,
        %parallel_loop3A_656 = arith.constant 16 : i32
        %parallel_loop3A_657 = vector.broadcast %parallel_loop3A_656 : i32 to vector<16xi32>
        %parallel_loop3A_658 = arith.addi %iota3A, %parallel_loop3A_657 : vector<16xi32>
        %parallel_loop3A_659 = arith.addi %parallel_loop3A_643, %parallel_loop3A_658 : vector<16xi32>
        %parallel_loop3A_660 = tpu.vector_load_idx %arg5[%parallel_loop3A_659] : memref<65536xf32, #tpu.memory_space<vmem>>[vector<16xi32>], vector<16xf32>,
        %parallel_loop3A_661 = arith.constant 16 : i32
        %parallel_loop3A_662 = arith.muli %parallel_loop3A_57, %parallel_loop3A_661 : i32
        %parallel_loop3A_663 = arith.constant 11 : i32
        %parallel_loop3A_664 = arith.addi %parallel_loop3A_662, %parallel_loop3A_663 : i32
        %parallel_loop3A_665 = arith.index_cast %parallel_loop3A_664 : i32 to index
        %parallel_loop3A_666 = arith.constant 16 : index
        %parallel_loop3A_667 = tpu.vector_load %arg8[%parallel_loop3A_665, %parallel_loop3A_666] {strides = array<i32>} : memref<128x64xf32, #tpu.memory_space<vmem>>, vector<16xf32>,
        tpu.vector_store %arg8[%parallel_loop3A_665, %parallel_loop3A_666], %parallel_loop3A_660 {strides = array<i32>} : memref<128x64xf32, #tpu.memory_space<vmem>>, vector<16xf32>,
        %parallel_loop3A_668 = arith.constant 32 : i32
        %parallel_loop3A_669 = vector.broadcast %parallel_loop3A_668 : i32 to vector<16xi32>
        %parallel_loop3A_670 = arith.addi %iota3A, %parallel_loop3A_669 : vector<16xi32>
        %parallel_loop3A_671 = arith.addi %parallel_loop3A_643, %parallel_loop3A_670 : vector<16xi32>
        %parallel_loop3A_672 = tpu.vector_load_idx %arg5[%parallel_loop3A_671] : memref<65536xf32, #tpu.memory_space<vmem>>[vector<16xi32>], vector<16xf32>,
        %parallel_loop3A_673 = arith.constant 16 : i32
        %parallel_loop3A_674 = arith.muli %parallel_loop3A_57, %parallel_loop3A_673 : i32
        %parallel_loop3A_675 = arith.constant 11 : i32
        %parallel_loop3A_676 = arith.addi %parallel_loop3A_674, %parallel_loop3A_675 : i32
        %parallel_loop3A_677 = arith.index_cast %parallel_loop3A_676 : i32 to index
        %parallel_loop3A_678 = arith.constant 32 : index
        %parallel_loop3A_679 = tpu.vector_load %arg8[%parallel_loop3A_677, %parallel_loop3A_678] {strides = array<i32>} : memref<128x64xf32, #tpu.memory_space<vmem>>, vector<16xf32>,
        tpu.vector_store %arg8[%parallel_loop3A_677, %parallel_loop3A_678], %parallel_loop3A_672 {strides = array<i32>} : memref<128x64xf32, #tpu.memory_space<vmem>>, vector<16xf32>,
        %parallel_loop3A_680 = arith.constant 48 : i32
        %parallel_loop3A_681 = vector.broadcast %parallel_loop3A_680 : i32 to vector<16xi32>
        %parallel_loop3A_682 = arith.addi %iota3A, %parallel_loop3A_681 : vector<16xi32>
        %parallel_loop3A_683 = arith.addi %parallel_loop3A_643, %parallel_loop3A_682 : vector<16xi32>
        %parallel_loop3A_684 = tpu.vector_load_idx %arg5[%parallel_loop3A_683] : memref<65536xf32, #tpu.memory_space<vmem>>[vector<16xi32>], vector<16xf32>,
        %parallel_loop3A_685 = arith.constant 16 : i32
        %parallel_loop3A_686 = arith.muli %parallel_loop3A_57, %parallel_loop3A_685 : i32
        %parallel_loop3A_687 = arith.constant 11 : i32
        %parallel_loop3A_688 = arith.addi %parallel_loop3A_686, %parallel_loop3A_687 : i32
        %parallel_loop3A_689 = arith.index_cast %parallel_loop3A_688 : i32 to index
        %parallel_loop3A_690 = arith.constant 48 : index
        %parallel_loop3A_691 = tpu.vector_load %arg8[%parallel_loop3A_689, %parallel_loop3A_690] {strides = array<i32>} : memref<128x64xf32, #tpu.memory_space<vmem>>, vector<16xf32>,
        tpu.vector_store %arg8[%parallel_loop3A_689, %parallel_loop3A_690], %parallel_loop3A_684 {strides = array<i32>} : memref<128x64xf32, #tpu.memory_space<vmem>>, vector<16xf32>,
        %parallel_loop3A_692 = arith.constant 12 : i32
        %parallel_loop3A_693 = vector.broadcast %parallel_loop3A_692 : i32 to vector<16x1xi32>
        %parallel_loop3A_694 = vector.shape_cast %parallel_loop3A_693 : vector<16x1xi32> to vector<16xi32>
        %parallel_loop3A_695 = tpu.dynamic_gather %parallel_loop3A_67[%parallel_loop3A_694] in [0] : vector<16xi32>, vector<16xi32> -> vector<16xi32>
        %parallel_loop3A_696 = arith.constant 0 : i32
        %parallel_loop3A_697 = vector.broadcast %parallel_loop3A_696 : i32 to vector<16xi32>
        %parallel_loop3A_698 = arith.addi %iota3A, %parallel_loop3A_697 : vector<16xi32>
        %parallel_loop3A_699 = arith.addi %parallel_loop3A_695, %parallel_loop3A_698 : vector<16xi32>
        %parallel_loop3A_700 = tpu.vector_load_idx %arg5[%parallel_loop3A_699] : memref<65536xf32, #tpu.memory_space<vmem>>[vector<16xi32>], vector<16xf32>,
        %parallel_loop3A_701 = arith.constant 16 : i32
        %parallel_loop3A_702 = arith.muli %parallel_loop3A_57, %parallel_loop3A_701 : i32
        %parallel_loop3A_703 = arith.constant 12 : i32
        %parallel_loop3A_704 = arith.addi %parallel_loop3A_702, %parallel_loop3A_703 : i32
        %parallel_loop3A_705 = arith.index_cast %parallel_loop3A_704 : i32 to index
        %parallel_loop3A_706 = arith.constant 0 : index
        %parallel_loop3A_707 = tpu.vector_load %arg8[%parallel_loop3A_705, %parallel_loop3A_706] {strides = array<i32>} : memref<128x64xf32, #tpu.memory_space<vmem>>, vector<16xf32>,
        tpu.vector_store %arg8[%parallel_loop3A_705, %parallel_loop3A_706], %parallel_loop3A_700 {strides = array<i32>} : memref<128x64xf32, #tpu.memory_space<vmem>>, vector<16xf32>,
        %parallel_loop3A_708 = arith.constant 16 : i32
        %parallel_loop3A_709 = vector.broadcast %parallel_loop3A_708 : i32 to vector<16xi32>
        %parallel_loop3A_710 = arith.addi %iota3A, %parallel_loop3A_709 : vector<16xi32>
        %parallel_loop3A_711 = arith.addi %parallel_loop3A_695, %parallel_loop3A_710 : vector<16xi32>
        %parallel_loop3A_712 = tpu.vector_load_idx %arg5[%parallel_loop3A_711] : memref<65536xf32, #tpu.memory_space<vmem>>[vector<16xi32>], vector<16xf32>,
        %parallel_loop3A_713 = arith.constant 16 : i32
        %parallel_loop3A_714 = arith.muli %parallel_loop3A_57, %parallel_loop3A_713 : i32
        %parallel_loop3A_715 = arith.constant 12 : i32
        %parallel_loop3A_716 = arith.addi %parallel_loop3A_714, %parallel_loop3A_715 : i32
        %parallel_loop3A_717 = arith.index_cast %parallel_loop3A_716 : i32 to index
        %parallel_loop3A_718 = arith.constant 16 : index
        %parallel_loop3A_719 = tpu.vector_load %arg8[%parallel_loop3A_717, %parallel_loop3A_718] {strides = array<i32>} : memref<128x64xf32, #tpu.memory_space<vmem>>, vector<16xf32>,
        tpu.vector_store %arg8[%parallel_loop3A_717, %parallel_loop3A_718], %parallel_loop3A_712 {strides = array<i32>} : memref<128x64xf32, #tpu.memory_space<vmem>>, vector<16xf32>,
        %parallel_loop3A_720 = arith.constant 32 : i32
        %parallel_loop3A_721 = vector.broadcast %parallel_loop3A_720 : i32 to vector<16xi32>
        %parallel_loop3A_722 = arith.addi %iota3A, %parallel_loop3A_721 : vector<16xi32>
        %parallel_loop3A_723 = arith.addi %parallel_loop3A_695, %parallel_loop3A_722 : vector<16xi32>
        %parallel_loop3A_724 = tpu.vector_load_idx %arg5[%parallel_loop3A_723] : memref<65536xf32, #tpu.memory_space<vmem>>[vector<16xi32>], vector<16xf32>,
        %parallel_loop3A_725 = arith.constant 16 : i32
        %parallel_loop3A_726 = arith.muli %parallel_loop3A_57, %parallel_loop3A_725 : i32
        %parallel_loop3A_727 = arith.constant 12 : i32
        %parallel_loop3A_728 = arith.addi %parallel_loop3A_726, %parallel_loop3A_727 : i32
        %parallel_loop3A_729 = arith.index_cast %parallel_loop3A_728 : i32 to index
        %parallel_loop3A_730 = arith.constant 32 : index
        %parallel_loop3A_731 = tpu.vector_load %arg8[%parallel_loop3A_729, %parallel_loop3A_730] {strides = array<i32>} : memref<128x64xf32, #tpu.memory_space<vmem>>, vector<16xf32>,
        tpu.vector_store %arg8[%parallel_loop3A_729, %parallel_loop3A_730], %parallel_loop3A_724 {strides = array<i32>} : memref<128x64xf32, #tpu.memory_space<vmem>>, vector<16xf32>,
        %parallel_loop3A_732 = arith.constant 48 : i32
        %parallel_loop3A_733 = vector.broadcast %parallel_loop3A_732 : i32 to vector<16xi32>
        %parallel_loop3A_734 = arith.addi %iota3A, %parallel_loop3A_733 : vector<16xi32>
        %parallel_loop3A_735 = arith.addi %parallel_loop3A_695, %parallel_loop3A_734 : vector<16xi32>
        %parallel_loop3A_736 = tpu.vector_load_idx %arg5[%parallel_loop3A_735] : memref<65536xf32, #tpu.memory_space<vmem>>[vector<16xi32>], vector<16xf32>,
        %parallel_loop3A_737 = arith.constant 16 : i32
        %parallel_loop3A_738 = arith.muli %parallel_loop3A_57, %parallel_loop3A_737 : i32
        %parallel_loop3A_739 = arith.constant 12 : i32
        %parallel_loop3A_740 = arith.addi %parallel_loop3A_738, %parallel_loop3A_739 : i32
        %parallel_loop3A_741 = arith.index_cast %parallel_loop3A_740 : i32 to index
        %parallel_loop3A_742 = arith.constant 48 : index
        %parallel_loop3A_743 = tpu.vector_load %arg8[%parallel_loop3A_741, %parallel_loop3A_742] {strides = array<i32>} : memref<128x64xf32, #tpu.memory_space<vmem>>, vector<16xf32>,
        tpu.vector_store %arg8[%parallel_loop3A_741, %parallel_loop3A_742], %parallel_loop3A_736 {strides = array<i32>} : memref<128x64xf32, #tpu.memory_space<vmem>>, vector<16xf32>,
        %parallel_loop3A_744 = arith.constant 13 : i32
        %parallel_loop3A_745 = vector.broadcast %parallel_loop3A_744 : i32 to vector<16x1xi32>
        %parallel_loop3A_746 = vector.shape_cast %parallel_loop3A_745 : vector<16x1xi32> to vector<16xi32>
        %parallel_loop3A_747 = tpu.dynamic_gather %parallel_loop3A_67[%parallel_loop3A_746] in [0] : vector<16xi32>, vector<16xi32> -> vector<16xi32>
        %parallel_loop3A_748 = arith.constant 0 : i32
        %parallel_loop3A_749 = vector.broadcast %parallel_loop3A_748 : i32 to vector<16xi32>
        %parallel_loop3A_750 = arith.addi %iota3A, %parallel_loop3A_749 : vector<16xi32>
        %parallel_loop3A_751 = arith.addi %parallel_loop3A_747, %parallel_loop3A_750 : vector<16xi32>
        %parallel_loop3A_752 = tpu.vector_load_idx %arg5[%parallel_loop3A_751] : memref<65536xf32, #tpu.memory_space<vmem>>[vector<16xi32>], vector<16xf32>,
        %parallel_loop3A_753 = arith.constant 16 : i32
        %parallel_loop3A_754 = arith.muli %parallel_loop3A_57, %parallel_loop3A_753 : i32
        %parallel_loop3A_755 = arith.constant 13 : i32
        %parallel_loop3A_756 = arith.addi %parallel_loop3A_754, %parallel_loop3A_755 : i32
        %parallel_loop3A_757 = arith.index_cast %parallel_loop3A_756 : i32 to index
        %parallel_loop3A_758 = arith.constant 0 : index
        %parallel_loop3A_759 = tpu.vector_load %arg8[%parallel_loop3A_757, %parallel_loop3A_758] {strides = array<i32>} : memref<128x64xf32, #tpu.memory_space<vmem>>, vector<16xf32>,
        tpu.vector_store %arg8[%parallel_loop3A_757, %parallel_loop3A_758], %parallel_loop3A_752 {strides = array<i32>} : memref<128x64xf32, #tpu.memory_space<vmem>>, vector<16xf32>,
        %parallel_loop3A_760 = arith.constant 16 : i32
        %parallel_loop3A_761 = vector.broadcast %parallel_loop3A_760 : i32 to vector<16xi32>
        %parallel_loop3A_762 = arith.addi %iota3A, %parallel_loop3A_761 : vector<16xi32>
        %parallel_loop3A_763 = arith.addi %parallel_loop3A_747, %parallel_loop3A_762 : vector<16xi32>
        %parallel_loop3A_764 = tpu.vector_load_idx %arg5[%parallel_loop3A_763] : memref<65536xf32, #tpu.memory_space<vmem>>[vector<16xi32>], vector<16xf32>,
        %parallel_loop3A_765 = arith.constant 16 : i32
        %parallel_loop3A_766 = arith.muli %parallel_loop3A_57, %parallel_loop3A_765 : i32
        %parallel_loop3A_767 = arith.constant 13 : i32
        %parallel_loop3A_768 = arith.addi %parallel_loop3A_766, %parallel_loop3A_767 : i32
        %parallel_loop3A_769 = arith.index_cast %parallel_loop3A_768 : i32 to index
        %parallel_loop3A_770 = arith.constant 16 : index
        %parallel_loop3A_771 = tpu.vector_load %arg8[%parallel_loop3A_769, %parallel_loop3A_770] {strides = array<i32>} : memref<128x64xf32, #tpu.memory_space<vmem>>, vector<16xf32>,
        tpu.vector_store %arg8[%parallel_loop3A_769, %parallel_loop3A_770], %parallel_loop3A_764 {strides = array<i32>} : memref<128x64xf32, #tpu.memory_space<vmem>>, vector<16xf32>,
        %parallel_loop3A_772 = arith.constant 32 : i32
        %parallel_loop3A_773 = vector.broadcast %parallel_loop3A_772 : i32 to vector<16xi32>
        %parallel_loop3A_774 = arith.addi %iota3A, %parallel_loop3A_773 : vector<16xi32>
        %parallel_loop3A_775 = arith.addi %parallel_loop3A_747, %parallel_loop3A_774 : vector<16xi32>
        %parallel_loop3A_776 = tpu.vector_load_idx %arg5[%parallel_loop3A_775] : memref<65536xf32, #tpu.memory_space<vmem>>[vector<16xi32>], vector<16xf32>,
        %parallel_loop3A_777 = arith.constant 16 : i32
        %parallel_loop3A_778 = arith.muli %parallel_loop3A_57, %parallel_loop3A_777 : i32
        %parallel_loop3A_779 = arith.constant 13 : i32
        %parallel_loop3A_780 = arith.addi %parallel_loop3A_778, %parallel_loop3A_779 : i32
        %parallel_loop3A_781 = arith.index_cast %parallel_loop3A_780 : i32 to index
        %parallel_loop3A_782 = arith.constant 32 : index
        %parallel_loop3A_783 = tpu.vector_load %arg8[%parallel_loop3A_781, %parallel_loop3A_782] {strides = array<i32>} : memref<128x64xf32, #tpu.memory_space<vmem>>, vector<16xf32>,
        tpu.vector_store %arg8[%parallel_loop3A_781, %parallel_loop3A_782], %parallel_loop3A_776 {strides = array<i32>} : memref<128x64xf32, #tpu.memory_space<vmem>>, vector<16xf32>,
        %parallel_loop3A_784 = arith.constant 48 : i32
        %parallel_loop3A_785 = vector.broadcast %parallel_loop3A_784 : i32 to vector<16xi32>
        %parallel_loop3A_786 = arith.addi %iota3A, %parallel_loop3A_785 : vector<16xi32>
        %parallel_loop3A_787 = arith.addi %parallel_loop3A_747, %parallel_loop3A_786 : vector<16xi32>
        %parallel_loop3A_788 = tpu.vector_load_idx %arg5[%parallel_loop3A_787] : memref<65536xf32, #tpu.memory_space<vmem>>[vector<16xi32>], vector<16xf32>,
        %parallel_loop3A_789 = arith.constant 16 : i32
        %parallel_loop3A_790 = arith.muli %parallel_loop3A_57, %parallel_loop3A_789 : i32
        %parallel_loop3A_791 = arith.constant 13 : i32
        %parallel_loop3A_792 = arith.addi %parallel_loop3A_790, %parallel_loop3A_791 : i32
        %parallel_loop3A_793 = arith.index_cast %parallel_loop3A_792 : i32 to index
        %parallel_loop3A_794 = arith.constant 48 : index
        %parallel_loop3A_795 = tpu.vector_load %arg8[%parallel_loop3A_793, %parallel_loop3A_794] {strides = array<i32>} : memref<128x64xf32, #tpu.memory_space<vmem>>, vector<16xf32>,
        tpu.vector_store %arg8[%parallel_loop3A_793, %parallel_loop3A_794], %parallel_loop3A_788 {strides = array<i32>} : memref<128x64xf32, #tpu.memory_space<vmem>>, vector<16xf32>,
        %parallel_loop3A_796 = arith.constant 14 : i32
        %parallel_loop3A_797 = vector.broadcast %parallel_loop3A_796 : i32 to vector<16x1xi32>
        %parallel_loop3A_798 = vector.shape_cast %parallel_loop3A_797 : vector<16x1xi32> to vector<16xi32>
        %parallel_loop3A_799 = tpu.dynamic_gather %parallel_loop3A_67[%parallel_loop3A_798] in [0] : vector<16xi32>, vector<16xi32> -> vector<16xi32>
        %parallel_loop3A_800 = arith.constant 0 : i32
        %parallel_loop3A_801 = vector.broadcast %parallel_loop3A_800 : i32 to vector<16xi32>
        %parallel_loop3A_802 = arith.addi %iota3A, %parallel_loop3A_801 : vector<16xi32>
        %parallel_loop3A_803 = arith.addi %parallel_loop3A_799, %parallel_loop3A_802 : vector<16xi32>
        %parallel_loop3A_804 = tpu.vector_load_idx %arg5[%parallel_loop3A_803] : memref<65536xf32, #tpu.memory_space<vmem>>[vector<16xi32>], vector<16xf32>,
        %parallel_loop3A_805 = arith.constant 16 : i32
        %parallel_loop3A_806 = arith.muli %parallel_loop3A_57, %parallel_loop3A_805 : i32
        %parallel_loop3A_807 = arith.constant 14 : i32
        %parallel_loop3A_808 = arith.addi %parallel_loop3A_806, %parallel_loop3A_807 : i32
        %parallel_loop3A_809 = arith.index_cast %parallel_loop3A_808 : i32 to index
        %parallel_loop3A_810 = arith.constant 0 : index
        %parallel_loop3A_811 = tpu.vector_load %arg8[%parallel_loop3A_809, %parallel_loop3A_810] {strides = array<i32>} : memref<128x64xf32, #tpu.memory_space<vmem>>, vector<16xf32>,
        tpu.vector_store %arg8[%parallel_loop3A_809, %parallel_loop3A_810], %parallel_loop3A_804 {strides = array<i32>} : memref<128x64xf32, #tpu.memory_space<vmem>>, vector<16xf32>,
        %parallel_loop3A_812 = arith.constant 16 : i32
        %parallel_loop3A_813 = vector.broadcast %parallel_loop3A_812 : i32 to vector<16xi32>
        %parallel_loop3A_814 = arith.addi %iota3A, %parallel_loop3A_813 : vector<16xi32>
        %parallel_loop3A_815 = arith.addi %parallel_loop3A_799, %parallel_loop3A_814 : vector<16xi32>
        %parallel_loop3A_816 = tpu.vector_load_idx %arg5[%parallel_loop3A_815] : memref<65536xf32, #tpu.memory_space<vmem>>[vector<16xi32>], vector<16xf32>,
        %parallel_loop3A_817 = arith.constant 16 : i32
        %parallel_loop3A_818 = arith.muli %parallel_loop3A_57, %parallel_loop3A_817 : i32
        %parallel_loop3A_819 = arith.constant 14 : i32
        %parallel_loop3A_820 = arith.addi %parallel_loop3A_818, %parallel_loop3A_819 : i32
        %parallel_loop3A_821 = arith.index_cast %parallel_loop3A_820 : i32 to index
        %parallel_loop3A_822 = arith.constant 16 : index
        %parallel_loop3A_823 = tpu.vector_load %arg8[%parallel_loop3A_821, %parallel_loop3A_822] {strides = array<i32>} : memref<128x64xf32, #tpu.memory_space<vmem>>, vector<16xf32>,
        tpu.vector_store %arg8[%parallel_loop3A_821, %parallel_loop3A_822], %parallel_loop3A_816 {strides = array<i32>} : memref<128x64xf32, #tpu.memory_space<vmem>>, vector<16xf32>,
        %parallel_loop3A_824 = arith.constant 32 : i32
        %parallel_loop3A_825 = vector.broadcast %parallel_loop3A_824 : i32 to vector<16xi32>
        %parallel_loop3A_826 = arith.addi %iota3A, %parallel_loop3A_825 : vector<16xi32>
        %parallel_loop3A_827 = arith.addi %parallel_loop3A_799, %parallel_loop3A_826 : vector<16xi32>
        %parallel_loop3A_828 = tpu.vector_load_idx %arg5[%parallel_loop3A_827] : memref<65536xf32, #tpu.memory_space<vmem>>[vector<16xi32>], vector<16xf32>,
        %parallel_loop3A_829 = arith.constant 16 : i32
        %parallel_loop3A_830 = arith.muli %parallel_loop3A_57, %parallel_loop3A_829 : i32
        %parallel_loop3A_831 = arith.constant 14 : i32
        %parallel_loop3A_832 = arith.addi %parallel_loop3A_830, %parallel_loop3A_831 : i32
        %parallel_loop3A_833 = arith.index_cast %parallel_loop3A_832 : i32 to index
        %parallel_loop3A_834 = arith.constant 32 : index
        %parallel_loop3A_835 = tpu.vector_load %arg8[%parallel_loop3A_833, %parallel_loop3A_834] {strides = array<i32>} : memref<128x64xf32, #tpu.memory_space<vmem>>, vector<16xf32>,
        tpu.vector_store %arg8[%parallel_loop3A_833, %parallel_loop3A_834], %parallel_loop3A_828 {strides = array<i32>} : memref<128x64xf32, #tpu.memory_space<vmem>>, vector<16xf32>,
        %parallel_loop3A_836 = arith.constant 48 : i32
        %parallel_loop3A_837 = vector.broadcast %parallel_loop3A_836 : i32 to vector<16xi32>
        %parallel_loop3A_838 = arith.addi %iota3A, %parallel_loop3A_837 : vector<16xi32>
        %parallel_loop3A_839 = arith.addi %parallel_loop3A_799, %parallel_loop3A_838 : vector<16xi32>
        %parallel_loop3A_840 = tpu.vector_load_idx %arg5[%parallel_loop3A_839] : memref<65536xf32, #tpu.memory_space<vmem>>[vector<16xi32>], vector<16xf32>,
        %parallel_loop3A_841 = arith.constant 16 : i32
        %parallel_loop3A_842 = arith.muli %parallel_loop3A_57, %parallel_loop3A_841 : i32
        %parallel_loop3A_843 = arith.constant 14 : i32
        %parallel_loop3A_844 = arith.addi %parallel_loop3A_842, %parallel_loop3A_843 : i32
        %parallel_loop3A_845 = arith.index_cast %parallel_loop3A_844 : i32 to index
        %parallel_loop3A_846 = arith.constant 48 : index
        %parallel_loop3A_847 = tpu.vector_load %arg8[%parallel_loop3A_845, %parallel_loop3A_846] {strides = array<i32>} : memref<128x64xf32, #tpu.memory_space<vmem>>, vector<16xf32>,
        tpu.vector_store %arg8[%parallel_loop3A_845, %parallel_loop3A_846], %parallel_loop3A_840 {strides = array<i32>} : memref<128x64xf32, #tpu.memory_space<vmem>>, vector<16xf32>,
        %parallel_loop3A_848 = arith.constant 15 : i32
        %parallel_loop3A_849 = vector.broadcast %parallel_loop3A_848 : i32 to vector<16x1xi32>
        %parallel_loop3A_850 = vector.shape_cast %parallel_loop3A_849 : vector<16x1xi32> to vector<16xi32>
        %parallel_loop3A_851 = tpu.dynamic_gather %parallel_loop3A_67[%parallel_loop3A_850] in [0] : vector<16xi32>, vector<16xi32> -> vector<16xi32>
        %parallel_loop3A_852 = arith.constant 0 : i32
        %parallel_loop3A_853 = vector.broadcast %parallel_loop3A_852 : i32 to vector<16xi32>
        %parallel_loop3A_854 = arith.addi %iota3A, %parallel_loop3A_853 : vector<16xi32>
        %parallel_loop3A_855 = arith.addi %parallel_loop3A_851, %parallel_loop3A_854 : vector<16xi32>
        %parallel_loop3A_856 = tpu.vector_load_idx %arg5[%parallel_loop3A_855] : memref<65536xf32, #tpu.memory_space<vmem>>[vector<16xi32>], vector<16xf32>,
        %parallel_loop3A_857 = arith.constant 16 : i32
        %parallel_loop3A_858 = arith.muli %parallel_loop3A_57, %parallel_loop3A_857 : i32
        %parallel_loop3A_859 = arith.constant 15 : i32
        %parallel_loop3A_860 = arith.addi %parallel_loop3A_858, %parallel_loop3A_859 : i32
        %parallel_loop3A_861 = arith.index_cast %parallel_loop3A_860 : i32 to index
        %parallel_loop3A_862 = arith.constant 0 : index
        %parallel_loop3A_863 = tpu.vector_load %arg8[%parallel_loop3A_861, %parallel_loop3A_862] {strides = array<i32>} : memref<128x64xf32, #tpu.memory_space<vmem>>, vector<16xf32>,
        tpu.vector_store %arg8[%parallel_loop3A_861, %parallel_loop3A_862], %parallel_loop3A_856 {strides = array<i32>} : memref<128x64xf32, #tpu.memory_space<vmem>>, vector<16xf32>,
        %parallel_loop3A_864 = arith.constant 16 : i32
        %parallel_loop3A_865 = vector.broadcast %parallel_loop3A_864 : i32 to vector<16xi32>
        %parallel_loop3A_866 = arith.addi %iota3A, %parallel_loop3A_865 : vector<16xi32>
        %parallel_loop3A_867 = arith.addi %parallel_loop3A_851, %parallel_loop3A_866 : vector<16xi32>
        %parallel_loop3A_868 = tpu.vector_load_idx %arg5[%parallel_loop3A_867] : memref<65536xf32, #tpu.memory_space<vmem>>[vector<16xi32>], vector<16xf32>,
        %parallel_loop3A_869 = arith.constant 16 : i32
        %parallel_loop3A_870 = arith.muli %parallel_loop3A_57, %parallel_loop3A_869 : i32
        %parallel_loop3A_871 = arith.constant 15 : i32
        %parallel_loop3A_872 = arith.addi %parallel_loop3A_870, %parallel_loop3A_871 : i32
        %parallel_loop3A_873 = arith.index_cast %parallel_loop3A_872 : i32 to index
        %parallel_loop3A_874 = arith.constant 16 : index
        %parallel_loop3A_875 = tpu.vector_load %arg8[%parallel_loop3A_873, %parallel_loop3A_874] {strides = array<i32>} : memref<128x64xf32, #tpu.memory_space<vmem>>, vector<16xf32>,
        tpu.vector_store %arg8[%parallel_loop3A_873, %parallel_loop3A_874], %parallel_loop3A_868 {strides = array<i32>} : memref<128x64xf32, #tpu.memory_space<vmem>>, vector<16xf32>,
        %parallel_loop3A_876 = arith.constant 32 : i32
        %parallel_loop3A_877 = vector.broadcast %parallel_loop3A_876 : i32 to vector<16xi32>
        %parallel_loop3A_878 = arith.addi %iota3A, %parallel_loop3A_877 : vector<16xi32>
        %parallel_loop3A_879 = arith.addi %parallel_loop3A_851, %parallel_loop3A_878 : vector<16xi32>
        %parallel_loop3A_880 = tpu.vector_load_idx %arg5[%parallel_loop3A_879] : memref<65536xf32, #tpu.memory_space<vmem>>[vector<16xi32>], vector<16xf32>,
        %parallel_loop3A_881 = arith.constant 16 : i32
        %parallel_loop3A_882 = arith.muli %parallel_loop3A_57, %parallel_loop3A_881 : i32
        %parallel_loop3A_883 = arith.constant 15 : i32
        %parallel_loop3A_884 = arith.addi %parallel_loop3A_882, %parallel_loop3A_883 : i32
        %parallel_loop3A_885 = arith.index_cast %parallel_loop3A_884 : i32 to index
        %parallel_loop3A_886 = arith.constant 32 : index
        %parallel_loop3A_887 = tpu.vector_load %arg8[%parallel_loop3A_885, %parallel_loop3A_886] {strides = array<i32>} : memref<128x64xf32, #tpu.memory_space<vmem>>, vector<16xf32>,
        tpu.vector_store %arg8[%parallel_loop3A_885, %parallel_loop3A_886], %parallel_loop3A_880 {strides = array<i32>} : memref<128x64xf32, #tpu.memory_space<vmem>>, vector<16xf32>,
        %parallel_loop3A_888 = arith.constant 48 : i32
        %parallel_loop3A_889 = vector.broadcast %parallel_loop3A_888 : i32 to vector<16xi32>
        %parallel_loop3A_890 = arith.addi %iota3A, %parallel_loop3A_889 : vector<16xi32>
        %parallel_loop3A_891 = arith.addi %parallel_loop3A_851, %parallel_loop3A_890 : vector<16xi32>
        %parallel_loop3A_892 = tpu.vector_load_idx %arg5[%parallel_loop3A_891] : memref<65536xf32, #tpu.memory_space<vmem>>[vector<16xi32>], vector<16xf32>,
        %parallel_loop3A_893 = arith.constant 16 : i32
        %parallel_loop3A_894 = arith.muli %parallel_loop3A_57, %parallel_loop3A_893 : i32
        %parallel_loop3A_895 = arith.constant 15 : i32
        %parallel_loop3A_896 = arith.addi %parallel_loop3A_894, %parallel_loop3A_895 : i32
        %parallel_loop3A_897 = arith.index_cast %parallel_loop3A_896 : i32 to index
        %parallel_loop3A_898 = arith.constant 48 : index
        %parallel_loop3A_899 = tpu.vector_load %arg8[%parallel_loop3A_897, %parallel_loop3A_898] {strides = array<i32>} : memref<128x64xf32, #tpu.memory_space<vmem>>, vector<16xf32>,
        tpu.vector_store %arg8[%parallel_loop3A_897, %parallel_loop3A_898], %parallel_loop3A_892 {strides = array<i32>} : memref<128x64xf32, #tpu.memory_space<vmem>>, vector<16xf32>,
      } {sc.loop_unroll_factor = 4 : i64, sc.parallel_access}
      %mul3A_46 = arith.constant 2 : i32
      %mul3A_47 = arith.muli %mul3A_46, %scan3A_19 : i32
      %add3A_48 = arith.constant 1 : i32
      %add3A_49 = arith.addi %mul3A_47, %add3A_48 : i32
      %mul3A_50 = arith.constant 128 : i32
      %mul3A_51 = arith.muli %add3A_49, %mul3A_50 : i32
      %add3A_52 = arith.addi %mul3A_2, %mul3A_51 : i32
      %dma_start3A_53 = arith.constant 0 : i32
      %dma_start3A_54 = tpu.memref_slice %arg4[%add3A_52, %dma_start3A_53] : memref<65536x64xf32, #tpu.memory_space<hbm>> -> memref<128x64xf32, #tpu.memory_space<hbm>>
      %dma_start3A_55 = arith.constant 0 : i32
      %dma_start3A_56 = tpu.memref_slice %arg4[%add3A_52, %dma_start3A_55] : memref<65536x64xf32, #tpu.memory_space<hbm>> -> memref<128x64xf32, #tpu.memory_space<hbm>>
      tpu.enqueue_dma source(%arg8 : memref<128x64xf32, #tpu.memory_space<vmem>>) target(%dma_start3A_56 : memref<128x64xf32, #tpu.memory_space<hbm>>) target_semaphore(%arg10 : memref<!tpu.dma_semaphore, #tpu.memory_space<semaphore_mem>>)
    }
    %scan3A_7 = arith.constant 8 : i32
    %add3A_8 = arith.constant 1792 : i32
    %add3A_9 = arith.addi %mul3A_2, %add3A_8 : i32
    %dma_wait3A = arith.constant 0 : i32
    %dma_wait3A_10 = tpu.memref_slice %arg4[%add3A_9, %dma_wait3A] : memref<65536x64xf32, #tpu.memory_space<hbm>> -> memref<128x64xf32, #tpu.memory_space<hbm>>
    %dma_wait3A_11 = arith.constant 0 : i32
    %dma_wait3A_12 = tpu.memref_slice %arg4[%add3A_9, %dma_wait3A_11] : memref<65536x64xf32, #tpu.memory_space<hbm>> -> memref<128x64xf32, #tpu.memory_space<hbm>>
    tpu.wait_dma2 semaphore(%arg9 : memref<!tpu.dma_semaphore, #tpu.memory_space<semaphore_mem>>) src(%arg7 : memref<128x64xf32, #tpu.memory_space<vmem>>) dst(%dma_wait3A_12 : memref<128x64xf32, #tpu.memory_space<hbm>>)
    %add3A_13 = arith.constant 1920 : i32
    %add3A_14 = arith.addi %mul3A_2, %add3A_13 : i32
    %dma_wait3A_15 = arith.constant 0 : i32
    %dma_wait3A_16 = tpu.memref_slice %arg4[%add3A_14, %dma_wait3A_15] : memref<65536x64xf32, #tpu.memory_space<hbm>> -> memref<128x64xf32, #tpu.memory_space<hbm>>
    %dma_wait3A_17 = arith.constant 0 : i32
    %dma_wait3A_18 = tpu.memref_slice %arg4[%add3A_14, %dma_wait3A_17] : memref<65536x64xf32, #tpu.memory_space<hbm>> -> memref<128x64xf32, #tpu.memory_space<hbm>>
    tpu.wait_dma2 semaphore(%arg10 : memref<!tpu.dma_semaphore, #tpu.memory_space<semaphore_mem>>) src(%arg8 : memref<128x64xf32, #tpu.memory_space<vmem>>) dst(%dma_wait3A_18 : memref<128x64xf32, #tpu.memory_space<hbm>>)
    return
  }
}

module attributes {stable_mosaic.version = 14 : i64} {
  func.func @_vq_idx_block(%arg0: i32, %arg1: memref<4096x64xf32, #tpu.memory_space<vmem>>, %arg2: memref<1024x64xf32, #tpu.memory_space<vmem>>, %arg3: memref<4096x1xf32, #tpu.memory_space<vmem>>, %arg4: memref<1x1024xf32, #tpu.memory_space<vmem>>, %arg5: memref<4096xi32, #tpu.memory_space<vmem>>, %arg6: memref<1x1xf32, #tpu.memory_space<vmem>>) attributes {dimension_semantics = [#tpu.dimension_semantics<arbitrary>], iteration_bounds = array<i64: 16>, scalar_prefetch = 0 : i64, scratch_operands = 0 : i64, tpu.core_type = #tpu.core_type<tc>, window_params = [{transform_indices = @transform_0, window_bounds = array<i64: 4096, 64>}, {pipeline_mode = #tpu.pipeline_mode<synchronous>, transform_indices = @transform_1, window_bounds = array<i64: 1024, 64>}, {transform_indices = @transform_2, window_bounds = array<i64: 4096, 1>}, {pipeline_mode = #tpu.pipeline_mode<synchronous>, transform_indices = @transform_3, window_bounds = array<i64: 1, 1024>}, {transform_indices = @transform_4, window_bounds = array<i64: 4096>}, {pipeline_mode = #tpu.pipeline_mode<synchronous>, transform_indices = @transform_5, window_bounds = array<i64: 1, 1>}]} {
    %get3A = arith.constant 0 : index
    %get3A_0 = arith.constant 0 : index
    %get3A_1 = vector.load %arg1[%get3A, %get3A_0] : memref<4096x64xf32, #tpu.memory_space<vmem>>, vector<4096x64xf32>
    %get3A_2 = arith.constant 0 : index
    %get3A_3 = arith.constant 0 : index
    %get3A_4 = vector.load %arg2[%get3A_2, %get3A_3] : memref<1024x64xf32, #tpu.memory_space<vmem>>, vector<1024x64xf32>
    %dot_general3A = arith.constant dense<0.000000e+00> : vector<4096x1024xf32>
    %dot_general3A_5 = tpu.matmul %get3A_1, %get3A_4, %dot_general3A {dimension_numbers = #tpu.dot_dimension_numbers<[1], [1], [0], [0], [0, 0, 1, 0], [], []>, transpose_lhs_hint = false} : vector<4096x64xf32>, vector<1024x64xf32>, vector<4096x1024xf32> -> vector<4096x1024xf32>
    %get3A_6 = arith.constant 0 : index
    %get3A_7 = arith.constant 0 : index
    %get3A_8 = vector.load %arg3[%get3A_6, %get3A_7] : memref<4096x1xf32, #tpu.memory_space<vmem>>, vector<4096x1xf32>
    %get3A_9 = arith.constant 0 : index
    %get3A_10 = arith.constant 0 : index
    %get3A_11 = vector.load %arg4[%get3A_9, %get3A_10] : memref<1x1024xf32, #tpu.memory_space<vmem>>, vector<1x1024xf32>
    %mul3A = arith.constant 2.000000e+00 : f32
    %mul3A_12 = vector.broadcast %mul3A : f32 to vector<4096x1024xf32>
    %mul3A_13 = arith.mulf %mul3A_12, %dot_general3A_5 : vector<4096x1024xf32>
    %sub3A = vector.broadcast %get3A_8 : vector<4096x1xf32> to vector<4096x1024xf32>
    %sub3A_14 = arith.subf %sub3A, %mul3A_13 : vector<4096x1024xf32>
    %add3A = vector.broadcast %get3A_11 : vector<1x1024xf32> to vector<4096x1024xf32>
    %add3A_15 = arith.addf %sub3A_14, %add3A : vector<4096x1024xf32>
    %reduce_min3A = arith.constant dense<0x7F800000> : vector<4096xf32>
    %reduce_min3A_16 = vector.multi_reduction <minimumf>, %add3A_15, %reduce_min3A [1] : vector<4096x1024xf32> to vector<4096xf32>
    %broadcast_in_dim3A = vector.shape_cast %reduce_min3A_16 : vector<4096xf32> to vector<4096x1xf32>
    %iota3A = tpu.iota {dimensions = array<i32: 1>} : vector<4096x1024xi32>
    %eq3A = vector.broadcast %broadcast_in_dim3A : vector<4096x1xf32> to vector<4096x1024xf32>
    %eq3A_17 = arith.cmpf oeq, %add3A_15, %eq3A : vector<4096x1024xf32>
    %jit3A = arith.constant 1024 : i32
    %broadcast_in_dim3A_18 = vector.broadcast %jit3A : i32 to vector<4096x1024xi32>
    %select_n3A = arith.select %eq3A_17, %iota3A, %broadcast_in_dim3A_18 : vector<4096x1024xi1>, vector<4096x1024xi32>
    %reduce_min3A_19 = arith.constant dense<2147483647> : vector<4096xi32>
    %reduce_min3A_20 = vector.multi_reduction <minsi>, %select_n3A, %reduce_min3A_19 [1] : vector<4096x1024xi32> to vector<4096xi32>
    %swap3A = arith.constant 0 : index
    %swap3A_21 = vector.load %arg5[%swap3A] : memref<4096xi32, #tpu.memory_space<vmem>>, vector<4096xi32>
    tpu.vector_store %arg5[%swap3A], %reduce_min3A_20 {strides = array<i32>} : memref<4096xi32, #tpu.memory_space<vmem>>, vector<4096xi32>,
    %eq3A_22 = arith.constant 0 : i32
    %eq3A_23 = arith.cmpi eq, %arg0, %eq3A_22 : i32
    %convert_element_type3A = arith.extui %eq3A_23 : i1 to i32
    %cond3A = arith.constant 0 : i32
    %cond3A_24 = arith.cmpi ne, %convert_element_type3A, %cond3A : i32
    scf.if %cond3A_24 {
      %broadcast_in_dim3A_36 = arith.constant 0.000000e+00 : f32
      %broadcast_in_dim3A_37 = vector.broadcast %broadcast_in_dim3A_36 : f32 to vector<1x1xf32>
      %swap3A_38 = arith.constant 0 : index
      %swap3A_39 = arith.constant 0 : index
      %swap3A_40 = vector.load %arg6[%swap3A_38, %swap3A_39] : memref<1x1xf32, #tpu.memory_space<vmem>>, vector<1x1xf32>
      tpu.vector_store %arg6[%swap3A_38, %swap3A_39], %broadcast_in_dim3A_37 {strides = array<i32>} : memref<1x1xf32, #tpu.memory_space<vmem>>, vector<1x1xf32>,
    } else {
    }
    %get3A_25 = arith.constant 0 : index
    %get3A_26 = arith.constant 0 : index
    %get3A_27 = vector.load %arg6[%get3A_25, %get3A_26] : memref<1x1xf32, #tpu.memory_space<vmem>>, vector<1x1xf32>
    %reduce_sum3A = vector.shape_cast %broadcast_in_dim3A : vector<4096x1xf32> to vector<1x4096x1xf32>
    %reduce_sum3A_28 = arith.constant dense<0.000000e+00> : vector<1xf32>
    %reduce_sum3A_29 = vector.multi_reduction <add>, %reduce_sum3A, %reduce_sum3A_28 [1, 2] : vector<1x4096x1xf32> to vector<1xf32>
    %reduce_sum3A_30 = vector.shape_cast %reduce_sum3A_29 : vector<1xf32> to vector<1x1x1xf32>
    %reduce_sum3A_31 = vector.extract %reduce_sum3A_30[0, 0, 0] : f32 from vector<1x1x1xf32>
    %reshape3A = vector.broadcast %reduce_sum3A_31 : f32 to vector<1x1xf32>
    %add3A_32 = arith.addf %get3A_27, %reshape3A : vector<1x1xf32>
    %swap3A_33 = arith.constant 0 : index
    %swap3A_34 = arith.constant 0 : index
    %swap3A_35 = vector.load %arg6[%swap3A_33, %swap3A_34] : memref<1x1xf32, #tpu.memory_space<vmem>>, vector<1x1xf32>
    tpu.vector_store %arg6[%swap3A_33, %swap3A_34], %add3A_32 {strides = array<i32>} : memref<1x1xf32, #tpu.memory_space<vmem>>, vector<1x1xf32>,
    return
  }
  func.func @transform_0(%arg0: i32) -> (i32, i32) {
    %c0_i32 = arith.constant 0 : i32
    %c0_i32_0 = arith.constant 0 : i32
    return %arg0, %c0_i32 : i32, i32
  }
  func.func @transform_1(%arg0: i32) -> (i32, i32) {
    %c0_i32 = arith.constant 0 : i32
    %c0_i32_0 = arith.constant 0 : i32
    %c0_i32_1 = arith.constant 0 : i32
    return %c0_i32, %c0_i32_0 : i32, i32
  }
  func.func @transform_2(%arg0: i32) -> (i32, i32) {
    %c0_i32 = arith.constant 0 : i32
    %c0_i32_0 = arith.constant 0 : i32
    return %arg0, %c0_i32 : i32, i32
  }
  func.func @transform_3(%arg0: i32) -> (i32, i32) {
    %c0_i32 = arith.constant 0 : i32
    %c0_i32_0 = arith.constant 0 : i32
    %c0_i32_1 = arith.constant 0 : i32
    return %c0_i32, %c0_i32_0 : i32, i32
  }
  func.func @transform_4(%arg0: i32) -> i32 {
    %c0_i32 = arith.constant 0 : i32
    return %arg0 : i32
  }
  func.func @transform_5(%arg0: i32) -> (i32, i32) {
    %c0_i32 = arith.constant 0 : i32
    %c0_i32_0 = arith.constant 0 : i32
    %c0_i32_1 = arith.constant 0 : i32
    return %c0_i32, %c0_i32_0 : i32, i32
  }
}

</mosaic_0001>

<sc_bundles>
// kernel: kernel.4.cloned.1.call-start
scs
__scs_entry_jumppad:
0x0: {  	(pc) =	sbr.rel $0x88, $3  }
0x1: {  	(tag) =	ssettag $0x0;
	lr =	simm.s32 $0x1  }
0x2: {  	[smem:$0x3F9F] =	sst lr;
	_ =	strace $0xD0000000  }
0x3: {  	_ = 	snop  }
0x4: {  	_ = 	snop  }
0x5: {  	_ = 	snop  }
0x6: {  	_ = 	snop  }
0x7: {  	_ = 	snop  }
__scs_overlays_trampoline_lowered:
0x8: {  	[smem:$0x3FAE] =	sst s0  }
0x9: {  	[smem:$0x3FAF] =	sst s1  }
0xa: {  	[smem:$0x3FB0] =	sst s2  }
0xb: {  	[smem:$0x3FB1] =	sst s3  }
0xc: {  	[smem:$0x3FB2] =	sst s4  }
0xd: {  	[smem:$0x3FB3] =	sst s5  }
0xe: {  	[smem:$0x3FB4] =	sst s6  }
0xf: {  	[smem:$0x3FB5] =	sst s7  }
0x10: {  	[smem:$0x3FB6] =	sst s8  }
0x11: {  	[smem:$0x3FB7] =	sst s9;
	s0 =	simm.s32 @!p0 $0x0  }
0x12: {  	s1 =	sld [smem:$0x3F9D];
	s0 =	simm.s32 @p0 $0x1  }
0x13: {  	[smem:$0x3FB8] =	sst s0;
	s0 =	simm.s32 @!p1 $0x0  }
0x14: {  	s2 =	sld [smem:$0x3F9C];
	s0 =	simm.s32 @p1 $0x1  }
0x15: {  	[smem:$0x3FB9] =	sst s0;
	s0 =	simm.s32 @!p2 $0x0  }
0x16: {  	s3 =	sld [smem:$0x3FDB];
	s0 =	simm.s32 @p2 $0x1  }
0x17: {  	s4 =	simm.s32 $0x1BF5;
	[smem:$0x3FBB] =	sst s0  }
0x18: {  	s0 =	sld [smem:$0x3F9E];
	_ =	swait.ge [sflag:s4], $0x0  }
0x19: {  	s7 =	sld [smem:$0x3F9F]  }
0x1a: {  	s8 =	sadd.s32 $0xFFFFE003, lr  }
0x1b: {  	s9 =	sadd.s32 $0xFFFFFEF7, lr;
	s5 =	simm.s32 $0xFFFFFFFF;
	p2 =	slt.u32 s8, $0xFFFFF086  }
0x1c: {  	p1 =	slt.u32 s9, $0xF7A;
	s5 =	simm.s32 @!p2 $0x0  }
0x1d: {  	s5 =	simm.s32 @p1 $0x1;
	p0 =	seq.s32 s7, s2  }
0x1e: {  	s7 =	smul.u32 @!p0 $0xF7A, s2;
	p2 =	seq.s32 @!p0 s5, $0x0  }
0x1f: {  	s9 =	smul.u32 $0xF7A, s1;
	s8 =	simm.s32 @!p0 $0x1BF5;
	p2 =	por !p2, p0  }
0x20: {  	[sflag:s8] =	ssyncset.s32 @!p0 $0xFFFFF086;
	s6 =	sadd.s32 @!p0 s3, s7;
	s7 =	simm.s32 @!p0 $0x108  }
0x21: {  	s3 =	sadd.s32 s3, s9;
	s6 =	sadd.s32 @!p0 $0x88, s6;
	s7 =	simm.s32 @p2 $0x1082  }
0x22: {  	[simem:s7], [sflag:s8] =	dma.local @!p0 [hbm:s6], $0xF7A  }
0x23: {  	s9 =	sor.u32 $0xD0000000, s2;
	s6 =	simm.s32 $0x108;
	_ =	swait.ge @!p0 [sflag:s8], $0x0  }
0x24: {  	s3 =	sadd.s32 $0x88, s3;
	s6 =	simm.s32 @!p1 $0x1082;
	[sflag:s4] =	ssyncset.s32 $0xFFFFF086  }
0x25: {  	[simem:s6], [sflag:s4] =	dma.local [hbm:s3], $0xF7A  }
0x26: {  	[smem:$0x3F9F] =	sst s1;
	(tag) =	ssettag s2;
	_ =	strace s9  }
0x27: {  	s1 =	sld [smem:$0x3FAF]  }
0x28: {  	s2 =	sld [smem:$0x3FB0]  }
0x29: {  	s4 =	sld [smem:$0x3FB2]  }
0x2a: {  	p0 =	seq.s32 s5, $0x0;
	s5 =	sld [smem:$0x3FB3]  }
0x2b: {  	s6 =	sld [smem:$0x3FB4]  }
0x2c: {  	s7 =	sld [smem:$0x3FB5]  }
0x2d: {  	s3 =	simm.s32 $0x108;
	s8 =	sld [smem:$0x3FB6]  }
0x2e: {  	s3 =	simm.s32 @!p0 $0x1082;
	s9 =	sld [smem:$0x3FB7]  }
0x2f: {  	lr =	sadd.s32 s0, s3;
	s0 =	sld [smem:$0x3FAE]  }
0x30: {  	s3 =	sld [smem:$0x3FB1]  }
0x31: {  	[smem:$0x3FBA] =	sst s10  }
0x32: {  	s10 =	sld [smem:$0x3FB8];
	_ =	sdelay $0x3  }
0x33: {  	p0 =	seq.s32 s10, $0x1;
	s10 =	sld [smem:$0x3FBA];
	_ =	sdelay $0x3  }
0x34: {  	[smem:$0x3FBA] =	sst s10  }
0x35: {  	s10 =	sld [smem:$0x3FB9];
	_ =	sdelay $0x3  }
0x36: {  	p1 =	seq.s32 s10, $0x1;
	s10 =	sld [smem:$0x3FBA];
	_ =	sdelay $0x3  }
0x37: {  	[smem:$0x3FBA] =	sst s10  }
0x38: {  	s10 =	sld [smem:$0x3FBB]  }
0x39: {  	_ = 	snop;
	(pc) =	sbr.ind lr, $3  }
0x3a: {  	_ = 	snop  }
0x3b: {  	_ = 	snop  }
0x3c: {  	p2 =	seq.s32 s10, $0x1;
	s10 =	sld [smem:$0x3FBA]  }
0x3d: {  	_ =	shalt  }
0x3e: {  	_ =	shalt  }
0x3f: {  	_ =	shalt  }
0x40: {  	_ =	shalt  }
0x41: {  	_ =	shalt  }
0x42: {  	_ =	shalt  }
0x43: {  	_ =	shalt  }
0x44: {  	_ =	shalt  }
0x45: {  	_ =	shalt  }
0x46: {  	_ =	shalt  }
0x47: {  	_ =	shalt  }
0x48: {  	_ =	shalt  }
0x49: {  	_ =	shalt  }
0x4a: {  	_ =	shalt  }
0x4b: {  	_ =	shalt  }
0x4c: {  	_ =	shalt  }
0x4d: {  	_ =	shalt  }
0x4e: {  	_ =	shalt  }
0x4f: {  	_ =	shalt  }
0x50: {  	_ =	shalt  }
0x51: {  	_ =	shalt  }
0x52: {  	_ =	shalt  }
0x53: {  	_ =	shalt  }
0x54: {  	_ =	shalt  }
0x55: {  	_ =	shalt  }
0x56: {  	_ =	shalt  }
0x57: {  	_ =	shalt  }
0x58: {  	_ =	shalt  }
0x59: {  	_ =	shalt  }
0x5a: {  	_ =	shalt  }
0x5b: {  	_ =	shalt  }
0x5c: {  	_ =	shalt  }
0x5d: {  	_ =	shalt  }
0x5e: {  	_ =	shalt  }
0x5f: {  	_ =	shalt  }
0x60: {  	_ =	shalt  }
0x61: {  	_ =	shalt  }
0x62: {  	_ =	shalt  }
0x63: {  	_ =	shalt  }
0x64: {  	_ =	shalt  }
0x65: {  	_ =	shalt  }
0x66: {  	_ =	shalt  }
0x67: {  	_ =	shalt  }
0x68: {  	_ =	shalt  }
0x69: {  	_ =	shalt  }
0x6a: {  	_ =	shalt  }
0x6b: {  	_ =	shalt  }
0x6c: {  	_ =	shalt  }
0x6d: {  	_ =	shalt  }
0x6e: {  	_ =	shalt  }
0x6f: {  	_ =	shalt  }
0x70: {  	_ =	shalt  }
0x71: {  	_ =	shalt  }
0x72: {  	_ =	shalt  }
0x73: {  	_ =	shalt  }
0x74: {  	_ =	shalt  }
0x75: {  	_ =	shalt  }
0x76: {  	_ =	shalt  }
0x77: {  	_ =	shalt  }
0x78: {  	_ =	shalt  }
0x79: {  	_ =	shalt  }
0x7a: {  	_ =	shalt  }
0x7b: {  	_ =	shalt  }
0x7c: {  	_ =	shalt  }
0x7d: {  	_ =	shalt  }
0x7e: {  	_ =	shalt  }
0x7f: {  	_ =	shalt  }
0x80: {  	_ =	shalt  }
0x81: {  	_ =	shalt  }
0x82: {  	_ =	shalt  }
0x83: {  	_ =	shalt  }
0x84: {  	_ =	shalt  }
0x85: {  	_ =	shalt  }
0x86: {  	_ =	shalt  }
0x87: {  	_ =	shalt  }
.Lfunc_end0:
.L_simem_size_0:
called_computation_lowered:
.L_overlay_start_0:
0x88: {  	s2 =	sld [smem:$0x3FD9]  }
0x89: {  	s3 =	sld [smem:$0x3FFE];
	_ =	sdelay $0x1  }
0x8a: {  	s1 =	srdreg.scid  }
0x8b: {  	s0 =	sand.u32 $0x1, s1  }
0x8c: {  	s14 =	sshll.u32 s0, $0xA;
	s2 =	sadd.s32 s3, s2  }
0x8d: {  	s2 =	sadd.s32 s2, s14  }
0x8e: {  	[smem:$0x3FC6] =	sst s2  }
0x8f: {  	_ = 	snop  }
0x90: {  	s2 =	sld [smem:$0x3FD0];
	_ =	sdelay $0x2  }
0x91: {  	s15 =	simm.s32 $0xA;
	s4 =	simm.s32 $0x10  }
0x92: {  	[smem:s4], [sflag:s15] =	dma.local [hbm:s2], $0x1  }
0x93: {  	_ =	swait.eq [sflag:s15], $0x1  }
0x94: {  	[sflag:s15] =	ssyncset.done $0x0  }
0x95: {  	s16 =	sld [smem:$0x10];
	[sflag:s15] =	ssyncadd.s32 $0xFFFFFFFF  }
0x96: {  	s17 =	sld [smem:$0x12];
	(tm) =	ssettm $0x1  }
0x97: {  	s18 =	sld [smem:$0x3FFB];
	_ =	sdelay $0x3  }
0x98: {  	_ =	strace s18  }
0x99: {  	s4 =	sld [smem:$0x3FFC];
	_ =	sdelay $0x3  }
0x9a: {  	_ =	strace s4  }
0x9b: {  	s4 =	sld [smem:$0x3FFD];
	_ =	sdelay $0x3  }
0x9c: {  	_ =	strace s4  }
0x9d: {  	_ =	strace $0x8FFFFFFF  }
0x9e: {  	s19 =	sld [smem:$0x3FDB];
	_ =	sdelay $0x1  }
0x9f: {  	s5 =	simm.s32 $_scs_section_size  }
0xa0: {  	s6 =	simm.s32 $_size__tile_overlayer_lowered;
	s7 =	simm.s32 $_tile_overlayer_lowered  }
0xa1: {  	s22 =	simm.s32 $0x1BFF;
	s21 =	sshll.u32 s7, $0x1;
	s4 =	sadd.s32 s5, s19  }
0xa2: {  	s8 =	simm.s32 $0x0;
	s20 =	sshll.u32 s6, $0x1;
	s6 =	sadd.s32 s21, s4  }
0xa3: {  	[timem:s8], [sflag:s22] =	dma.local [hbm:s6], s20  }
0xa4: {  	_ =	swait.ge [sflag:s22], s20  }
0xa5: {  	s5 =	ssub.s32 $0x0, s20;
	[sflag:s22] =	ssyncset.done $0x0  }
0xa6: {  	[sflag:s22] =	ssyncadd.s32 s5;
	_ =	sdelay $0x1  }
0xa7: {  	s23 =	simm.s32 $0x1B8B  }
0xa8: {  	_ =	swait.ge [sflag:s23], $0x1  }
0xa9: {  	[sflag:s23] =	ssyncset.done $0x0  }
0xaa: {  	s25 =	simm.s32 $0x1B8E;
	s24 =	sld [smem:$0x3FFE];
	[sflag:s23] =	ssyncadd.s32 $0xFFFFFFFF  }
0xab: {  	s26 =	simm.s32 $execute0_lowered;
	[smem:$0x3FD2] =	sst s25  }
0xac: {  	s6 =	sshll.u32 s26, $0x1;
	_ =	strace $0x80000046;
	[dreg:$0x1] =	wrdreg $0xFFFFFFFF  }
0xad: {  	s28 =	simm.s32 $_size_execute0_lowered;
	s4 =	sadd.s32 s4, s6;
	[dreg:$0x0] =	wrdreg $0x0  }
0xae: {  	s6 =	sshll.u32 s28, $0x1;
	[dreg:$0x2] =	wrdreg s4  }
0xaf: {  	[dreg:$0x3] =	wrdreg s6  }
0xb0: {  	[dreg:$0x4] =	wrdreg $0xC0  }
0xb1: {  	_ =	task [dreg:s8], $0x5FFFF  }
0xb2: {  	[dreg:$0x1] =	wrdreg $0xFFFFFFFF  }
0xb3: {  	[dreg:$0x0] =	wrdreg $0x60  }
0xb4: {  	[dreg:$0x2] =	wrdreg s16  }
0xb5: {  	[dreg:$0x3] =	wrdreg s17  }
0xb6: {  	[dreg:$0x4] =	wrdreg s24  }
0xb7: {  	[dreg:$0x5] =	wrdreg $0x9  }
0xb8: {  	_ =	task.clear_ibuf [dreg:s8], $0x6FFFF;
	_ =	strace $0x90000046  }
0xb9: {  	s29 =	simm.s32 $0x9;
	_ =	strace $0x80000048  }
0xba: {  	_ =	swait.ge [sflag:s29], $0x1  }
0xbb: {  	[sflag:s29] =	ssyncadd.s32 $0xFFFFFFFF  }
0xbc: {  	_ =	strace $0x90000048  }
0xbd: {  	_ =	sfence  }
0xbe: {  	s30 =	sld [smem:$0x0];
	_ =	sdelay $0x2  }
0xbf: {  	s31 =	sshll.u32 s1, $0xD;
	s1 =	sshrl.u32 s1, $0x2  }
0xc0: {  	s3 =	sand.u32 $0x4000, s31;
	s1 =	sadd.s32 s1, s30  }
0xc1: {  	s0 =	sor.u32 s3, s0;
	s1 =	sshll.u32 s1, $0x11  }
0xc2: {  	s0 =	sor.u32 s1, s0  }
0xc3: {  	s0 =	sadd.s32 $0x8F2B, s0  }
0xc4: {  	[sflag:s0] =	ssyncadd.remote.s32 $0x1  }
0xc5: {  	_ =	sfence.sel $0xFFFF  }
0xc6: {  	[dreg:$0x0] =	wrdreg $0xFFFFFFFF;
	(pc) =	sbr.abs _section_cstart, $3  }
0xc7: {  	[dreg:$0x1] =	wrdreg $0xFFFFFFFF  }
0xc8: {  	_ =	task.clear_ibuf [dreg:s8], $0x2FFFF;
	_ =	strace $0x9FFFFFFF  }
0xc9: {  	(tm) =	ssettm $0x7FFFFFFF  }
tec
execute0_lowered:
.L_overlay_start_1:
0x0: {  	(tag) =	ssettag $0x1  }
0x1: {  	s1 =	rddreg [dreg:$0x0]  }
0x2: {  	s4 =	rddreg [dreg:$0x1]  }
0x3: {  	s5 =	rddreg [dreg:$0x2];
	s3 =	srdreg.scid  }
0x4: {  	s0 =	rddreg [dreg:$0x3];
	s2 =	stileid.u32;
	s10 =	simm.s32 $0x14800  }
0x5: {  	v0 =	vimm.s32 $0x6;
	v1 =	vlaneseq.u32;
	s11 =	simm.s32 $0x1;
	s12 =	simm.s32 $0x2;
	s13 =	simm.s32 $0x0  }
0x6: {  	v2 =	vimm.s32 $0x0;
	v6 =	vimm.s32 $0x1;
	v7 =	vimm.s32 $0x2;
	s6 =	sand.u32 $0x1, s3;
	s3 =	simm.s32 $0x0;
	s7 =	sshll.u32 s2, $0xC  }
0x7: {  	v8 =	vimm.s32 $0x3;
	v9 =	vimm.s32 $0x4;
	v10 =	vimm.s32 $0x5;
	s8 =	sshll.u32 s6, $0xB;
	[smem:$0x7FF] =	sst s3;
	s6 =	ssub.s32 $0x2, s6  }
0x8: {  	v11 =	vimm.s32 $0x7;
	v12 =	vimm.s32 $0x8;
	v13 =	vimm.s32 $0x9;
	s7 =	sor.u32 s8, s7;
	_ =	strace $0x80000047;
	s31 =	sshrl.u32 s6, $0x1  }
0x9: {  	v14 =	vimm.s32 $0xA;
	v15 =	vimm.s32 $0xB;
	v16 =	vimm.s32 $0xC;
	s8 =	simm.s32 $0x10000;
	s9 =	sshrl.u32 s7, $0x3;
	s7 =	sshll.u32 s7, $0x4  }
0xa: {  	v17 =	vimm.s32 $0xD;
	v18 =	vimm.s32 $0xE;
	v19 =	vimm.s32 $0xF;
	s6 =	ssub.s32 s6, s31;
	s4 =	sadd.s32 s4, s9;
	s5 =	sadd.s32 s5, s7  }
0xb: {  	v3 =	vor.u32 $0x10, v1;
	v4 =	vor.u32 $0x20, v1;
	v5 =	vor.u32 $0x30, v1;
	s6 =	smax.u32 s6, $0x1;
	s7 =	simm.s32 $0x3;
	s9 =	simm.s32 $0x10800  }
.LBB2_1:
0xc: {  	[tilespmem:s3], [sflag:$0x3] =	stream.linear.gather [hbm4b:s1+s3], $0x10000, $0x38;
	[tilespmem:$0x18800] =	vst v63  }
0xd: {  	_ =	swait.ge [sflag:s7], $0x10000  }
0xe: {  	[sflag:s7] =	ssyncset.done $0x0  }
0xf: {  	[sflag:s7] =	ssyncadd.s32 $0xFFFF0000  }
0x10: {  	[tilespmem:s8], [sflag:$0x3] =	stream.linear.gather [hbm4b:s4+s3], $0x800, $0x38;
	[tilespmem:$0x18800] =	vst v63  }
0x11: {  	_ =	swait.ge [sflag:s7], $0x800  }
0x12: {  	[sflag:s7] =	ssyncset.done $0x0  }
0x13: {  	s14 =	simm.s32 $0x0;
	[sflag:s7] =	ssyncadd.s32 $0xFFFFF800  }
.LBB2_2:
0x14: {  	s16 =	sshll.u32 s14, $0x8  }
0x15: {  	p0 =	seq.s32 s14, $0x0;
	s16 =	sand.u32 $0x3FFFFF00, s16  }
0x16: {  	s15 =	simm.s32 @!p0 $0x1;
	s16 =	sadd.s32 $0x10000, s16  }
0x17: {  	_ =	swait.ge @!p0 [sflag:s15], $0x4000;
	v20 =	vmov s16  }
0x18: {  	[sflag:s15] =	ssyncset.done @!p0 $0x0  }
0x19: {  	p1 =	por $0x1, $0x1;
	[sflag:s15] =	ssyncadd.s32 @!p0 $0xFFFFC000;
	s15 =	simm.s32 $0x0  }
.LBB2_3:
0x1a: {  	s16 =	sshll.u32 s15, $0x4  }
0x1b: {  	s17 =	sand.u32 $0x3FFFFFF0, s16  }
0x1c: {  	v21 =	vld.idx.msk [tilespmem:v20+s17+$0x0 ss:$0x1], $0xffff;
	_ =	sdelay $0x4  }
0x1d: {  	v21 =	vshll.u32 v21, $0x6  }
0x1e: {  	v22 =	vperm.xlane v21, v2;
	_ =	sdelay $0x1  }
0x1f: {  	v23 =	vadd.s32 v1, v22;
	_ =	sdelay $0x4  }
0x20: {  	v23 =	vld.idx.msk [tilespmem:v23+s3+$0x0], $0xffff  }
0x21: {  	v24 =	vadd.s32 v3, v22;
	_ =	sdelay $0x1  }
0x22: {  	s30 =	sshll.u32 s15, $0xB  }
0x23: {  	s15 =	sand.u32 $0x3FFFF800, s30  }
0x24: {  	[tilespmem:s15+$0x10800] =	vst v23  }
0x25: {  	v23 =	vld.idx.msk [tilespmem:v24+s3+$0x0], $0xffff  }
0x26: {  	v31 =	vadd.s32 v4, v22;
	_ =	sdelay $0x3  }
0x27: {  	[tilespmem:s15+$0x10810] =	vst v23  }
0x28: {  	v23 =	vld.idx.msk [tilespmem:v31+s3+$0x0], $0xffff  }
0x29: {  	v22 =	vadd.s32 v5, v22;
	_ =	sdelay $0x3  }
0x2a: {  	[tilespmem:s15+$0x10820] =	vst v23;
	v23 =	vperm.xlane v21, v6  }
0x2b: {  	v22 =	vld.idx.msk [tilespmem:v22+s3+$0x0], $0xffff  }
0x2c: {  	v32 =	vadd.s32 v1, v23;
	_ =	sdelay $0x3  }
0x2d: {  	[tilespmem:s15+$0x10830] =	vst v22  }
0x2e: {  	v22 =	vld.idx.msk [tilespmem:v32+s3+$0x0], $0xffff  }
0x2f: {  	v33 =	vadd.s32 v3, v23;
	_ =	sdelay $0x3  }
0x30: {  	[tilespmem:s15+$0x10880] =	vst v22  }
0x31: {  	v22 =	vld.idx.msk [tilespmem:v33+s3+$0x0], $0xffff  }
0x32: {  	v34 =	vadd.s32 v4, v23;
	_ =	sdelay $0x3  }
0x33: {  	[tilespmem:s15+$0x10890] =	vst v22  }
0x34: {  	v22 =	vld.idx.msk [tilespmem:v34+s3+$0x0], $0xffff  }
0x35: {  	v23 =	vadd.s32 v5, v23;
	_ =	sdelay $0x3  }
0x36: {  	[tilespmem:s15+$0x108A0] =	vst v22  }
0x37: {  	v22 =	vld.idx.msk [tilespmem:v23+s3+$0x0], $0xffff;
	_ =	sdelay $0x4  }
0x38: {  	s31 =	sor.u32 $0x10, s16;
	[tilespmem:s15+$0x108B0] =	vst v22  }
0x39: {  	s18 =	sor.u32 $0x20, s16;
	v22 =	vld.idx.msk [tilespmem:v20+s31+$0x0 ss:$0x1], $0xffff  }
0x3a: {  	s16 =	sor.u32 $0x30, s16;
	v23 =	vld.idx.msk [tilespmem:v20+s18+$0x0 ss:$0x1], $0xffff  }
0x3b: {  	v25 =	vld.idx.msk [tilespmem:v20+s16+$0x0 ss:$0x1], $0xffff;
	_ =	sdelay $0x2  }
0x3c: {  	v24 =	vshll.u32 v22, $0x6  }
0x3d: {  	v23 =	vshll.u32 v23, $0x6;
	v26 =	vperm.xlane v24, v2  }
0x3e: {  	v22 =	vshll.u32 v25, $0x6;
	v27 =	vperm.xlane v23, v2  }
0x3f: {  	v28 =	vperm.xlane v22, v2;
	v35 =	vadd.s32 v1, v26  }
0x40: {  	v29 =	vadd.s32 v1, v27  }
0x41: {  	v30 =	vadd.s32 v1, v28;
	_ =	sdelay $0x2  }
0x42: {  	v25 =	vld.idx.msk [tilespmem:v35+s3+$0x0], $0xffff  }
0x43: {  	v31 =	vadd.s32 v3, v26;
	v29 =	vld.idx.msk [tilespmem:v29+s3+$0x0], $0xffff  }
0x44: {  	v32 =	vadd.s32 v3, v27;
	v30 =	vld.idx.msk [tilespmem:v30+s3+$0x0], $0xffff  }
0x45: {  	s17 =	sshll.u32 s31, $0x7;
	v33 =	vadd.s32 v3, v28  }
0x46: {  	s17 =	sand.u32 $0x3FFFF800, s17;
	s18 =	sshll.u32 s18, $0x7  }
0x47: {  	s16 =	sshll.u32 s16, $0x7;
	s18 =	sand.u32 $0x3FFFF800, s18;
	[tilespmem:s17+$0x10800] =	vst v25  }
0x48: {  	s16 =	sand.u32 $0x3FFFF800, s16;
	[tilespmem:s18+$0x10800] =	vst v29;
	v25 =	vld.idx.msk [tilespmem:v31+s3+$0x0], $0xffff  }
0x49: {  	v36 =	vadd.s32 v4, v26;
	[tilespmem:s16+$0x10800] =	vst v30;
	v37 =	vld.idx.msk [tilespmem:v32+s3+$0x0], $0xffff  }
0x4a: {  	v38 =	vadd.s32 v4, v27;
	v39 =	vld.idx.msk [tilespmem:v33+s3+$0x0], $0xffff  }
0x4b: {  	v40 =	vadd.s32 v4, v28;
	_ =	sdelay $0x1  }
0x4c: {  	[tilespmem:s17+$0x10810] =	vst v25  }
0x4d: {  	[tilespmem:s18+$0x10810] =	vst v37;
	v25 =	vld.idx.msk [tilespmem:v36+s3+$0x0], $0xffff  }
0x4e: {  	v26 =	vadd.s32 v5, v26;
	[tilespmem:s16+$0x10810] =	vst v39;
	v41 =	vld.idx.msk [tilespmem:v38+s3+$0x0], $0xffff  }
0x4f: {  	v27 =	vadd.s32 v5, v27;
	v42 =	vld.idx.msk [tilespmem:v40+s3+$0x0], $0xffff  }
0x50: {  	v28 =	vadd.s32 v5, v28;
	_ =	sdelay $0x1  }
0x51: {  	v43 =	vperm.xlane v24, v6;
	[tilespmem:s17+$0x10820] =	vst v25  }
0x52: {  	v44 =	vperm.xlane v23, v6;
	[tilespmem:s18+$0x10820] =	vst v41;
	v26 =	vld.idx.msk [tilespmem:v26+s3+$0x0], $0xffff  }
0x53: {  	v46 =	vperm.xlane v22, v6;
	v45 =	vadd.s32 v1, v43;
	[tilespmem:s16+$0x10820] =	vst v42;
	v27 =	vld.idx.msk [tilespmem:v27+s3+$0x0], $0xffff  }
0x54: {  	v47 =	vadd.s32 v1, v44;
	v28 =	vld.idx.msk [tilespmem:v28+s3+$0x0], $0xffff  }
0x55: {  	v48 =	vadd.s32 v1, v46;
	_ =	sdelay $0x1  }
0x56: {  	[tilespmem:s17+$0x10830] =	vst v26  }
0x57: {  	[tilespmem:s18+$0x10830] =	vst v27;
	v26 =	vld.idx.msk [tilespmem:v45+s3+$0x0], $0xffff  }
0x58: {  	v49 =	vadd.s32 v3, v43;
	[tilespmem:s16+$0x10830] =	vst v28;
	v50 =	vld.idx.msk [tilespmem:v47+s3+$0x0], $0xffff  }
0x59: {  	v51 =	vadd.s32 v3, v44;
	v52 =	vld.idx.msk [tilespmem:v48+s3+$0x0], $0xffff  }
0x5a: {  	v53 =	vadd.s32 v3, v46;
	_ =	sdelay $0x1  }
0x5b: {  	[tilespmem:s15+$0x11080] =	vst v26  }
0x5c: {  	[tilespmem:s15+$0x11880] =	vst v50;
	v26 =	vld.idx.msk [tilespmem:v49+s3+$0x0], $0xffff  }
0x5d: {  	v54 =	vadd.s32 v4, v43;
	[tilespmem:s15+$0x12080] =	vst v52;
	v28 =	vld.idx.msk [tilespmem:v51+s3+$0x0], $0xffff  }
0x5e: {  	v55 =	vadd.s32 v4, v44;
	v32 =	vld.idx.msk [tilespmem:v53+s3+$0x0], $0xffff  }
0x5f: {  	v56 =	vadd.s32 v4, v46;
	_ =	sdelay $0x1  }
0x60: {  	[tilespmem:s15+$0x11090] =	vst v26  }
0x61: {  	[tilespmem:s15+$0x11890] =	vst v28;
	v26 =	vld.idx.msk [tilespmem:v54+s3+$0x0], $0xffff  }
0x62: {  	v25 =	vadd.s32 v5, v43;
	[tilespmem:s15+$0x12090] =	vst v32;
	v57 =	vld.idx.msk [tilespmem:v55+s3+$0x0], $0xffff  }
0x63: {  	v58 =	vadd.s32 v5, v44;
	v59 =	vld.idx.msk [tilespmem:v56+s3+$0x0], $0xffff  }
0x64: {  	v30 =	vadd.s32 v5, v46  }
0x65: {  	v60 =	vperm.xlane v21, v7  }
0x66: {  	v61 =	vperm.xlane v24, v7;
	[tilespmem:s15+$0x110A0] =	vst v26  }
0x67: {  	v62 =	vadd.s32 v1, v60;
	v63 =	vperm.xlane v23, v7;
	[tilespmem:s15+$0x118A0] =	vst v57;
	v25 =	vld.idx.msk [tilespmem:v25+s3+$0x0], $0xffff  }
0x68: {  	v40 =	vadd.s32 v1, v61;
	v41 =	vperm.xlane v22, v7;
	[tilespmem:s15+$0x120A0] =	vst v59;
	v28 =	vld.idx.msk [tilespmem:v58+s3+$0x0], $0xffff  }
0x69: {  	v34 =	vadd.s32 v1, v63;
	v30 =	vld.idx.msk [tilespmem:v30+s3+$0x0], $0xffff  }
0x6a: {  	v35 =	vadd.s32 v1, v41;
	_ =	sdelay $0x1  }
0x6b: {  	v32 =	vld.idx.msk [tilespmem:v62+s3+$0x0], $0xffff;
	[tilespmem:s15+$0x110B0] =	vst v25  }
0x6c: {  	v42 =	vadd.s32 v3, v60;
	[tilespmem:s15+$0x118B0] =	vst v28;
	v33 =	vld.idx.msk [tilespmem:v40+s3+$0x0], $0xffff  }
0x6d: {  	v43 =	vadd.s32 v3, v61;
	[tilespmem:s15+$0x120B0] =	vst v30;
	v34 =	vld.idx.msk [tilespmem:v34+s3+$0x0], $0xffff  }
0x6e: {  	v44 =	vadd.s32 v3, v63;
	v35 =	vld.idx.msk [tilespmem:v35+s3+$0x0], $0xffff  }
0x6f: {  	v36 =	vadd.s32 v3, v41  }
0x70: {  	[tilespmem:s15+$0x10900] =	vst v32  }
0x71: {  	v25 =	vld.idx.msk [tilespmem:v42+s3+$0x0], $0xffff;
	[tilespmem:s15+$0x11100] =	vst v33  }
0x72: {  	v45 =	vadd.s32 v4, v60;
	[tilespmem:s15+$0x11900] =	vst v34;
	v28 =	vld.idx.msk [tilespmem:v43+s3+$0x0], $0xffff  }
0x73: {  	v46 =	vadd.s32 v4, v61;
	[tilespmem:s15+$0x12100] =	vst v35;
	v30 =	vld.idx.msk [tilespmem:v44+s3+$0x0], $0xffff  }
0x74: {  	v47 =	vadd.s32 v4, v63;
	v35 =	vld.idx.msk [tilespmem:v36+s3+$0x0], $0xffff  }
0x75: {  	v48 =	vadd.s32 v4, v41  }
0x76: {  	[tilespmem:s15+$0x10910] =	vst v25  }
0x77: {  	v25 =	vld.idx.msk [tilespmem:v45+s3+$0x0], $0xffff;
	[tilespmem:s15+$0x11110] =	vst v28  }
0x78: {  	v49 =	vadd.s32 v5, v60;
	[tilespmem:s15+$0x11910] =	vst v30;
	v50 =	vld.idx.msk [tilespmem:v46+s3+$0x0], $0xffff  }
0x79: {  	v26 =	vadd.s32 v5, v61;
	[tilespmem:s15+$0x12110] =	vst v35;
	v30 =	vld.idx.msk [tilespmem:v47+s3+$0x0], $0xffff  }
0x7a: {  	v27 =	vadd.s32 v5, v63;
	v51 =	vld.idx.msk [tilespmem:v48+s3+$0x0], $0xffff  }
0x7b: {  	v29 =	vadd.s32 v5, v41  }
0x7c: {  	v52 =	vperm.xlane v21, v8;
	[tilespmem:s15+$0x10920] =	vst v25  }
0x7d: {  	v53 =	vperm.xlane v24, v8;
	v28 =	vld.idx.msk [tilespmem:v49+s3+$0x0], $0xffff;
	[tilespmem:s15+$0x11120] =	vst v50  }
0x7e: {  	v54 =	vadd.s32 v1, v52;
	v55 =	vperm.xlane v23, v8;
	[tilespmem:s15+$0x11920] =	vst v30;
	v26 =	vld.idx.msk [tilespmem:v26+s3+$0x0], $0xffff  }
0x7f: {  	v56 =	vadd.s32 v1, v53;
	v57 =	vperm.xlane v22, v8;
	[tilespmem:s15+$0x12120] =	vst v51;
	v27 =	vld.idx.msk [tilespmem:v27+s3+$0x0], $0xffff  }
0x80: {  	v58 =	vadd.s32 v1, v55;
	v29 =	vld.idx.msk [tilespmem:v29+s3+$0x0], $0xffff  }
0x81: {  	v59 =	vadd.s32 v1, v57  }
0x82: {  	[tilespmem:s15+$0x10930] =	vst v28  }
0x83: {  	v28 =	vld.idx.msk [tilespmem:v54+s3+$0x0], $0xffff;
	[tilespmem:s15+$0x11130] =	vst v26  }
0x84: {  	v60 =	vadd.s32 v3, v52;
	[tilespmem:s15+$0x11930] =	vst v27;
	v61 =	vld.idx.msk [tilespmem:v56+s3+$0x0], $0xffff  }
0x85: {  	v62 =	vadd.s32 v3, v53;
	[tilespmem:s15+$0x12130] =	vst v29;
	v63 =	vld.idx.msk [tilespmem:v58+s3+$0x0], $0xffff  }
0x86: {  	v40 =	vadd.s32 v3, v55;
	v41 =	vld.idx.msk [tilespmem:v59+s3+$0x0], $0xffff  }
0x87: {  	v42 =	vadd.s32 v3, v57  }
0x88: {  	[tilespmem:s15+$0x10980] =	vst v28  }
0x89: {  	v26 =	vld.idx.msk [tilespmem:v60+s3+$0x0], $0xffff;
	[tilespmem:s15+$0x11180] =	vst v61  }
0x8a: {  	v43 =	vadd.s32 v4, v52;
	[tilespmem:s15+$0x11980] =	vst v63;
	v27 =	vld.idx.msk [tilespmem:v62+s3+$0x0], $0xffff  }
0x8b: {  	v44 =	vadd.s32 v4, v53;
	[tilespmem:s15+$0x12180] =	vst v41;
	v29 =	vld.idx.msk [tilespmem:v40+s3+$0x0], $0xffff  }
0x8c: {  	v45 =	vadd.s32 v4, v55;
	v35 =	vld.idx.msk [tilespmem:v42+s3+$0x0], $0xffff  }
0x8d: {  	v46 =	vadd.s32 v4, v57  }
0x8e: {  	[tilespmem:s15+$0x10990] =	vst v26  }
0x8f: {  	v26 =	vld.idx.msk [tilespmem:v43+s3+$0x0], $0xffff;
	[tilespmem:s15+$0x11190] =	vst v27  }
0x90: {  	v25 =	vadd.s32 v5, v52;
	[tilespmem:s15+$0x11990] =	vst v29;
	v27 =	vld.idx.msk [tilespmem:v44+s3+$0x0], $0xffff  }
0x91: {  	v47 =	vadd.s32 v5, v53;
	[tilespmem:s15+$0x12190] =	vst v35;
	v29 =	vld.idx.msk [tilespmem:v45+s3+$0x0], $0xffff  }
0x92: {  	v30 =	vadd.s32 v5, v55;
	v48 =	vld.idx.msk [tilespmem:v46+s3+$0x0], $0xffff  }
0x93: {  	v32 =	vadd.s32 v5, v57  }
0x94: {  	v49 =	vperm.xlane v21, v9;
	[tilespmem:s15+$0x109A0] =	vst v26  }
0x95: {  	v50 =	vperm.xlane v24, v9;
	v25 =	vld.idx.msk [tilespmem:v25+s3+$0x0], $0xffff;
	[tilespmem:s15+$0x111A0] =	vst v27  }
0x96: {  	v52 =	vperm.xlane v23, v9;
	v51 =	vadd.s32 v1, v49;
	[tilespmem:s15+$0x119A0] =	vst v29;
	v28 =	vld.idx.msk [tilespmem:v47+s3+$0x0], $0xffff  }
0x97: {  	v54 =	vperm.xlane v22, v9;
	v53 =	vadd.s32 v1, v50;
	[tilespmem:s15+$0x121A0] =	vst v48;
	v30 =	vld.idx.msk [tilespmem:v30+s3+$0x0], $0xffff  }
0x98: {  	v55 =	vadd.s32 v1, v52;
	v32 =	vld.idx.msk [tilespmem:v32+s3+$0x0], $0xffff  }
0x99: {  	v56 =	vadd.s32 v1, v54  }
0x9a: {  	[tilespmem:s15+$0x109B0] =	vst v25  }
0x9b: {  	v25 =	vld.idx.msk [tilespmem:v51+s3+$0x0], $0xffff;
	[tilespmem:s15+$0x111B0] =	vst v28  }
0x9c: {  	v57 =	vadd.s32 v3, v49;
	[tilespmem:s15+$0x119B0] =	vst v30;
	v58 =	vld.idx.msk [tilespmem:v53+s3+$0x0], $0xffff  }
0x9d: {  	v59 =	vadd.s32 v3, v50;
	[tilespmem:s15+$0x121B0] =	vst v32;
	v60 =	vld.idx.msk [tilespmem:v55+s3+$0x0], $0xffff  }
0x9e: {  	v61 =	vadd.s32 v3, v52;
	v62 =	vld.idx.msk [tilespmem:v56+s3+$0x0], $0xffff  }
0x9f: {  	v63 =	vadd.s32 v3, v54  }
0xa0: {  	[tilespmem:s15+$0x10A00] =	vst v25  }
0xa1: {  	v25 =	vld.idx.msk [tilespmem:v57+s3+$0x0], $0xffff;
	[tilespmem:s15+$0x11200] =	vst v58  }
0xa2: {  	v40 =	vadd.s32 v4, v49;
	[tilespmem:s15+$0x11A00] =	vst v60;
	v30 =	vld.idx.msk [tilespmem:v59+s3+$0x0], $0xffff  }
0xa3: {  	v41 =	vadd.s32 v4, v50;
	[tilespmem:s15+$0x12200] =	vst v62;
	v32 =	vld.idx.msk [tilespmem:v61+s3+$0x0], $0xffff  }
0xa4: {  	v42 =	vadd.s32 v4, v52;
	v35 =	vld.idx.msk [tilespmem:v63+s3+$0x0], $0xffff  }
0xa5: {  	v43 =	vadd.s32 v4, v54  }
0xa6: {  	[tilespmem:s15+$0x10A10] =	vst v25  }
0xa7: {  	v25 =	vld.idx.msk [tilespmem:v40+s3+$0x0], $0xffff;
	[tilespmem:s15+$0x11210] =	vst v30  }
0xa8: {  	v26 =	vadd.s32 v5, v49;
	[tilespmem:s15+$0x11A10] =	vst v32;
	v44 =	vld.idx.msk [tilespmem:v41+s3+$0x0], $0xffff  }
0xa9: {  	v27 =	vadd.s32 v5, v50;
	[tilespmem:s15+$0x12210] =	vst v35;
	v45 =	vld.idx.msk [tilespmem:v42+s3+$0x0], $0xffff  }
0xaa: {  	v29 =	vadd.s32 v5, v52;
	v46 =	vld.idx.msk [tilespmem:v43+s3+$0x0], $0xffff  }
0xab: {  	v31 =	vadd.s32 v5, v54  }
0xac: {  	v47 =	vperm.xlane v21, v10;
	[tilespmem:s15+$0x10A20] =	vst v25  }
0xad: {  	v48 =	vperm.xlane v24, v10;
	v26 =	vld.idx.msk [tilespmem:v26+s3+$0x0], $0xffff;
	[tilespmem:s15+$0x11220] =	vst v44  }
0xae: {  	v50 =	vperm.xlane v23, v10;
	v49 =	vadd.s32 v1, v47;
	[tilespmem:s15+$0x11A20] =	vst v45;
	v27 =	vld.idx.msk [tilespmem:v27+s3+$0x0], $0xffff  }
0xaf: {  	v52 =	vperm.xlane v22, v10;
	v51 =	vadd.s32 v1, v48;
	[tilespmem:s15+$0x12220] =	vst v46;
	v29 =	vld.idx.msk [tilespmem:v29+s3+$0x0], $0xffff  }
0xb0: {  	v53 =	vadd.s32 v1, v50;
	v31 =	vld.idx.msk [tilespmem:v31+s3+$0x0], $0xffff  }
0xb1: {  	v54 =	vadd.s32 v1, v52  }
0xb2: {  	[tilespmem:s15+$0x10A30] =	vst v26  }
0xb3: {  	v26 =	vld.idx.msk [tilespmem:v49+s3+$0x0], $0xffff;
	[tilespmem:s15+$0x11230] =	vst v27  }
0xb4: {  	v55 =	vadd.s32 v3, v47;
	[tilespmem:s15+$0x11A30] =	vst v29;
	v56 =	vld.idx.msk [tilespmem:v51+s3+$0x0], $0xffff  }
0xb5: {  	v57 =	vadd.s32 v3, v48;
	[tilespmem:s15+$0x12230] =	vst v31;
	v58 =	vld.idx.msk [tilespmem:v53+s3+$0x0], $0xffff  }
0xb6: {  	v59 =	vadd.s32 v3, v50;
	v60 =	vld.idx.msk [tilespmem:v54+s3+$0x0], $0xffff  }
0xb7: {  	v61 =	vadd.s32 v3, v52  }
0xb8: {  	[tilespmem:s15+$0x10A80] =	vst v26  }
0xb9: {  	v26 =	vld.idx.msk [tilespmem:v55+s3+$0x0], $0xffff;
	[tilespmem:s15+$0x11280] =	vst v56  }
0xba: {  	v62 =	vadd.s32 v4, v47;
	[tilespmem:s15+$0x11A80] =	vst v58;
	v29 =	vld.idx.msk [tilespmem:v57+s3+$0x0], $0xffff  }
0xbb: {  	v63 =	vadd.s32 v4, v48;
	[tilespmem:s15+$0x12280] =	vst v60;
	v31 =	vld.idx.msk [tilespmem:v59+s3+$0x0], $0xffff  }
0xbc: {  	v40 =	vadd.s32 v4, v50;
	v35 =	vld.idx.msk [tilespmem:v61+s3+$0x0], $0xffff  }
0xbd: {  	v41 =	vadd.s32 v4, v52  }
0xbe: {  	[tilespmem:s15+$0x10A90] =	vst v26  }
0xbf: {  	v26 =	vld.idx.msk [tilespmem:v62+s3+$0x0], $0xffff;
	[tilespmem:s15+$0x11290] =	vst v29  }
0xc0: {  	v25 =	vadd.s32 v5, v47;
	[tilespmem:s15+$0x11A90] =	vst v31;
	v42 =	vld.idx.msk [tilespmem:v63+s3+$0x0], $0xffff  }
0xc1: {  	v28 =	vadd.s32 v5, v48;
	[tilespmem:s15+$0x12290] =	vst v35;
	v43 =	vld.idx.msk [tilespmem:v40+s3+$0x0], $0xffff  }
0xc2: {  	v30 =	vadd.s32 v5, v50;
	v44 =	vld.idx.msk [tilespmem:v41+s3+$0x0], $0xffff  }
0xc3: {  	v32 =	vadd.s32 v5, v52  }
0xc4: {  	v45 =	vperm.xlane v21, v0;
	[tilespmem:s15+$0x10AA0] =	vst v26  }
0xc5: {  	v46 =	vperm.xlane v24, v0;
	v25 =	vld.idx.msk [tilespmem:v25+s3+$0x0], $0xffff;
	[tilespmem:s15+$0x112A0] =	vst v42  }
0xc6: {  	v48 =	vperm.xlane v23, v0;
	v47 =	vadd.s32 v1, v45;
	[tilespmem:s15+$0x11AA0] =	vst v43;
	v28 =	vld.idx.msk [tilespmem:v28+s3+$0x0], $0xffff  }
0xc7: {  	v50 =	vperm.xlane v22, v0;
	v49 =	vadd.s32 v1, v46;
	[tilespmem:s15+$0x122A0] =	vst v44;
	v30 =	vld.idx.msk [tilespmem:v30+s3+$0x0], $0xffff  }
0xc8: {  	v51 =	vadd.s32 v1, v48;
	v32 =	vld.idx.msk [tilespmem:v32+s3+$0x0], $0xffff  }
0xc9: {  	v52 =	vadd.s32 v1, v50  }
0xca: {  	[tilespmem:s15+$0x10AB0] =	vst v25  }
0xcb: {  	v25 =	vld.idx.msk [tilespmem:v47+s3+$0x0], $0xffff;
	[tilespmem:s15+$0x112B0] =	vst v28  }
0xcc: {  	v53 =	vadd.s32 v3, v45;
	[tilespmem:s15+$0x11AB0] =	vst v30;
	v54 =	vld.idx.msk [tilespmem:v49+s3+$0x0], $0xffff  }
0xcd: {  	v55 =	vadd.s32 v3, v46;
	[tilespmem:s15+$0x122B0] =	vst v32;
	v56 =	vld.idx.msk [tilespmem:v51+s3+$0x0], $0xffff  }
0xce: {  	v57 =	vadd.s32 v3, v48;
	v58 =	vld.idx.msk [tilespmem:v52+s3+$0x0], $0xffff  }
0xcf: {  	v59 =	vadd.s32 v3, v50  }
0xd0: {  	[tilespmem:s15+$0x10B00] =	vst v25  }
0xd1: {  	v25 =	vld.idx.msk [tilespmem:v53+s3+$0x0], $0xffff;
	[tilespmem:s15+$0x11300] =	vst v54  }
0xd2: {  	v60 =	vadd.s32 v4, v45;
	[tilespmem:s15+$0x11B00] =	vst v56;
	v30 =	vld.idx.msk [tilespmem:v55+s3+$0x0], $0xffff  }
0xd3: {  	v61 =	vadd.s32 v4, v46;
	[tilespmem:s15+$0x12300] =	vst v58;
	v32 =	vld.idx.msk [tilespmem:v57+s3+$0x0], $0xffff  }
0xd4: {  	v62 =	vadd.s32 v4, v48;
	v35 =	vld.idx.msk [tilespmem:v59+s3+$0x0], $0xffff  }
0xd5: {  	v63 =	vadd.s32 v4, v50  }
0xd6: {  	[tilespmem:s15+$0x10B10] =	vst v25  }
0xd7: {  	v25 =	vld.idx.msk [tilespmem:v60+s3+$0x0], $0xffff;
	[tilespmem:s15+$0x11310] =	vst v30  }
0xd8: {  	v26 =	vadd.s32 v5, v45;
	[tilespmem:s15+$0x11B10] =	vst v32;
	v38 =	vld.idx.msk [tilespmem:v61+s3+$0x0], $0xffff  }
0xd9: {  	v27 =	vadd.s32 v5, v46;
	[tilespmem:s15+$0x12310] =	vst v35;
	v39 =	vld.idx.msk [tilespmem:v62+s3+$0x0], $0xffff  }
0xda: {  	v29 =	vadd.s32 v5, v48;
	v40 =	vld.idx.msk [tilespmem:v63+s3+$0x0], $0xffff  }
0xdb: {  	v31 =	vadd.s32 v5, v50  }
0xdc: {  	v41 =	vperm.xlane v21, v11;
	[tilespmem:s15+$0x10B20] =	vst v25  }
0xdd: {  	v42 =	vperm.xlane v24, v11;
	v26 =	vld.idx.msk [tilespmem:v26+s3+$0x0], $0xffff;
	[tilespmem:s15+$0x11320] =	vst v38  }
0xde: {  	v43 =	vadd.s32 v1, v41;
	v44 =	vperm.xlane v23, v11;
	[tilespmem:s15+$0x11B20] =	vst v39;
	v27 =	vld.idx.msk [tilespmem:v27+s3+$0x0], $0xffff  }
0xdf: {  	v46 =	vperm.xlane v22, v11;
	v45 =	vadd.s32 v1, v42;
	[tilespmem:s15+$0x12320] =	vst v40;
	v29 =	vld.idx.msk [tilespmem:v29+s3+$0x0], $0xffff  }
0xe0: {  	v47 =	vadd.s32 v1, v44;
	v31 =	vld.idx.msk [tilespmem:v31+s3+$0x0], $0xffff  }
0xe1: {  	v48 =	vadd.s32 v1, v46  }
0xe2: {  	[tilespmem:s15+$0x10B30] =	vst v26  }
0xe3: {  	v26 =	vld.idx.msk [tilespmem:v43+s3+$0x0], $0xffff;
	[tilespmem:s15+$0x11330] =	vst v27  }
0xe4: {  	v49 =	vadd.s32 v3, v41;
	[tilespmem:s15+$0x11B30] =	vst v29;
	v50 =	vld.idx.msk [tilespmem:v45+s3+$0x0], $0xffff  }
0xe5: {  	v51 =	vadd.s32 v3, v42;
	[tilespmem:s15+$0x12330] =	vst v31;
	v52 =	vld.idx.msk [tilespmem:v47+s3+$0x0], $0xffff  }
0xe6: {  	v53 =	vadd.s32 v3, v44;
	v54 =	vld.idx.msk [tilespmem:v48+s3+$0x0], $0xffff  }
0xe7: {  	v55 =	vadd.s32 v3, v46  }
0xe8: {  	[tilespmem:s15+$0x10B80] =	vst v26  }
0xe9: {  	v26 =	vld.idx.msk [tilespmem:v49+s3+$0x0], $0xffff;
	[tilespmem:s15+$0x11380] =	vst v50  }
0xea: {  	v56 =	vadd.s32 v4, v41;
	[tilespmem:s15+$0x11B80] =	vst v52;
	v29 =	vld.idx.msk [tilespmem:v51+s3+$0x0], $0xffff  }
0xeb: {  	v57 =	vadd.s32 v4, v42;
	[tilespmem:s15+$0x12380] =	vst v54;
	v31 =	vld.idx.msk [tilespmem:v53+s3+$0x0], $0xffff  }
0xec: {  	v58 =	vadd.s32 v4, v44;
	v35 =	vld.idx.msk [tilespmem:v55+s3+$0x0], $0xffff  }
0xed: {  	v59 =	vadd.s32 v4, v46  }
0xee: {  	[tilespmem:s15+$0x10B90] =	vst v26  }
0xef: {  	v26 =	vld.idx.msk [tilespmem:v56+s3+$0x0], $0xffff;
	[tilespmem:s15+$0x11390] =	vst v29  }
0xf0: {  	v25 =	vadd.s32 v5, v41;
	[tilespmem:s15+$0x11B90] =	vst v31;
	v60 =	vld.idx.msk [tilespmem:v57+s3+$0x0], $0xffff  }
0xf1: {  	v28 =	vadd.s32 v5, v42;
	[tilespmem:s15+$0x12390] =	vst v35;
	v61 =	vld.idx.msk [tilespmem:v58+s3+$0x0], $0xffff  }
0xf2: {  	v30 =	vadd.s32 v5, v44;
	v62 =	vld.idx.msk [tilespmem:v59+s3+$0x0], $0xffff  }
0xf3: {  	v32 =	vadd.s32 v5, v46  }
0xf4: {  	v63 =	vperm.xlane v21, v12;
	[tilespmem:s15+$0x10BA0] =	vst v26  }
0xf5: {  	v40 =	vperm.xlane v24, v12;
	v25 =	vld.idx.msk [tilespmem:v25+s3+$0x0], $0xffff;
	[tilespmem:s15+$0x113A0] =	vst v60  }
0xf6: {  	v42 =	vperm.xlane v23, v12;
	v41 =	vadd.s32 v1, v63;
	[tilespmem:s15+$0x11BA0] =	vst v61;
	v28 =	vld.idx.msk [tilespmem:v28+s3+$0x0], $0xffff  }
0xf7: {  	v44 =	vperm.xlane v22, v12;
	v43 =	vadd.s32 v1, v40;
	[tilespmem:s15+$0x123A0] =	vst v62;
	v30 =	vld.idx.msk [tilespmem:v30+s3+$0x0], $0xffff  }
0xf8: {  	v45 =	vadd.s32 v1, v42;
	v32 =	vld.idx.msk [tilespmem:v32+s3+$0x0], $0xffff  }
0xf9: {  	v46 =	vadd.s32 v1, v44  }
0xfa: {  	[tilespmem:s15+$0x10BB0] =	vst v25  }
0xfb: {  	v25 =	vld.idx.msk [tilespmem:v41+s3+$0x0], $0xffff;
	[tilespmem:s15+$0x113B0] =	vst v28  }
0xfc: {  	v47 =	vadd.s32 v3, v63;
	[tilespmem:s15+$0x11BB0] =	vst v30;
	v48 =	vld.idx.msk [tilespmem:v43+s3+$0x0], $0xffff  }
0xfd: {  	v49 =	vadd.s32 v3, v40;
	[tilespmem:s15+$0x123B0] =	vst v32;
	v50 =	vld.idx.msk [tilespmem:v45+s3+$0x0], $0xffff  }
0xfe: {  	v51 =	vadd.s32 v3, v42;
	v52 =	vld.idx.msk [tilespmem:v46+s3+$0x0], $0xffff  }
0xff: {  	v53 =	vadd.s32 v3, v44  }
0x100: {  	[tilespmem:s15+$0x10C00] =	vst v25  }
0x101: {  	v25 =	vld.idx.msk [tilespmem:v47+s3+$0x0], $0xffff;
	[tilespmem:s15+$0x11400] =	vst v48  }
0x102: {  	v54 =	vadd.s32 v4, v63;
	[tilespmem:s15+$0x11C00] =	vst v50;
	v30 =	vld.idx.msk [tilespmem:v49+s3+$0x0], $0xffff  }
0x103: {  	v55 =	vadd.s32 v4, v40;
	[tilespmem:s15+$0x12400] =	vst v52;
	v32 =	vld.idx.msk [tilespmem:v51+s3+$0x0], $0xffff  }
0x104: {  	v56 =	vadd.s32 v4, v42;
	v35 =	vld.idx.msk [tilespmem:v53+s3+$0x0], $0xffff  }
0x105: {  	v57 =	vadd.s32 v4, v44  }
0x106: {  	[tilespmem:s15+$0x10C10] =	vst v25  }
0x107: {  	v25 =	vld.idx.msk [tilespmem:v54+s3+$0x0], $0xffff;
	[tilespmem:s15+$0x11410] =	vst v30  }
0x108: {  	v26 =	vadd.s32 v5, v63;
	[tilespmem:s15+$0x11C10] =	vst v32;
	v58 =	vld.idx.msk [tilespmem:v55+s3+$0x0], $0xffff  }
0x109: {  	v27 =	vadd.s32 v5, v40;
	[tilespmem:s15+$0x12410] =	vst v35;
	v59 =	vld.idx.msk [tilespmem:v56+s3+$0x0], $0xffff  }
0x10a: {  	v29 =	vadd.s32 v5, v42;
	v60 =	vld.idx.msk [tilespmem:v57+s3+$0x0], $0xffff  }
0x10b: {  	v31 =	vadd.s32 v5, v44  }
0x10c: {  	v61 =	vperm.xlane v21, v13;
	[tilespmem:s15+$0x10C20] =	vst v25  }
0x10d: {  	v62 =	vperm.xlane v24, v13;
	v26 =	vld.idx.msk [tilespmem:v26+s3+$0x0], $0xffff;
	[tilespmem:s15+$0x11420] =	vst v58  }
0x10e: {  	v40 =	vperm.xlane v23, v13;
	v63 =	vadd.s32 v1, v61;
	[tilespmem:s15+$0x11C20] =	vst v59;
	v27 =	vld.idx.msk [tilespmem:v27+s3+$0x0], $0xffff  }
0x10f: {  	v42 =	vperm.xlane v22, v13;
	v41 =	vadd.s32 v1, v62;
	[tilespmem:s15+$0x12420] =	vst v60;
	v29 =	vld.idx.msk [tilespmem:v29+s3+$0x0], $0xffff  }
0x110: {  	v43 =	vadd.s32 v1, v40;
	v31 =	vld.idx.msk [tilespmem:v31+s3+$0x0], $0xffff  }
0x111: {  	v44 =	vadd.s32 v1, v42  }
0x112: {  	[tilespmem:s15+$0x10C30] =	vst v26  }
0x113: {  	v26 =	vld.idx.msk [tilespmem:v63+s3+$0x0], $0xffff;
	[tilespmem:s15+$0x11430] =	vst v27  }
0x114: {  	v45 =	vadd.s32 v3, v61;
	[tilespmem:s15+$0x11C30] =	vst v29;
	v46 =	vld.idx.msk [tilespmem:v41+s3+$0x0], $0xffff  }
0x115: {  	v47 =	vadd.s32 v3, v62;
	[tilespmem:s15+$0x12430] =	vst v31;
	v48 =	vld.idx.msk [tilespmem:v43+s3+$0x0], $0xffff  }
0x116: {  	v49 =	vadd.s32 v3, v40;
	v50 =	vld.idx.msk [tilespmem:v44+s3+$0x0], $0xffff  }
0x117: {  	v51 =	vadd.s32 v3, v42  }
0x118: {  	[tilespmem:s15+$0x10C80] =	vst v26  }
0x119: {  	v26 =	vld.idx.msk [tilespmem:v45+s3+$0x0], $0xffff;
	[tilespmem:s15+$0x11480] =	vst v46  }
0x11a: {  	v52 =	vadd.s32 v4, v61;
	[tilespmem:s15+$0x11C80] =	vst v48;
	v29 =	vld.idx.msk [tilespmem:v47+s3+$0x0], $0xffff  }
0x11b: {  	v53 =	vadd.s32 v4, v62;
	[tilespmem:s15+$0x12480] =	vst v50;
	v31 =	vld.idx.msk [tilespmem:v49+s3+$0x0], $0xffff  }
0x11c: {  	v54 =	vadd.s32 v4, v40;
	v35 =	vld.idx.msk [tilespmem:v51+s3+$0x0], $0xffff  }
0x11d: {  	v55 =	vadd.s32 v4, v42  }
0x11e: {  	[tilespmem:s15+$0x10C90] =	vst v26  }
0x11f: {  	v26 =	vld.idx.msk [tilespmem:v52+s3+$0x0], $0xffff;
	[tilespmem:s15+$0x11490] =	vst v29  }
0x120: {  	v25 =	vadd.s32 v5, v61;
	[tilespmem:s15+$0x11C90] =	vst v31;
	v56 =	vld.idx.msk [tilespmem:v53+s3+$0x0], $0xffff  }
0x121: {  	v28 =	vadd.s32 v5, v62;
	[tilespmem:s15+$0x12490] =	vst v35;
	v57 =	vld.idx.msk [tilespmem:v54+s3+$0x0], $0xffff  }
0x122: {  	v30 =	vadd.s32 v5, v40;
	v58 =	vld.idx.msk [tilespmem:v55+s3+$0x0], $0xffff  }
0x123: {  	v32 =	vadd.s32 v5, v42  }
0x124: {  	v59 =	vperm.xlane v21, v14;
	[tilespmem:s15+$0x10CA0] =	vst v26  }
0x125: {  	v60 =	vperm.xlane v24, v14;
	v25 =	vld.idx.msk [tilespmem:v25+s3+$0x0], $0xffff;
	[tilespmem:s15+$0x114A0] =	vst v56  }
0x126: {  	v62 =	vperm.xlane v23, v14;
	v61 =	vadd.s32 v1, v59;
	[tilespmem:s15+$0x11CA0] =	vst v57;
	v28 =	vld.idx.msk [tilespmem:v28+s3+$0x0], $0xffff  }
0x127: {  	v40 =	vperm.xlane v22, v14;
	v63 =	vadd.s32 v1, v60;
	[tilespmem:s15+$0x124A0] =	vst v58;
	v30 =	vld.idx.msk [tilespmem:v30+s3+$0x0], $0xffff  }
0x128: {  	v41 =	vadd.s32 v1, v62;
	v32 =	vld.idx.msk [tilespmem:v32+s3+$0x0], $0xffff  }
0x129: {  	v42 =	vadd.s32 v1, v40  }
0x12a: {  	[tilespmem:s15+$0x10CB0] =	vst v25  }
0x12b: {  	v25 =	vld.idx.msk [tilespmem:v61+s3+$0x0], $0xffff;
	[tilespmem:s15+$0x114B0] =	vst v28  }
0x12c: {  	v43 =	vadd.s32 v3, v59;
	[tilespmem:s15+$0x11CB0] =	vst v30;
	v44 =	vld.idx.msk [tilespmem:v63+s3+$0x0], $0xffff  }
0x12d: {  	v45 =	vadd.s32 v3, v60;
	[tilespmem:s15+$0x124B0] =	vst v32;
	v46 =	vld.idx.msk [tilespmem:v41+s3+$0x0], $0xffff  }
0x12e: {  	v47 =	vadd.s32 v3, v62;
	v48 =	vld.idx.msk [tilespmem:v42+s3+$0x0], $0xffff  }
0x12f: {  	v49 =	vadd.s32 v3, v40  }
0x130: {  	[tilespmem:s15+$0x10D00] =	vst v25  }
0x131: {  	v25 =	vld.idx.msk [tilespmem:v43+s3+$0x0], $0xffff;
	[tilespmem:s15+$0x11500] =	vst v44  }
0x132: {  	v50 =	vadd.s32 v4, v59;
	[tilespmem:s15+$0x11D00] =	vst v46;
	v30 =	vld.idx.msk [tilespmem:v45+s3+$0x0], $0xffff  }
0x133: {  	v51 =	vadd.s32 v4, v60;
	[tilespmem:s15+$0x12500] =	vst v48;
	v32 =	vld.idx.msk [tilespmem:v47+s3+$0x0], $0xffff  }
0x134: {  	v52 =	vadd.s32 v4, v62;
	v35 =	vld.idx.msk [tilespmem:v49+s3+$0x0], $0xffff  }
0x135: {  	v53 =	vadd.s32 v4, v40  }
0x136: {  	[tilespmem:s15+$0x10D10] =	vst v25  }
0x137: {  	v25 =	vld.idx.msk [tilespmem:v50+s3+$0x0], $0xffff;
	[tilespmem:s15+$0x11510] =	vst v30  }
0x138: {  	v26 =	vadd.s32 v5, v59;
	[tilespmem:s15+$0x11D10] =	vst v32;
	v54 =	vld.idx.msk [tilespmem:v51+s3+$0x0], $0xffff  }
0x139: {  	v27 =	vadd.s32 v5, v60;
	[tilespmem:s15+$0x12510] =	vst v35;
	v55 =	vld.idx.msk [tilespmem:v52+s3+$0x0], $0xffff  }
0x13a: {  	v29 =	vadd.s32 v5, v62;
	v56 =	vld.idx.msk [tilespmem:v53+s3+$0x0], $0xffff  }
0x13b: {  	v31 =	vadd.s32 v5, v40  }
0x13c: {  	v57 =	vperm.xlane v21, v15;
	[tilespmem:s15+$0x10D20] =	vst v25  }
0x13d: {  	v58 =	vperm.xlane v24, v15;
	v26 =	vld.idx.msk [tilespmem:v26+s3+$0x0], $0xffff;
	[tilespmem:s15+$0x11520] =	vst v54  }
0x13e: {  	v60 =	vperm.xlane v23, v15;
	v59 =	vadd.s32 v1, v57;
	[tilespmem:s15+$0x11D20] =	vst v55;
	v27 =	vld.idx.msk [tilespmem:v27+s3+$0x0], $0xffff  }
0x13f: {  	v62 =	vperm.xlane v22, v15;
	v61 =	vadd.s32 v1, v58;
	[tilespmem:s15+$0x12520] =	vst v56;
	v29 =	vld.idx.msk [tilespmem:v29+s3+$0x0], $0xffff  }
0x140: {  	v63 =	vadd.s32 v1, v60;
	v31 =	vld.idx.msk [tilespmem:v31+s3+$0x0], $0xffff  }
0x141: {  	v40 =	vadd.s32 v1, v62  }
0x142: {  	[tilespmem:s15+$0x10D30] =	vst v26  }
0x143: {  	v26 =	vld.idx.msk [tilespmem:v59+s3+$0x0], $0xffff;
	[tilespmem:s15+$0x11530] =	vst v27  }
0x144: {  	v41 =	vadd.s32 v3, v57;
	[tilespmem:s15+$0x11D30] =	vst v29;
	v42 =	vld.idx.msk [tilespmem:v61+s3+$0x0], $0xffff  }
0x145: {  	v43 =	vadd.s32 v3, v58;
	[tilespmem:s15+$0x12530] =	vst v31;
	v44 =	vld.idx.msk [tilespmem:v63+s3+$0x0], $0xffff  }
0x146: {  	v45 =	vadd.s32 v3, v60;
	v46 =	vld.idx.msk [tilespmem:v40+s3+$0x0], $0xffff  }
0x147: {  	v47 =	vadd.s32 v3, v62  }
0x148: {  	[tilespmem:s15+$0x10D80] =	vst v26  }
0x149: {  	v26 =	vld.idx.msk [tilespmem:v41+s3+$0x0], $0xffff;
	[tilespmem:s15+$0x11580] =	vst v42  }
0x14a: {  	v48 =	vadd.s32 v4, v57;
	[tilespmem:s15+$0x11D80] =	vst v44;
	v29 =	vld.idx.msk [tilespmem:v43+s3+$0x0], $0xffff  }
0x14b: {  	v49 =	vadd.s32 v4, v58;
	[tilespmem:s15+$0x12580] =	vst v46;
	v31 =	vld.idx.msk [tilespmem:v45+s3+$0x0], $0xffff  }
0x14c: {  	v50 =	vadd.s32 v4, v60;
	v35 =	vld.idx.msk [tilespmem:v47+s3+$0x0], $0xffff  }
0x14d: {  	v51 =	vadd.s32 v4, v62  }
0x14e: {  	[tilespmem:s15+$0x10D90] =	vst v26  }
0x14f: {  	v26 =	vld.idx.msk [tilespmem:v48+s3+$0x0], $0xffff;
	[tilespmem:s15+$0x11590] =	vst v29  }
0x150: {  	v25 =	vadd.s32 v5, v57;
	[tilespmem:s15+$0x11D90] =	vst v31;
	v52 =	vld.idx.msk [tilespmem:v49+s3+$0x0], $0xffff  }
0x151: {  	v28 =	vadd.s32 v5, v58;
	[tilespmem:s15+$0x12590] =	vst v35;
	v53 =	vld.idx.msk [tilespmem:v50+s3+$0x0], $0xffff  }
0x152: {  	v30 =	vadd.s32 v5, v60;
	v54 =	vld.idx.msk [tilespmem:v51+s3+$0x0], $0xffff  }
0x153: {  	v32 =	vadd.s32 v5, v62  }
0x154: {  	v55 =	vperm.xlane v21, v16;
	[tilespmem:s15+$0x10DA0] =	vst v26  }
0x155: {  	v56 =	vperm.xlane v24, v16;
	v25 =	vld.idx.msk [tilespmem:v25+s3+$0x0], $0xffff;
	[tilespmem:s15+$0x115A0] =	vst v52  }
0x156: {  	v58 =	vperm.xlane v23, v16;
	v57 =	vadd.s32 v1, v55;
	[tilespmem:s15+$0x11DA0] =	vst v53;
	v28 =	vld.idx.msk [tilespmem:v28+s3+$0x0], $0xffff  }
0x157: {  	v60 =	vperm.xlane v22, v16;
	v59 =	vadd.s32 v1, v56;
	[tilespmem:s15+$0x125A0] =	vst v54;
	v30 =	vld.idx.msk [tilespmem:v30+s3+$0x0], $0xffff  }
0x158: {  	v61 =	vadd.s32 v1, v58;
	v32 =	vld.idx.msk [tilespmem:v32+s3+$0x0], $0xffff  }
0x159: {  	v62 =	vadd.s32 v1, v60  }
0x15a: {  	[tilespmem:s15+$0x10DB0] =	vst v25  }
0x15b: {  	v25 =	vld.idx.msk [tilespmem:v57+s3+$0x0], $0xffff;
	[tilespmem:s15+$0x115B0] =	vst v28  }
0x15c: {  	v63 =	vadd.s32 v3, v55;
	[tilespmem:s15+$0x11DB0] =	vst v30;
	v40 =	vld.idx.msk [tilespmem:v59+s3+$0x0], $0xffff  }
0x15d: {  	v41 =	vadd.s32 v3, v56;
	[tilespmem:s15+$0x125B0] =	vst v32;
	v42 =	vld.idx.msk [tilespmem:v61+s3+$0x0], $0xffff  }
0x15e: {  	v43 =	vadd.s32 v3, v58;
	v44 =	vld.idx.msk [tilespmem:v62+s3+$0x0], $0xffff  }
0x15f: {  	v45 =	vadd.s32 v3, v60  }
0x160: {  	[tilespmem:s15+$0x10E00] =	vst v25  }
0x161: {  	v25 =	vld.idx.msk [tilespmem:v63+s3+$0x0], $0xffff;
	[tilespmem:s15+$0x11600] =	vst v40  }
0x162: {  	v46 =	vadd.s32 v4, v55;
	[tilespmem:s15+$0x11E00] =	vst v42;
	v30 =	vld.idx.msk [tilespmem:v41+s3+$0x0], $0xffff  }
0x163: {  	v47 =	vadd.s32 v4, v56;
	[tilespmem:s15+$0x12600] =	vst v44;
	v32 =	vld.idx.msk [tilespmem:v43+s3+$0x0], $0xffff  }
0x164: {  	v48 =	vadd.s32 v4, v58;
	v35 =	vld.idx.msk [tilespmem:v45+s3+$0x0], $0xffff  }
0x165: {  	v49 =	vadd.s32 v4, v60  }
0x166: {  	[tilespmem:s15+$0x10E10] =	vst v25  }
0x167: {  	v25 =	vld.idx.msk [tilespmem:v46+s3+$0x0], $0xffff;
	[tilespmem:s15+$0x11610] =	vst v30  }
0x168: {  	v26 =	vadd.s32 v5, v55;
	[tilespmem:s15+$0x11E10] =	vst v32;
	v50 =	vld.idx.msk [tilespmem:v47+s3+$0x0], $0xffff  }
0x169: {  	v27 =	vadd.s32 v5, v56;
	[tilespmem:s15+$0x12610] =	vst v35;
	v51 =	vld.idx.msk [tilespmem:v48+s3+$0x0], $0xffff  }
0x16a: {  	v29 =	vadd.s32 v5, v58;
	v52 =	vld.idx.msk [tilespmem:v49+s3+$0x0], $0xffff  }
0x16b: {  	v31 =	vadd.s32 v5, v60  }
0x16c: {  	v53 =	vperm.xlane v21, v17;
	[tilespmem:s15+$0x10E20] =	vst v25  }
0x16d: {  	v54 =	vperm.xlane v24, v17;
	v26 =	vld.idx.msk [tilespmem:v26+s3+$0x0], $0xffff;
	[tilespmem:s15+$0x11620] =	vst v50  }
0x16e: {  	v56 =	vperm.xlane v23, v17;
	v55 =	vadd.s32 v1, v53;
	[tilespmem:s15+$0x11E20] =	vst v51;
	v27 =	vld.idx.msk [tilespmem:v27+s3+$0x0], $0xffff  }
0x16f: {  	v58 =	vperm.xlane v22, v17;
	v57 =	vadd.s32 v1, v54;
	[tilespmem:s15+$0x12620] =	vst v52;
	v29 =	vld.idx.msk [tilespmem:v29+s3+$0x0], $0xffff  }
0x170: {  	v59 =	vadd.s32 v1, v56;
	v31 =	vld.idx.msk [tilespmem:v31+s3+$0x0], $0xffff  }
0x171: {  	v60 =	vadd.s32 v1, v58  }
0x172: {  	[tilespmem:s15+$0x10E30] =	vst v26  }
0x173: {  	v26 =	vld.idx.msk [tilespmem:v55+s3+$0x0], $0xffff;
	[tilespmem:s15+$0x11630] =	vst v27  }
0x174: {  	v61 =	vadd.s32 v3, v53;
	[tilespmem:s15+$0x11E30] =	vst v29;
	v62 =	vld.idx.msk [tilespmem:v57+s3+$0x0], $0xffff  }
0x175: {  	v63 =	vadd.s32 v3, v54;
	[tilespmem:s15+$0x12630] =	vst v31;
	v40 =	vld.idx.msk [tilespmem:v59+s3+$0x0], $0xffff  }
0x176: {  	v41 =	vadd.s32 v3, v56;
	v42 =	vld.idx.msk [tilespmem:v60+s3+$0x0], $0xffff  }
0x177: {  	v43 =	vadd.s32 v3, v58  }
0x178: {  	[tilespmem:s15+$0x10E80] =	vst v26  }
0x179: {  	v26 =	vld.idx.msk [tilespmem:v61+s3+$0x0], $0xffff;
	[tilespmem:s15+$0x11680] =	vst v62  }
0x17a: {  	v44 =	vadd.s32 v4, v53;
	[tilespmem:s15+$0x11E80] =	vst v40;
	v29 =	vld.idx.msk [tilespmem:v63+s3+$0x0], $0xffff  }
0x17b: {  	v45 =	vadd.s32 v4, v54;
	[tilespmem:s15+$0x12680] =	vst v42;
	v31 =	vld.idx.msk [tilespmem:v41+s3+$0x0], $0xffff  }
0x17c: {  	v46 =	vadd.s32 v4, v56;
	v35 =	vld.idx.msk [tilespmem:v43+s3+$0x0], $0xffff  }
0x17d: {  	v47 =	vadd.s32 v4, v58  }
0x17e: {  	[tilespmem:s15+$0x10E90] =	vst v26  }
0x17f: {  	v26 =	vld.idx.msk [tilespmem:v44+s3+$0x0], $0xffff;
	[tilespmem:s15+$0x11690] =	vst v29  }
0x180: {  	v25 =	vadd.s32 v5, v53;
	[tilespmem:s15+$0x11E90] =	vst v31;
	v48 =	vld.idx.msk [tilespmem:v45+s3+$0x0], $0xffff  }
0x181: {  	v28 =	vadd.s32 v5, v54;
	[tilespmem:s15+$0x12690] =	vst v35;
	v49 =	vld.idx.msk [tilespmem:v46+s3+$0x0], $0xffff  }
0x182: {  	v30 =	vadd.s32 v5, v56;
	v50 =	vld.idx.msk [tilespmem:v47+s3+$0x0], $0xffff  }
0x183: {  	v32 =	vadd.s32 v5, v58  }
0x184: {  	v51 =	vperm.xlane v21, v18;
	[tilespmem:s15+$0x10EA0] =	vst v26  }
0x185: {  	v52 =	vperm.xlane v24, v18;
	v25 =	vld.idx.msk [tilespmem:v25+s3+$0x0], $0xffff;
	[tilespmem:s15+$0x116A0] =	vst v48  }
0x186: {  	v54 =	vperm.xlane v23, v18;
	v53 =	vadd.s32 v1, v51;
	[tilespmem:s15+$0x11EA0] =	vst v49;
	v28 =	vld.idx.msk [tilespmem:v28+s3+$0x0], $0xffff  }
0x187: {  	v56 =	vperm.xlane v22, v18;
	v55 =	vadd.s32 v1, v52;
	[tilespmem:s15+$0x126A0] =	vst v50;
	v30 =	vld.idx.msk [tilespmem:v30+s3+$0x0], $0xffff  }
0x188: {  	v57 =	vadd.s32 v1, v54;
	v32 =	vld.idx.msk [tilespmem:v32+s3+$0x0], $0xffff  }
0x189: {  	v58 =	vadd.s32 v1, v56  }
0x18a: {  	[tilespmem:s15+$0x10EB0] =	vst v25  }
0x18b: {  	v25 =	vld.idx.msk [tilespmem:v53+s3+$0x0], $0xffff;
	[tilespmem:s15+$0x116B0] =	vst v28  }
0x18c: {  	v59 =	vadd.s32 v3, v51;
	[tilespmem:s15+$0x11EB0] =	vst v30;
	v60 =	vld.idx.msk [tilespmem:v55+s3+$0x0], $0xffff  }
0x18d: {  	v61 =	vadd.s32 v3, v52;
	[tilespmem:s15+$0x126B0] =	vst v32;
	v62 =	vld.idx.msk [tilespmem:v57+s3+$0x0], $0xffff  }
0x18e: {  	v63 =	vadd.s32 v3, v54;
	v40 =	vld.idx.msk [tilespmem:v58+s3+$0x0], $0xffff  }
0x18f: {  	v41 =	vadd.s32 v3, v56  }
0x190: {  	[tilespmem:s15+$0x10F00] =	vst v25  }
0x191: {  	v25 =	vld.idx.msk [tilespmem:v59+s3+$0x0], $0xffff;
	[tilespmem:s15+$0x11700] =	vst v60  }
0x192: {  	v42 =	vadd.s32 v4, v51;
	[tilespmem:s15+$0x11F00] =	vst v62;
	v30 =	vld.idx.msk [tilespmem:v61+s3+$0x0], $0xffff  }
0x193: {  	v43 =	vadd.s32 v4, v52;
	[tilespmem:s15+$0x12700] =	vst v40;
	v32 =	vld.idx.msk [tilespmem:v63+s3+$0x0], $0xffff  }
0x194: {  	v44 =	vadd.s32 v4, v54;
	v35 =	vld.idx.msk [tilespmem:v41+s3+$0x0], $0xffff  }
0x195: {  	v45 =	vadd.s32 v4, v56  }
0x196: {  	[tilespmem:s15+$0x10F10] =	vst v25  }
0x197: {  	v25 =	vld.idx.msk [tilespmem:v42+s3+$0x0], $0xffff;
	[tilespmem:s15+$0x11710] =	vst v30  }
0x198: {  	v26 =	vadd.s32 v5, v51;
	[tilespmem:s15+$0x11F10] =	vst v32;
	v46 =	vld.idx.msk [tilespmem:v43+s3+$0x0], $0xffff  }
0x199: {  	v27 =	vadd.s32 v5, v52;
	[tilespmem:s15+$0x12710] =	vst v35;
	v47 =	vld.idx.msk [tilespmem:v44+s3+$0x0], $0xffff  }
0x19a: {  	v29 =	vadd.s32 v5, v54;
	v48 =	vld.idx.msk [tilespmem:v45+s3+$0x0], $0xffff  }
0x19b: {  	v31 =	vadd.s32 v5, v56  }
0x19c: {  	v21 =	vperm.xlane v21, v19;
	[tilespmem:s15+$0x10F20] =	vst v25  }
0x19d: {  	v24 =	vperm.xlane v24, v19;
	v25 =	vld.idx.msk [tilespmem:v26+s3+$0x0], $0xffff;
	[tilespmem:s15+$0x11720] =	vst v46  }
0x19e: {  	v23 =	vperm.xlane v23, v19;
	v49 =	vadd.s32 v1, v21;
	[tilespmem:s15+$0x11F20] =	vst v47;
	v27 =	vld.idx.msk [tilespmem:v27+s3+$0x0], $0xffff  }
0x19f: {  	v22 =	vperm.xlane v22, v19;
	v50 =	vadd.s32 v1, v24;
	[tilespmem:s15+$0x12720] =	vst v48;
	v29 =	vld.idx.msk [tilespmem:v29+s3+$0x0], $0xffff  }
0x1a0: {  	v51 =	vadd.s32 v1, v23;
	v31 =	vld.idx.msk [tilespmem:v31+s3+$0x0], $0xffff  }
0x1a1: {  	v52 =	vadd.s32 v1, v22  }
0x1a2: {  	[tilespmem:s15+$0x10F30] =	vst v25  }
0x1a3: {  	v25 =	vld.idx.msk [tilespmem:v49+s3+$0x0], $0xffff;
	[tilespmem:s15+$0x11730] =	vst v27  }
0x1a4: {  	v53 =	vadd.s32 v3, v21;
	[tilespmem:s15+$0x11F30] =	vst v29;
	v27 =	vld.idx.msk [tilespmem:v50+s3+$0x0], $0xffff  }
0x1a5: {  	v54 =	vadd.s32 v3, v24;
	[tilespmem:s15+$0x12730] =	vst v31;
	v29 =	vld.idx.msk [tilespmem:v51+s3+$0x0], $0xffff  }
0x1a6: {  	v55 =	vadd.s32 v3, v23;
	v31 =	vld.idx.msk [tilespmem:v52+s3+$0x0], $0xffff  }
0x1a7: {  	v56 =	vadd.s32 v3, v22  }
0x1a8: {  	[tilespmem:s15+$0x10F80] =	vst v25  }
0x1a9: {  	v25 =	vld.idx.msk [tilespmem:v53+s3+$0x0], $0xffff;
	[tilespmem:s15+$0x11780] =	vst v27  }
0x1aa: {  	v57 =	vadd.s32 v4, v21;
	[tilespmem:s15+$0x11F80] =	vst v29;
	v27 =	vld.idx.msk [tilespmem:v54+s3+$0x0], $0xffff  }
0x1ab: {  	v58 =	vadd.s32 v4, v24;
	[tilespmem:s15+$0x12780] =	vst v31;
	v29 =	vld.idx.msk [tilespmem:v55+s3+$0x0], $0xffff  }
0x1ac: {  	v59 =	vadd.s32 v4, v23;
	v31 =	vld.idx.msk [tilespmem:v56+s3+$0x0], $0xffff  }
0x1ad: {  	v60 =	vadd.s32 v4, v22  }
0x1ae: {  	[tilespmem:s15+$0x10F90] =	vst v25  }
0x1af: {  	v25 =	vld.idx.msk [tilespmem:v57+s3+$0x0], $0xffff;
	[tilespmem:s15+$0x11790] =	vst v27  }
0x1b0: {  	v21 =	vadd.s32 v5, v21;
	[tilespmem:s15+$0x11F90] =	vst v29;
	v61 =	vld.idx.msk [tilespmem:v58+s3+$0x0], $0xffff  }
0x1b1: {  	v24 =	vadd.s32 v5, v24;
	[tilespmem:s15+$0x12790] =	vst v31;
	v62 =	vld.idx.msk [tilespmem:v59+s3+$0x0], $0xffff  }
0x1b2: {  	v23 =	vadd.s32 v5, v23;
	v63 =	vld.idx.msk [tilespmem:v60+s3+$0x0], $0xffff  }
0x1b3: {  	v22 =	vadd.s32 v5, v22  }
0x1b4: {  	[tilespmem:s15+$0x10FA0] =	vst v25  }
0x1b5: {  	v21 =	vld.idx.msk [tilespmem:v21+s3+$0x0], $0xffff;
	[tilespmem:s15+$0x117A0] =	vst v61  }
0x1b6: {  	[tilespmem:s15+$0x11FA0] =	vst v62;
	v24 =	vld.idx.msk [tilespmem:v24+s3+$0x0], $0xffff  }
0x1b7: {  	[tilespmem:s15+$0x127A0] =	vst v63;
	v23 =	vld.idx.msk [tilespmem:v23+s3+$0x0], $0xffff  }
0x1b8: {  	p2 =	por p1, p1;
	v22 =	vld.idx.msk [tilespmem:v22+s3+$0x0], $0xffff  }
.Ltmp0:
0x1b9: {  	_ = 	snop;
	(pc) =	sbr.rel @p2 .LBB2_3-.Ltmp0, $4  }
0x1ba: {  	[tilespmem:s15+$0x10FB0] =	vst v21  }
0x1bb: {  	[tilespmem:s15+$0x117B0] =	vst v24  }
0x1bc: {  	[tilespmem:s15+$0x11FB0] =	vst v23  }
0x1bd: {  	p1 =	por $0x0, $0x0;
	[tilespmem:s15+$0x127B0] =	vst v22;
	s15 =	simm.s32 $0x4  }
0x1be: {  	s15 =	sshll.u32 s14, $0xC  }
0x1bf: {  	s15 =	sadd.s32 s15, s5  }
0x1c0: {  	[hbm4b:s15+s3] =	stream.linear.scatter [tilespmem:s9], [sflag:$0x1], $0x4000, $0x38;
	[tilespmem:$0x18800] =	vst v63  }
0x1c1: {  	s15 =	sshllo.u32 s14, $0x1  }
0x1c2: {  	s17 =	sshll.u32 s15, $0x7  }
0x1c3: {  	s17 =	sand.u32 $0x3FFFFF80, s17  }
0x1c4: {  	s16 =	simm.s32 @!p0 $0x2;
	s17 =	sadd.s32 $0x10000, s17  }
0x1c5: {  	_ =	swait.ge @!p0 [sflag:s16], $0x4000;
	v20 =	vmov s17  }
0x1c6: {  	[sflag:s16] =	ssyncset.done @!p0 $0x0  }
0x1c7: {  	[sflag:s16] =	ssyncadd.s32 @!p0 $0xFFFFC000;
	s16 =	simm.s32 $0x0;
	p0 =	por $0x1, $0x1  }
.LBB2_5:
0x1c8: {  	s17 =	sshll.u32 s16, $0x4  }
0x1c9: {  	s18 =	sand.u32 $0x3FFFFFF0, s17  }
0x1ca: {  	v21 =	vld.idx.msk [tilespmem:v20+s18+$0x0 ss:$0x1], $0xffff;
	_ =	sdelay $0x4  }
0x1cb: {  	v21 =	vshll.u32 v21, $0x6  }
0x1cc: {  	v22 =	vperm.xlane v21, v2;
	_ =	sdelay $0x1  }
0x1cd: {  	v23 =	vadd.s32 v1, v22;
	_ =	sdelay $0x4  }
0x1ce: {  	v23 =	vld.idx.msk [tilespmem:v23+s3+$0x0], $0xffff  }
0x1cf: {  	v24 =	vadd.s32 v3, v22;
	_ =	sdelay $0x1  }
0x1d0: {  	s30 =	sshll.u32 s16, $0xB  }
0x1d1: {  	s16 =	sand.u32 $0x3FFFF800, s30  }
0x1d2: {  	[tilespmem:s16+$0x14800] =	vst v23  }
0x1d3: {  	v23 =	vld.idx.msk [tilespmem:v24+s3+$0x0], $0xffff  }
0x1d4: {  	v31 =	vadd.s32 v4, v22;
	_ =	sdelay $0x3  }
0x1d5: {  	[tilespmem:s16+$0x14810] =	vst v23  }
0x1d6: {  	v23 =	vld.idx.msk [tilespmem:v31+s3+$0x0], $0xffff  }
0x1d7: {  	v22 =	vadd.s32 v5, v22;
	_ =	sdelay $0x3  }
0x1d8: {  	[tilespmem:s16+$0x14820] =	vst v23;
	v23 =	vperm.xlane v21, v6  }
0x1d9: {  	v22 =	vld.idx.msk [tilespmem:v22+s3+$0x0], $0xffff  }
0x1da: {  	v32 =	vadd.s32 v1, v23;
	_ =	sdelay $0x3  }
0x1db: {  	[tilespmem:s16+$0x14830] =	vst v22  }
0x1dc: {  	v22 =	vld.idx.msk [tilespmem:v32+s3+$0x0], $0xffff  }
0x1dd: {  	v33 =	vadd.s32 v3, v23;
	_ =	sdelay $0x3  }
0x1de: {  	[tilespmem:s16+$0x14880] =	vst v22  }
0x1df: {  	v22 =	vld.idx.msk [tilespmem:v33+s3+$0x0], $0xffff  }
0x1e0: {  	v34 =	vadd.s32 v4, v23;
	_ =	sdelay $0x3  }
0x1e1: {  	[tilespmem:s16+$0x14890] =	vst v22  }
0x1e2: {  	v22 =	vld.idx.msk [tilespmem:v34+s3+$0x0], $0xffff  }
0x1e3: {  	v23 =	vadd.s32 v5, v23;
	_ =	sdelay $0x3  }
0x1e4: {  	[tilespmem:s16+$0x148A0] =	vst v22  }
0x1e5: {  	v22 =	vld.idx.msk [tilespmem:v23+s3+$0x0], $0xffff;
	_ =	sdelay $0x4  }
0x1e6: {  	s31 =	sor.u32 $0x10, s17;
	[tilespmem:s16+$0x148B0] =	vst v22  }
0x1e7: {  	s19 =	sor.u32 $0x20, s17;
	v22 =	vld.idx.msk [tilespmem:v20+s31+$0x0 ss:$0x1], $0xffff  }
0x1e8: {  	s17 =	sor.u32 $0x30, s17;
	v23 =	vld.idx.msk [tilespmem:v20+s19+$0x0 ss:$0x1], $0xffff  }
0x1e9: {  	v25 =	vld.idx.msk [tilespmem:v20+s17+$0x0 ss:$0x1], $0xffff;
	_ =	sdelay $0x2  }
0x1ea: {  	v24 =	vshll.u32 v22, $0x6  }
0x1eb: {  	v23 =	vshll.u32 v23, $0x6;
	v26 =	vperm.xlane v24, v2  }
0x1ec: {  	v22 =	vshll.u32 v25, $0x6;
	v27 =	vperm.xlane v23, v2  }
0x1ed: {  	v28 =	vperm.xlane v22, v2;
	v35 =	vadd.s32 v1, v26  }
0x1ee: {  	v29 =	vadd.s32 v1, v27  }
0x1ef: {  	v30 =	vadd.s32 v1, v28;
	_ =	sdelay $0x2  }
0x1f0: {  	v25 =	vld.idx.msk [tilespmem:v35+s3+$0x0], $0xffff  }
0x1f1: {  	v31 =	vadd.s32 v3, v26;
	v29 =	vld.idx.msk [tilespmem:v29+s3+$0x0], $0xffff  }
0x1f2: {  	v32 =	vadd.s32 v3, v27;
	v30 =	vld.idx.msk [tilespmem:v30+s3+$0x0], $0xffff  }
0x1f3: {  	s18 =	sshll.u32 s31, $0x7;
	v33 =	vadd.s32 v3, v28  }
0x1f4: {  	s18 =	sand.u32 $0x3FFFF800, s18;
	s19 =	sshll.u32 s19, $0x7  }
0x1f5: {  	s17 =	sshll.u32 s17, $0x7;
	s19 =	sand.u32 $0x3FFFF800, s19;
	[tilespmem:s18+$0x14800] =	vst v25  }
0x1f6: {  	s17 =	sand.u32 $0x3FFFF800, s17;
	[tilespmem:s19+$0x14800] =	vst v29;
	v25 =	vld.idx.msk [tilespmem:v31+s3+$0x0], $0xffff  }
0x1f7: {  	v36 =	vadd.s32 v4, v26;
	[tilespmem:s17+$0x14800] =	vst v30;
	v37 =	vld.idx.msk [tilespmem:v32+s3+$0x0], $0xffff  }
0x1f8: {  	v38 =	vadd.s32 v4, v27;
	v39 =	vld.idx.msk [tilespmem:v33+s3+$0x0], $0xffff  }
0x1f9: {  	v40 =	vadd.s32 v4, v28;
	_ =	sdelay $0x1  }
0x1fa: {  	[tilespmem:s18+$0x14810] =	vst v25  }
0x1fb: {  	[tilespmem:s19+$0x14810] =	vst v37;
	v25 =	vld.idx.msk [tilespmem:v36+s3+$0x0], $0xffff  }
0x1fc: {  	v26 =	vadd.s32 v5, v26;
	[tilespmem:s17+$0x14810] =	vst v39;
	v41 =	vld.idx.msk [tilespmem:v38+s3+$0x0], $0xffff  }
0x1fd: {  	v27 =	vadd.s32 v5, v27;
	v42 =	vld.idx.msk [tilespmem:v40+s3+$0x0], $0xffff  }
0x1fe: {  	v28 =	vadd.s32 v5, v28;
	_ =	sdelay $0x1  }
0x1ff: {  	v43 =	vperm.xlane v24, v6;
	[tilespmem:s18+$0x14820] =	vst v25  }
0x200: {  	v44 =	vperm.xlane v23, v6;
	[tilespmem:s19+$0x14820] =	vst v41;
	v26 =	vld.idx.msk [tilespmem:v26+s3+$0x0], $0xffff  }
0x201: {  	v46 =	vperm.xlane v22, v6;
	v45 =	vadd.s32 v1, v43;
	[tilespmem:s17+$0x14820] =	vst v42;
	v27 =	vld.idx.msk [tilespmem:v27+s3+$0x0], $0xffff  }
0x202: {  	v47 =	vadd.s32 v1, v44;
	v28 =	vld.idx.msk [tilespmem:v28+s3+$0x0], $0xffff  }
0x203: {  	v48 =	vadd.s32 v1, v46;
	_ =	sdelay $0x1  }
0x204: {  	[tilespmem:s18+$0x14830] =	vst v26  }
0x205: {  	[tilespmem:s19+$0x14830] =	vst v27;
	v26 =	vld.idx.msk [tilespmem:v45+s3+$0x0], $0xffff  }
0x206: {  	v49 =	vadd.s32 v3, v43;
	[tilespmem:s17+$0x14830] =	vst v28;
	v50 =	vld.idx.msk [tilespmem:v47+s3+$0x0], $0xffff  }
0x207: {  	v51 =	vadd.s32 v3, v44;
	v52 =	vld.idx.msk [tilespmem:v48+s3+$0x0], $0xffff  }
0x208: {  	v53 =	vadd.s32 v3, v46;
	_ =	sdelay $0x1  }
0x209: {  	[tilespmem:s16+$0x15080] =	vst v26  }
0x20a: {  	[tilespmem:s16+$0x15880] =	vst v50;
	v26 =	vld.idx.msk [tilespmem:v49+s3+$0x0], $0xffff  }
0x20b: {  	v54 =	vadd.s32 v4, v43;
	[tilespmem:s16+$0x16080] =	vst v52;
	v28 =	vld.idx.msk [tilespmem:v51+s3+$0x0], $0xffff  }
0x20c: {  	v55 =	vadd.s32 v4, v44;
	v32 =	vld.idx.msk [tilespmem:v53+s3+$0x0], $0xffff  }
0x20d: {  	v56 =	vadd.s32 v4, v46;
	_ =	sdelay $0x1  }
0x20e: {  	[tilespmem:s16+$0x15090] =	vst v26  }
0x20f: {  	[tilespmem:s16+$0x15890] =	vst v28;
	v26 =	vld.idx.msk [tilespmem:v54+s3+$0x0], $0xffff  }
0x210: {  	v25 =	vadd.s32 v5, v43;
	[tilespmem:s16+$0x16090] =	vst v32;
	v57 =	vld.idx.msk [tilespmem:v55+s3+$0x0], $0xffff  }
0x211: {  	v58 =	vadd.s32 v5, v44;
	v59 =	vld.idx.msk [tilespmem:v56+s3+$0x0], $0xffff  }
0x212: {  	v30 =	vadd.s32 v5, v46  }
0x213: {  	v60 =	vperm.xlane v21, v7  }
0x214: {  	v61 =	vperm.xlane v24, v7;
	[tilespmem:s16+$0x150A0] =	vst v26  }
0x215: {  	v62 =	vadd.s32 v1, v60;
	v63 =	vperm.xlane v23, v7;
	[tilespmem:s16+$0x158A0] =	vst v57;
	v25 =	vld.idx.msk [tilespmem:v25+s3+$0x0], $0xffff  }
0x216: {  	v40 =	vadd.s32 v1, v61;
	v41 =	vperm.xlane v22, v7;
	[tilespmem:s16+$0x160A0] =	vst v59;
	v28 =	vld.idx.msk [tilespmem:v58+s3+$0x0], $0xffff  }
0x217: {  	v34 =	vadd.s32 v1, v63;
	v30 =	vld.idx.msk [tilespmem:v30+s3+$0x0], $0xffff  }
0x218: {  	v35 =	vadd.s32 v1, v41;
	_ =	sdelay $0x1  }
0x219: {  	v32 =	vld.idx.msk [tilespmem:v62+s3+$0x0], $0xffff;
	[tilespmem:s16+$0x150B0] =	vst v25  }
0x21a: {  	v42 =	vadd.s32 v3, v60;
	[tilespmem:s16+$0x158B0] =	vst v28;
	v33 =	vld.idx.msk [tilespmem:v40+s3+$0x0], $0xffff  }
0x21b: {  	v43 =	vadd.s32 v3, v61;
	[tilespmem:s16+$0x160B0] =	vst v30;
	v34 =	vld.idx.msk [tilespmem:v34+s3+$0x0], $0xffff  }
0x21c: {  	v44 =	vadd.s32 v3, v63;
	v35 =	vld.idx.msk [tilespmem:v35+s3+$0x0], $0xffff  }
0x21d: {  	v36 =	vadd.s32 v3, v41  }
0x21e: {  	[tilespmem:s16+$0x14900] =	vst v32  }
0x21f: {  	v25 =	vld.idx.msk [tilespmem:v42+s3+$0x0], $0xffff;
	[tilespmem:s16+$0x15100] =	vst v33  }
0x220: {  	v45 =	vadd.s32 v4, v60;
	[tilespmem:s16+$0x15900] =	vst v34;
	v28 =	vld.idx.msk [tilespmem:v43+s3+$0x0], $0xffff  }
0x221: {  	v46 =	vadd.s32 v4, v61;
	[tilespmem:s16+$0x16100] =	vst v35;
	v30 =	vld.idx.msk [tilespmem:v44+s3+$0x0], $0xffff  }
0x222: {  	v47 =	vadd.s32 v4, v63;
	v35 =	vld.idx.msk [tilespmem:v36+s3+$0x0], $0xffff  }
0x223: {  	v48 =	vadd.s32 v4, v41  }
0x224: {  	[tilespmem:s16+$0x14910] =	vst v25  }
0x225: {  	v25 =	vld.idx.msk [tilespmem:v45+s3+$0x0], $0xffff;
	[tilespmem:s16+$0x15110] =	vst v28  }
0x226: {  	v49 =	vadd.s32 v5, v60;
	[tilespmem:s16+$0x15910] =	vst v30;
	v50 =	vld.idx.msk [tilespmem:v46+s3+$0x0], $0xffff  }
0x227: {  	v26 =	vadd.s32 v5, v61;
	[tilespmem:s16+$0x16110] =	vst v35;
	v30 =	vld.idx.msk [tilespmem:v47+s3+$0x0], $0xffff  }
0x228: {  	v27 =	vadd.s32 v5, v63;
	v51 =	vld.idx.msk [tilespmem:v48+s3+$0x0], $0xffff  }
0x229: {  	v29 =	vadd.s32 v5, v41  }
0x22a: {  	v52 =	vperm.xlane v21, v8;
	[tilespmem:s16+$0x14920] =	vst v25  }
0x22b: {  	v53 =	vperm.xlane v24, v8;
	v28 =	vld.idx.msk [tilespmem:v49+s3+$0x0], $0xffff;
	[tilespmem:s16+$0x15120] =	vst v50  }
0x22c: {  	v54 =	vadd.s32 v1, v52;
	v55 =	vperm.xlane v23, v8;
	[tilespmem:s16+$0x15920] =	vst v30;
	v26 =	vld.idx.msk [tilespmem:v26+s3+$0x0], $0xffff  }
0x22d: {  	v56 =	vadd.s32 v1, v53;
	v57 =	vperm.xlane v22, v8;
	[tilespmem:s16+$0x16120] =	vst v51;
	v27 =	vld.idx.msk [tilespmem:v27+s3+$0x0], $0xffff  }
0x22e: {  	v58 =	vadd.s32 v1, v55;
	v29 =	vld.idx.msk [tilespmem:v29+s3+$0x0], $0xffff  }
0x22f: {  	v59 =	vadd.s32 v1, v57  }
0x230: {  	[tilespmem:s16+$0x14930] =	vst v28  }
0x231: {  	v28 =	vld.idx.msk [tilespmem:v54+s3+$0x0], $0xffff;
	[tilespmem:s16+$0x15130] =	vst v26  }
0x232: {  	v60 =	vadd.s32 v3, v52;
	[tilespmem:s16+$0x15930] =	vst v27;
	v61 =	vld.idx.msk [tilespmem:v56+s3+$0x0], $0xffff  }
0x233: {  	v62 =	vadd.s32 v3, v53;
	[tilespmem:s16+$0x16130] =	vst v29;
	v63 =	vld.idx.msk [tilespmem:v58+s3+$0x0], $0xffff  }
0x234: {  	v40 =	vadd.s32 v3, v55;
	v41 =	vld.idx.msk [tilespmem:v59+s3+$0x0], $0xffff  }
0x235: {  	v42 =	vadd.s32 v3, v57  }
0x236: {  	[tilespmem:s16+$0x14980] =	vst v28  }
0x237: {  	v26 =	vld.idx.msk [tilespmem:v60+s3+$0x0], $0xffff;
	[tilespmem:s16+$0x15180] =	vst v61  }
0x238: {  	v43 =	vadd.s32 v4, v52;
	[tilespmem:s16+$0x15980] =	vst v63;
	v27 =	vld.idx.msk [tilespmem:v62+s3+$0x0], $0xffff  }
0x239: {  	v44 =	vadd.s32 v4, v53;
	[tilespmem:s16+$0x16180] =	vst v41;
	v29 =	vld.idx.msk [tilespmem:v40+s3+$0x0], $0xffff  }
0x23a: {  	v45 =	vadd.s32 v4, v55;
	v35 =	vld.idx.msk [tilespmem:v42+s3+$0x0], $0xffff  }
0x23b: {  	v46 =	vadd.s32 v4, v57  }
0x23c: {  	[tilespmem:s16+$0x14990] =	vst v26  }
0x23d: {  	v26 =	vld.idx.msk [tilespmem:v43+s3+$0x0], $0xffff;
	[tilespmem:s16+$0x15190] =	vst v27  }
0x23e: {  	v25 =	vadd.s32 v5, v52;
	[tilespmem:s16+$0x15990] =	vst v29;
	v27 =	vld.idx.msk [tilespmem:v44+s3+$0x0], $0xffff  }
0x23f: {  	v47 =	vadd.s32 v5, v53;
	[tilespmem:s16+$0x16190] =	vst v35;
	v29 =	vld.idx.msk [tilespmem:v45+s3+$0x0], $0xffff  }
0x240: {  	v30 =	vadd.s32 v5, v55;
	v48 =	vld.idx.msk [tilespmem:v46+s3+$0x0], $0xffff  }
0x241: {  	v32 =	vadd.s32 v5, v57  }
0x242: {  	v49 =	vperm.xlane v21, v9;
	[tilespmem:s16+$0x149A0] =	vst v26  }
0x243: {  	v50 =	vperm.xlane v24, v9;
	v25 =	vld.idx.msk [tilespmem:v25+s3+$0x0], $0xffff;
	[tilespmem:s16+$0x151A0] =	vst v27  }
0x244: {  	v52 =	vperm.xlane v23, v9;
	v51 =	vadd.s32 v1, v49;
	[tilespmem:s16+$0x159A0] =	vst v29;
	v28 =	vld.idx.msk [tilespmem:v47+s3+$0x0], $0xffff  }
0x245: {  	v54 =	vperm.xlane v22, v9;
	v53 =	vadd.s32 v1, v50;
	[tilespmem:s16+$0x161A0] =	vst v48;
	v30 =	vld.idx.msk [tilespmem:v30+s3+$0x0], $0xffff  }
0x246: {  	v55 =	vadd.s32 v1, v52;
	v32 =	vld.idx.msk [tilespmem:v32+s3+$0x0], $0xffff  }
0x247: {  	v56 =	vadd.s32 v1, v54  }
0x248: {  	[tilespmem:s16+$0x149B0] =	vst v25  }
0x249: {  	v25 =	vld.idx.msk [tilespmem:v51+s3+$0x0], $0xffff;
	[tilespmem:s16+$0x151B0] =	vst v28  }
0x24a: {  	v57 =	vadd.s32 v3, v49;
	[tilespmem:s16+$0x159B0] =	vst v30;
	v58 =	vld.idx.msk [tilespmem:v53+s3+$0x0], $0xffff  }
0x24b: {  	v59 =	vadd.s32 v3, v50;
	[tilespmem:s16+$0x161B0] =	vst v32;
	v60 =	vld.idx.msk [tilespmem:v55+s3+$0x0], $0xffff  }
0x24c: {  	v61 =	vadd.s32 v3, v52;
	v62 =	vld.idx.msk [tilespmem:v56+s3+$0x0], $0xffff  }
0x24d: {  	v63 =	vadd.s32 v3, v54  }
0x24e: {  	[tilespmem:s16+$0x14A00] =	vst v25  }
0x24f: {  	v25 =	vld.idx.msk [tilespmem:v57+s3+$0x0], $0xffff;
	[tilespmem:s16+$0x15200] =	vst v58  }
0x250: {  	v40 =	vadd.s32 v4, v49;
	[tilespmem:s16+$0x15A00] =	vst v60;
	v30 =	vld.idx.msk [tilespmem:v59+s3+$0x0], $0xffff  }
0x251: {  	v41 =	vadd.s32 v4, v50;
	[tilespmem:s16+$0x16200] =	vst v62;
	v32 =	vld.idx.msk [tilespmem:v61+s3+$0x0], $0xffff  }
0x252: {  	v42 =	vadd.s32 v4, v52;
	v35 =	vld.idx.msk [tilespmem:v63+s3+$0x0], $0xffff  }
0x253: {  	v43 =	vadd.s32 v4, v54  }
0x254: {  	[tilespmem:s16+$0x14A10] =	vst v25  }
0x255: {  	v25 =	vld.idx.msk [tilespmem:v40+s3+$0x0], $0xffff;
	[tilespmem:s16+$0x15210] =	vst v30  }
0x256: {  	v26 =	vadd.s32 v5, v49;
	[tilespmem:s16+$0x15A10] =	vst v32;
	v44 =	vld.idx.msk [tilespmem:v41+s3+$0x0], $0xffff  }
0x257: {  	v27 =	vadd.s32 v5, v50;
	[tilespmem:s16+$0x16210] =	vst v35;
	v45 =	vld.idx.msk [tilespmem:v42+s3+$0x0], $0xffff  }
0x258: {  	v29 =	vadd.s32 v5, v52;
	v46 =	vld.idx.msk [tilespmem:v43+s3+$0x0], $0xffff  }
0x259: {  	v31 =	vadd.s32 v5, v54  }
0x25a: {  	v47 =	vperm.xlane v21, v10;
	[tilespmem:s16+$0x14A20] =	vst v25  }
0x25b: {  	v48 =	vperm.xlane v24, v10;
	v26 =	vld.idx.msk [tilespmem:v26+s3+$0x0], $0xffff;
	[tilespmem:s16+$0x15220] =	vst v44  }
0x25c: {  	v50 =	vperm.xlane v23, v10;
	v49 =	vadd.s32 v1, v47;
	[tilespmem:s16+$0x15A20] =	vst v45;
	v27 =	vld.idx.msk [tilespmem:v27+s3+$0x0], $0xffff  }
0x25d: {  	v52 =	vperm.xlane v22, v10;
	v51 =	vadd.s32 v1, v48;
	[tilespmem:s16+$0x16220] =	vst v46;
	v29 =	vld.idx.msk [tilespmem:v29+s3+$0x0], $0xffff  }
0x25e: {  	v53 =	vadd.s32 v1, v50;
	v31 =	vld.idx.msk [tilespmem:v31+s3+$0x0], $0xffff  }
0x25f: {  	v54 =	vadd.s32 v1, v52  }
0x260: {  	[tilespmem:s16+$0x14A30] =	vst v26  }
0x261: {  	v26 =	vld.idx.msk [tilespmem:v49+s3+$0x0], $0xffff;
	[tilespmem:s16+$0x15230] =	vst v27  }
0x262: {  	v55 =	vadd.s32 v3, v47;
	[tilespmem:s16+$0x15A30] =	vst v29;
	v56 =	vld.idx.msk [tilespmem:v51+s3+$0x0], $0xffff  }
0x263: {  	v57 =	vadd.s32 v3, v48;
	[tilespmem:s16+$0x16230] =	vst v31;
	v58 =	vld.idx.msk [tilespmem:v53+s3+$0x0], $0xffff  }
0x264: {  	v59 =	vadd.s32 v3, v50;
	v60 =	vld.idx.msk [tilespmem:v54+s3+$0x0], $0xffff  }
0x265: {  	v61 =	vadd.s32 v3, v52  }
0x266: {  	[tilespmem:s16+$0x14A80] =	vst v26  }
0x267: {  	v26 =	vld.idx.msk [tilespmem:v55+s3+$0x0], $0xffff;
	[tilespmem:s16+$0x15280] =	vst v56  }
0x268: {  	v62 =	vadd.s32 v4, v47;
	[tilespmem:s16+$0x15A80] =	vst v58;
	v29 =	vld.idx.msk [tilespmem:v57+s3+$0x0], $0xffff  }
0x269: {  	v63 =	vadd.s32 v4, v48;
	[tilespmem:s16+$0x16280] =	vst v60;
	v31 =	vld.idx.msk [tilespmem:v59+s3+$0x0], $0xffff  }
0x26a: {  	v40 =	vadd.s32 v4, v50;
	v35 =	vld.idx.msk [tilespmem:v61+s3+$0x0], $0xffff  }
0x26b: {  	v41 =	vadd.s32 v4, v52  }
0x26c: {  	[tilespmem:s16+$0x14A90] =	vst v26  }
0x26d: {  	v26 =	vld.idx.msk [tilespmem:v62+s3+$0x0], $0xffff;
	[tilespmem:s16+$0x15290] =	vst v29  }
0x26e: {  	v25 =	vadd.s32 v5, v47;
	[tilespmem:s16+$0x15A90] =	vst v31;
	v42 =	vld.idx.msk [tilespmem:v63+s3+$0x0], $0xffff  }
0x26f: {  	v28 =	vadd.s32 v5, v48;
	[tilespmem:s16+$0x16290] =	vst v35;
	v43 =	vld.idx.msk [tilespmem:v40+s3+$0x0], $0xffff  }
0x270: {  	v30 =	vadd.s32 v5, v50;
	v44 =	vld.idx.msk [tilespmem:v41+s3+$0x0], $0xffff  }
0x271: {  	v32 =	vadd.s32 v5, v52  }
0x272: {  	v45 =	vperm.xlane v21, v0;
	[tilespmem:s16+$0x14AA0] =	vst v26  }
0x273: {  	v46 =	vperm.xlane v24, v0;
	v25 =	vld.idx.msk [tilespmem:v25+s3+$0x0], $0xffff;
	[tilespmem:s16+$0x152A0] =	vst v42  }
0x274: {  	v48 =	vperm.xlane v23, v0;
	v47 =	vadd.s32 v1, v45;
	[tilespmem:s16+$0x15AA0] =	vst v43;
	v28 =	vld.idx.msk [tilespmem:v28+s3+$0x0], $0xffff  }
0x275: {  	v50 =	vperm.xlane v22, v0;
	v49 =	vadd.s32 v1, v46;
	[tilespmem:s16+$0x162A0] =	vst v44;
	v30 =	vld.idx.msk [tilespmem:v30+s3+$0x0], $0xffff  }
0x276: {  	v51 =	vadd.s32 v1, v48;
	v32 =	vld.idx.msk [tilespmem:v32+s3+$0x0], $0xffff  }
0x277: {  	v52 =	vadd.s32 v1, v50  }
0x278: {  	[tilespmem:s16+$0x14AB0] =	vst v25  }
0x279: {  	v25 =	vld.idx.msk [tilespmem:v47+s3+$0x0], $0xffff;
	[tilespmem:s16+$0x152B0] =	vst v28  }
0x27a: {  	v53 =	vadd.s32 v3, v45;
	[tilespmem:s16+$0x15AB0] =	vst v30;
	v54 =	vld.idx.msk [tilespmem:v49+s3+$0x0], $0xffff  }
0x27b: {  	v55 =	vadd.s32 v3, v46;
	[tilespmem:s16+$0x162B0] =	vst v32;
	v56 =	vld.idx.msk [tilespmem:v51+s3+$0x0], $0xffff  }
0x27c: {  	v57 =	vadd.s32 v3, v48;
	v58 =	vld.idx.msk [tilespmem:v52+s3+$0x0], $0xffff  }
0x27d: {  	v59 =	vadd.s32 v3, v50  }
0x27e: {  	[tilespmem:s16+$0x14B00] =	vst v25  }
0x27f: {  	v25 =	vld.idx.msk [tilespmem:v53+s3+$0x0], $0xffff;
	[tilespmem:s16+$0x15300] =	vst v54  }
0x280: {  	v60 =	vadd.s32 v4, v45;
	[tilespmem:s16+$0x15B00] =	vst v56;
	v30 =	vld.idx.msk [tilespmem:v55+s3+$0x0], $0xffff  }
0x281: {  	v61 =	vadd.s32 v4, v46;
	[tilespmem:s16+$0x16300] =	vst v58;
	v32 =	vld.idx.msk [tilespmem:v57+s3+$0x0], $0xffff  }
0x282: {  	v62 =	vadd.s32 v4, v48;
	v35 =	vld.idx.msk [tilespmem:v59+s3+$0x0], $0xffff  }
0x283: {  	v63 =	vadd.s32 v4, v50  }
0x284: {  	[tilespmem:s16+$0x14B10] =	vst v25  }
0x285: {  	v25 =	vld.idx.msk [tilespmem:v60+s3+$0x0], $0xffff;
	[tilespmem:s16+$0x15310] =	vst v30  }
0x286: {  	v26 =	vadd.s32 v5, v45;
	[tilespmem:s16+$0x15B10] =	vst v32;
	v38 =	vld.idx.msk [tilespmem:v61+s3+$0x0], $0xffff  }
0x287: {  	v27 =	vadd.s32 v5, v46;
	[tilespmem:s16+$0x16310] =	vst v35;
	v39 =	vld.idx.msk [tilespmem:v62+s3+$0x0], $0xffff  }
0x288: {  	v29 =	vadd.s32 v5, v48;
	v40 =	vld.idx.msk [tilespmem:v63+s3+$0x0], $0xffff  }
0x289: {  	v31 =	vadd.s32 v5, v50  }
0x28a: {  	v41 =	vperm.xlane v21, v11;
	[tilespmem:s16+$0x14B20] =	vst v25  }
0x28b: {  	v42 =	vperm.xlane v24, v11;
	v26 =	vld.idx.msk [tilespmem:v26+s3+$0x0], $0xffff;
	[tilespmem:s16+$0x15320] =	vst v38  }
0x28c: {  	v43 =	vadd.s32 v1, v41;
	v44 =	vperm.xlane v23, v11;
	[tilespmem:s16+$0x15B20] =	vst v39;
	v27 =	vld.idx.msk [tilespmem:v27+s3+$0x0], $0xffff  }
0x28d: {  	v46 =	vperm.xlane v22, v11;
	v45 =	vadd.s32 v1, v42;
	[tilespmem:s16+$0x16320] =	vst v40;
	v29 =	vld.idx.msk [tilespmem:v29+s3+$0x0], $0xffff  }
0x28e: {  	v47 =	vadd.s32 v1, v44;
	v31 =	vld.idx.msk [tilespmem:v31+s3+$0x0], $0xffff  }
0x28f: {  	v48 =	vadd.s32 v1, v46  }
0x290: {  	[tilespmem:s16+$0x14B30] =	vst v26  }
0x291: {  	v26 =	vld.idx.msk [tilespmem:v43+s3+$0x0], $0xffff;
	[tilespmem:s16+$0x15330] =	vst v27  }
0x292: {  	v49 =	vadd.s32 v3, v41;
	[tilespmem:s16+$0x15B30] =	vst v29;
	v50 =	vld.idx.msk [tilespmem:v45+s3+$0x0], $0xffff  }
0x293: {  	v51 =	vadd.s32 v3, v42;
	[tilespmem:s16+$0x16330] =	vst v31;
	v52 =	vld.idx.msk [tilespmem:v47+s3+$0x0], $0xffff  }
0x294: {  	v53 =	vadd.s32 v3, v44;
	v54 =	vld.idx.msk [tilespmem:v48+s3+$0x0], $0xffff  }
0x295: {  	v55 =	vadd.s32 v3, v46  }
0x296: {  	[tilespmem:s16+$0x14B80] =	vst v26  }
0x297: {  	v26 =	vld.idx.msk [tilespmem:v49+s3+$0x0], $0xffff;
	[tilespmem:s16+$0x15380] =	vst v50  }
0x298: {  	v56 =	vadd.s32 v4, v41;
	[tilespmem:s16+$0x15B80] =	vst v52;
	v29 =	vld.idx.msk [tilespmem:v51+s3+$0x0], $0xffff  }
0x299: {  	v57 =	vadd.s32 v4, v42;
	[tilespmem:s16+$0x16380] =	vst v54;
	v31 =	vld.idx.msk [tilespmem:v53+s3+$0x0], $0xffff  }
0x29a: {  	v58 =	vadd.s32 v4, v44;
	v35 =	vld.idx.msk [tilespmem:v55+s3+$0x0], $0xffff  }
0x29b: {  	v59 =	vadd.s32 v4, v46  }
0x29c: {  	[tilespmem:s16+$0x14B90] =	vst v26  }
0x29d: {  	v26 =	vld.idx.msk [tilespmem:v56+s3+$0x0], $0xffff;
	[tilespmem:s16+$0x15390] =	vst v29  }
0x29e: {  	v25 =	vadd.s32 v5, v41;
	[tilespmem:s16+$0x15B90] =	vst v31;
	v60 =	vld.idx.msk [tilespmem:v57+s3+$0x0], $0xffff  }
0x29f: {  	v28 =	vadd.s32 v5, v42;
	[tilespmem:s16+$0x16390] =	vst v35;
	v61 =	vld.idx.msk [tilespmem:v58+s3+$0x0], $0xffff  }
0x2a0: {  	v30 =	vadd.s32 v5, v44;
	v62 =	vld.idx.msk [tilespmem:v59+s3+$0x0], $0xffff  }
0x2a1: {  	v32 =	vadd.s32 v5, v46  }
0x2a2: {  	v63 =	vperm.xlane v21, v12;
	[tilespmem:s16+$0x14BA0] =	vst v26  }
0x2a3: {  	v40 =	vperm.xlane v24, v12;
	v25 =	vld.idx.msk [tilespmem:v25+s3+$0x0], $0xffff;
	[tilespmem:s16+$0x153A0] =	vst v60  }
0x2a4: {  	v42 =	vperm.xlane v23, v12;
	v41 =	vadd.s32 v1, v63;
	[tilespmem:s16+$0x15BA0] =	vst v61;
	v28 =	vld.idx.msk [tilespmem:v28+s3+$0x0], $0xffff  }
0x2a5: {  	v44 =	vperm.xlane v22, v12;
	v43 =	vadd.s32 v1, v40;
	[tilespmem:s16+$0x163A0] =	vst v62;
	v30 =	vld.idx.msk [tilespmem:v30+s3+$0x0], $0xffff  }
0x2a6: {  	v45 =	vadd.s32 v1, v42;
	v32 =	vld.idx.msk [tilespmem:v32+s3+$0x0], $0xffff  }
0x2a7: {  	v46 =	vadd.s32 v1, v44  }
0x2a8: {  	[tilespmem:s16+$0x14BB0] =	vst v25  }
0x2a9: {  	v25 =	vld.idx.msk [tilespmem:v41+s3+$0x0], $0xffff;
	[tilespmem:s16+$0x153B0] =	vst v28  }
0x2aa: {  	v47 =	vadd.s32 v3, v63;
	[tilespmem:s16+$0x15BB0] =	vst v30;
	v48 =	vld.idx.msk [tilespmem:v43+s3+$0x0], $0xffff  }
0x2ab: {  	v49 =	vadd.s32 v3, v40;
	[tilespmem:s16+$0x163B0] =	vst v32;
	v50 =	vld.idx.msk [tilespmem:v45+s3+$0x0], $0xffff  }
0x2ac: {  	v51 =	vadd.s32 v3, v42;
	v52 =	vld.idx.msk [tilespmem:v46+s3+$0x0], $0xffff  }
0x2ad: {  	v53 =	vadd.s32 v3, v44  }
0x2ae: {  	[tilespmem:s16+$0x14C00] =	vst v25  }
0x2af: {  	v25 =	vld.idx.msk [tilespmem:v47+s3+$0x0], $0xffff;
	[tilespmem:s16+$0x15400] =	vst v48  }
0x2b0: {  	v54 =	vadd.s32 v4, v63;
	[tilespmem:s16+$0x15C00] =	vst v50;
	v30 =	vld.idx.msk [tilespmem:v49+s3+$0x0], $0xffff  }
0x2b1: {  	v55 =	vadd.s32 v4, v40;
	[tilespmem:s16+$0x16400] =	vst v52;
	v32 =	vld.idx.msk [tilespmem:v51+s3+$0x0], $0xffff  }
0x2b2: {  	v56 =	vadd.s32 v4, v42;
	v35 =	vld.idx.msk [tilespmem:v53+s3+$0x0], $0xffff  }
0x2b3: {  	v57 =	vadd.s32 v4, v44  }
0x2b4: {  	[tilespmem:s16+$0x14C10] =	vst v25  }
0x2b5: {  	v25 =	vld.idx.msk [tilespmem:v54+s3+$0x0], $0xffff;
	[tilespmem:s16+$0x15410] =	vst v30  }
0x2b6: {  	v26 =	vadd.s32 v5, v63;
	[tilespmem:s16+$0x15C10] =	vst v32;
	v58 =	vld.idx.msk [tilespmem:v55+s3+$0x0], $0xffff  }
0x2b7: {  	v27 =	vadd.s32 v5, v40;
	[tilespmem:s16+$0x16410] =	vst v35;
	v59 =	vld.idx.msk [tilespmem:v56+s3+$0x0], $0xffff  }
0x2b8: {  	v29 =	vadd.s32 v5, v42;
	v60 =	vld.idx.msk [tilespmem:v57+s3+$0x0], $0xffff  }
0x2b9: {  	v31 =	vadd.s32 v5, v44  }
0x2ba: {  	v61 =	vperm.xlane v21, v13;
	[tilespmem:s16+$0x14C20] =	vst v25  }
0x2bb: {  	v62 =	vperm.xlane v24, v13;
	v26 =	vld.idx.msk [tilespmem:v26+s3+$0x0], $0xffff;
	[tilespmem:s16+$0x15420] =	vst v58  }
0x2bc: {  	v40 =	vperm.xlane v23, v13;
	v63 =	vadd.s32 v1, v61;
	[tilespmem:s16+$0x15C20] =	vst v59;
	v27 =	vld.idx.msk [tilespmem:v27+s3+$0x0], $0xffff  }
0x2bd: {  	v42 =	vperm.xlane v22, v13;
	v41 =	vadd.s32 v1, v62;
	[tilespmem:s16+$0x16420] =	vst v60;
	v29 =	vld.idx.msk [tilespmem:v29+s3+$0x0], $0xffff  }
0x2be: {  	v43 =	vadd.s32 v1, v40;
	v31 =	vld.idx.msk [tilespmem:v31+s3+$0x0], $0xffff  }
0x2bf: {  	v44 =	vadd.s32 v1, v42  }
0x2c0: {  	[tilespmem:s16+$0x14C30] =	vst v26  }
0x2c1: {  	v26 =	vld.idx.msk [tilespmem:v63+s3+$0x0], $0xffff;
	[tilespmem:s16+$0x15430] =	vst v27  }
0x2c2: {  	v45 =	vadd.s32 v3, v61;
	[tilespmem:s16+$0x15C30] =	vst v29;
	v46 =	vld.idx.msk [tilespmem:v41+s3+$0x0], $0xffff  }
0x2c3: {  	v47 =	vadd.s32 v3, v62;
	[tilespmem:s16+$0x16430] =	vst v31;
	v48 =	vld.idx.msk [tilespmem:v43+s3+$0x0], $0xffff  }
0x2c4: {  	v49 =	vadd.s32 v3, v40;
	v50 =	vld.idx.msk [tilespmem:v44+s3+$0x0], $0xffff  }
0x2c5: {  	v51 =	vadd.s32 v3, v42  }
0x2c6: {  	[tilespmem:s16+$0x14C80] =	vst v26  }
0x2c7: {  	v26 =	vld.idx.msk [tilespmem:v45+s3+$0x0], $0xffff;
	[tilespmem:s16+$0x15480] =	vst v46  }
0x2c8: {  	v52 =	vadd.s32 v4, v61;
	[tilespmem:s16+$0x15C80] =	vst v48;
	v29 =	vld.idx.msk [tilespmem:v47+s3+$0x0], $0xffff  }
0x2c9: {  	v53 =	vadd.s32 v4, v62;
	[tilespmem:s16+$0x16480] =	vst v50;
	v31 =	vld.idx.msk [tilespmem:v49+s3+$0x0], $0xffff  }
0x2ca: {  	v54 =	vadd.s32 v4, v40;
	v35 =	vld.idx.msk [tilespmem:v51+s3+$0x0], $0xffff  }
0x2cb: {  	v55 =	vadd.s32 v4, v42  }
0x2cc: {  	[tilespmem:s16+$0x14C90] =	vst v26  }
0x2cd: {  	v26 =	vld.idx.msk [tilespmem:v52+s3+$0x0], $0xffff;
	[tilespmem:s16+$0x15490] =	vst v29  }
0x2ce: {  	v25 =	vadd.s32 v5, v61;
	[tilespmem:s16+$0x15C90] =	vst v31;
	v56 =	vld.idx.msk [tilespmem:v53+s3+$0x0], $0xffff  }
0x2cf: {  	v28 =	vadd.s32 v5, v62;
	[tilespmem:s16+$0x16490] =	vst v35;
	v57 =	vld.idx.msk [tilespmem:v54+s3+$0x0], $0xffff  }
0x2d0: {  	v30 =	vadd.s32 v5, v40;
	v58 =	vld.idx.msk [tilespmem:v55+s3+$0x0], $0xffff  }
0x2d1: {  	v32 =	vadd.s32 v5, v42  }
0x2d2: {  	v59 =	vperm.xlane v21, v14;
	[tilespmem:s16+$0x14CA0] =	vst v26  }
0x2d3: {  	v60 =	vperm.xlane v24, v14;
	v25 =	vld.idx.msk [tilespmem:v25+s3+$0x0], $0xffff;
	[tilespmem:s16+$0x154A0] =	vst v56  }
0x2d4: {  	v62 =	vperm.xlane v23, v14;
	v61 =	vadd.s32 v1, v59;
	[tilespmem:s16+$0x15CA0] =	vst v57;
	v28 =	vld.idx.msk [tilespmem:v28+s3+$0x0], $0xffff  }
0x2d5: {  	v40 =	vperm.xlane v22, v14;
	v63 =	vadd.s32 v1, v60;
	[tilespmem:s16+$0x164A0] =	vst v58;
	v30 =	vld.idx.msk [tilespmem:v30+s3+$0x0], $0xffff  }
0x2d6: {  	v41 =	vadd.s32 v1, v62;
	v32 =	vld.idx.msk [tilespmem:v32+s3+$0x0], $0xffff  }
0x2d7: {  	v42 =	vadd.s32 v1, v40  }
0x2d8: {  	[tilespmem:s16+$0x14CB0] =	vst v25  }
0x2d9: {  	v25 =	vld.idx.msk [tilespmem:v61+s3+$0x0], $0xffff;
	[tilespmem:s16+$0x154B0] =	vst v28  }
0x2da: {  	v43 =	vadd.s32 v3, v59;
	[tilespmem:s16+$0x15CB0] =	vst v30;
	v44 =	vld.idx.msk [tilespmem:v63+s3+$0x0], $0xffff  }
0x2db: {  	v45 =	vadd.s32 v3, v60;
	[tilespmem:s16+$0x164B0] =	vst v32;
	v46 =	vld.idx.msk [tilespmem:v41+s3+$0x0], $0xffff  }
0x2dc: {  	v47 =	vadd.s32 v3, v62;
	v48 =	vld.idx.msk [tilespmem:v42+s3+$0x0], $0xffff  }
0x2dd: {  	v49 =	vadd.s32 v3, v40  }
0x2de: {  	[tilespmem:s16+$0x14D00] =	vst v25  }
0x2df: {  	v25 =	vld.idx.msk [tilespmem:v43+s3+$0x0], $0xffff;
	[tilespmem:s16+$0x15500] =	vst v44  }
0x2e0: {  	v50 =	vadd.s32 v4, v59;
	[tilespmem:s16+$0x15D00] =	vst v46;
	v30 =	vld.idx.msk [tilespmem:v45+s3+$0x0], $0xffff  }
0x2e1: {  	v51 =	vadd.s32 v4, v60;
	[tilespmem:s16+$0x16500] =	vst v48;
	v32 =	vld.idx.msk [tilespmem:v47+s3+$0x0], $0xffff  }
0x2e2: {  	v52 =	vadd.s32 v4, v62;
	v35 =	vld.idx.msk [tilespmem:v49+s3+$0x0], $0xffff  }
0x2e3: {  	v53 =	vadd.s32 v4, v40  }
0x2e4: {  	[tilespmem:s16+$0x14D10] =	vst v25  }
0x2e5: {  	v25 =	vld.idx.msk [tilespmem:v50+s3+$0x0], $0xffff;
	[tilespmem:s16+$0x15510] =	vst v30  }
0x2e6: {  	v26 =	vadd.s32 v5, v59;
	[tilespmem:s16+$0x15D10] =	vst v32;
	v54 =	vld.idx.msk [tilespmem:v51+s3+$0x0], $0xffff  }
0x2e7: {  	v27 =	vadd.s32 v5, v60;
	[tilespmem:s16+$0x16510] =	vst v35;
	v55 =	vld.idx.msk [tilespmem:v52+s3+$0x0], $0xffff  }
0x2e8: {  	v29 =	vadd.s32 v5, v62;
	v56 =	vld.idx.msk [tilespmem:v53+s3+$0x0], $0xffff  }
0x2e9: {  	v31 =	vadd.s32 v5, v40  }
0x2ea: {  	v57 =	vperm.xlane v21, v15;
	[tilespmem:s16+$0x14D20] =	vst v25  }
0x2eb: {  	v58 =	vperm.xlane v24, v15;
	v26 =	vld.idx.msk [tilespmem:v26+s3+$0x0], $0xffff;
	[tilespmem:s16+$0x15520] =	vst v54  }
0x2ec: {  	v60 =	vperm.xlane v23, v15;
	v59 =	vadd.s32 v1, v57;
	[tilespmem:s16+$0x15D20] =	vst v55;
	v27 =	vld.idx.msk [tilespmem:v27+s3+$0x0], $0xffff  }
0x2ed: {  	v62 =	vperm.xlane v22, v15;
	v61 =	vadd.s32 v1, v58;
	[tilespmem:s16+$0x16520] =	vst v56;
	v29 =	vld.idx.msk [tilespmem:v29+s3+$0x0], $0xffff  }
0x2ee: {  	v63 =	vadd.s32 v1, v60;
	v31 =	vld.idx.msk [tilespmem:v31+s3+$0x0], $0xffff  }
0x2ef: {  	v40 =	vadd.s32 v1, v62  }
0x2f0: {  	[tilespmem:s16+$0x14D30] =	vst v26  }
0x2f1: {  	v26 =	vld.idx.msk [tilespmem:v59+s3+$0x0], $0xffff;
	[tilespmem:s16+$0x15530] =	vst v27  }
0x2f2: {  	v41 =	vadd.s32 v3, v57;
	[tilespmem:s16+$0x15D30] =	vst v29;
	v42 =	vld.idx.msk [tilespmem:v61+s3+$0x0], $0xffff  }
0x2f3: {  	v43 =	vadd.s32 v3, v58;
	[tilespmem:s16+$0x16530] =	vst v31;
	v44 =	vld.idx.msk [tilespmem:v63+s3+$0x0], $0xffff  }
0x2f4: {  	v45 =	vadd.s32 v3, v60;
	v46 =	vld.idx.msk [tilespmem:v40+s3+$0x0], $0xffff  }
0x2f5: {  	v47 =	vadd.s32 v3, v62  }
0x2f6: {  	[tilespmem:s16+$0x14D80] =	vst v26  }
0x2f7: {  	v26 =	vld.idx.msk [tilespmem:v41+s3+$0x0], $0xffff;
	[tilespmem:s16+$0x15580] =	vst v42  }
0x2f8: {  	v48 =	vadd.s32 v4, v57;
	[tilespmem:s16+$0x15D80] =	vst v44;
	v29 =	vld.idx.msk [tilespmem:v43+s3+$0x0], $0xffff  }
0x2f9: {  	v49 =	vadd.s32 v4, v58;
	[tilespmem:s16+$0x16580] =	vst v46;
	v31 =	vld.idx.msk [tilespmem:v45+s3+$0x0], $0xffff  }
0x2fa: {  	v50 =	vadd.s32 v4, v60;
	v35 =	vld.idx.msk [tilespmem:v47+s3+$0x0], $0xffff  }
0x2fb: {  	v51 =	vadd.s32 v4, v62  }
0x2fc: {  	[tilespmem:s16+$0x14D90] =	vst v26  }
0x2fd: {  	v26 =	vld.idx.msk [tilespmem:v48+s3+$0x0], $0xffff;
	[tilespmem:s16+$0x15590] =	vst v29  }
0x2fe: {  	v25 =	vadd.s32 v5, v57;
	[tilespmem:s16+$0x15D90] =	vst v31;
	v52 =	vld.idx.msk [tilespmem:v49+s3+$0x0], $0xffff  }
0x2ff: {  	v28 =	vadd.s32 v5, v58;
	[tilespmem:s16+$0x16590] =	vst v35;
	v53 =	vld.idx.msk [tilespmem:v50+s3+$0x0], $0xffff  }
0x300: {  	v30 =	vadd.s32 v5, v60;
	v54 =	vld.idx.msk [tilespmem:v51+s3+$0x0], $0xffff  }
0x301: {  	v32 =	vadd.s32 v5, v62  }
0x302: {  	v55 =	vperm.xlane v21, v16;
	[tilespmem:s16+$0x14DA0] =	vst v26  }
0x303: {  	v56 =	vperm.xlane v24, v16;
	v25 =	vld.idx.msk [tilespmem:v25+s3+$0x0], $0xffff;
	[tilespmem:s16+$0x155A0] =	vst v52  }
0x304: {  	v58 =	vperm.xlane v23, v16;
	v57 =	vadd.s32 v1, v55;
	[tilespmem:s16+$0x15DA0] =	vst v53;
	v28 =	vld.idx.msk [tilespmem:v28+s3+$0x0], $0xffff  }
0x305: {  	v60 =	vperm.xlane v22, v16;
	v59 =	vadd.s32 v1, v56;
	[tilespmem:s16+$0x165A0] =	vst v54;
	v30 =	vld.idx.msk [tilespmem:v30+s3+$0x0], $0xffff  }
0x306: {  	v61 =	vadd.s32 v1, v58;
	v32 =	vld.idx.msk [tilespmem:v32+s3+$0x0], $0xffff  }
0x307: {  	v62 =	vadd.s32 v1, v60  }
0x308: {  	[tilespmem:s16+$0x14DB0] =	vst v25  }
0x309: {  	v25 =	vld.idx.msk [tilespmem:v57+s3+$0x0], $0xffff;
	[tilespmem:s16+$0x155B0] =	vst v28  }
0x30a: {  	v63 =	vadd.s32 v3, v55;
	[tilespmem:s16+$0x15DB0] =	vst v30;
	v40 =	vld.idx.msk [tilespmem:v59+s3+$0x0], $0xffff  }
0x30b: {  	v41 =	vadd.s32 v3, v56;
	[tilespmem:s16+$0x165B0] =	vst v32;
	v42 =	vld.idx.msk [tilespmem:v61+s3+$0x0], $0xffff  }
0x30c: {  	v43 =	vadd.s32 v3, v58;
	v44 =	vld.idx.msk [tilespmem:v62+s3+$0x0], $0xffff  }
0x30d: {  	v45 =	vadd.s32 v3, v60  }
0x30e: {  	[tilespmem:s16+$0x14E00] =	vst v25  }
0x30f: {  	v25 =	vld.idx.msk [tilespmem:v63+s3+$0x0], $0xffff;
	[tilespmem:s16+$0x15600] =	vst v40  }
0x310: {  	v46 =	vadd.s32 v4, v55;
	[tilespmem:s16+$0x15E00] =	vst v42;
	v30 =	vld.idx.msk [tilespmem:v41+s3+$0x0], $0xffff  }
0x311: {  	v47 =	vadd.s32 v4, v56;
	[tilespmem:s16+$0x16600] =	vst v44;
	v32 =	vld.idx.msk [tilespmem:v43+s3+$0x0], $0xffff  }
0x312: {  	v48 =	vadd.s32 v4, v58;
	v35 =	vld.idx.msk [tilespmem:v45+s3+$0x0], $0xffff  }
0x313: {  	v49 =	vadd.s32 v4, v60  }
0x314: {  	[tilespmem:s16+$0x14E10] =	vst v25  }
0x315: {  	v25 =	vld.idx.msk [tilespmem:v46+s3+$0x0], $0xffff;
	[tilespmem:s16+$0x15610] =	vst v30  }
0x316: {  	v26 =	vadd.s32 v5, v55;
	[tilespmem:s16+$0x15E10] =	vst v32;
	v50 =	vld.idx.msk [tilespmem:v47+s3+$0x0], $0xffff  }
0x317: {  	v27 =	vadd.s32 v5, v56;
	[tilespmem:s16+$0x16610] =	vst v35;
	v51 =	vld.idx.msk [tilespmem:v48+s3+$0x0], $0xffff  }
0x318: {  	v29 =	vadd.s32 v5, v58;
	v52 =	vld.idx.msk [tilespmem:v49+s3+$0x0], $0xffff  }
0x319: {  	v31 =	vadd.s32 v5, v60  }
0x31a: {  	v53 =	vperm.xlane v21, v17;
	[tilespmem:s16+$0x14E20] =	vst v25  }
0x31b: {  	v54 =	vperm.xlane v24, v17;
	v26 =	vld.idx.msk [tilespmem:v26+s3+$0x0], $0xffff;
	[tilespmem:s16+$0x15620] =	vst v50  }
0x31c: {  	v56 =	vperm.xlane v23, v17;
	v55 =	vadd.s32 v1, v53;
	[tilespmem:s16+$0x15E20] =	vst v51;
	v27 =	vld.idx.msk [tilespmem:v27+s3+$0x0], $0xffff  }
0x31d: {  	v58 =	vperm.xlane v22, v17;
	v57 =	vadd.s32 v1, v54;
	[tilespmem:s16+$0x16620] =	vst v52;
	v29 =	vld.idx.msk [tilespmem:v29+s3+$0x0], $0xffff  }
0x31e: {  	v59 =	vadd.s32 v1, v56;
	v31 =	vld.idx.msk [tilespmem:v31+s3+$0x0], $0xffff  }
0x31f: {  	v60 =	vadd.s32 v1, v58  }
0x320: {  	[tilespmem:s16+$0x14E30] =	vst v26  }
0x321: {  	v26 =	vld.idx.msk [tilespmem:v55+s3+$0x0], $0xffff;
	[tilespmem:s16+$0x15630] =	vst v27  }
0x322: {  	v61 =	vadd.s32 v3, v53;
	[tilespmem:s16+$0x15E30] =	vst v29;
	v62 =	vld.idx.msk [tilespmem:v57+s3+$0x0], $0xffff  }
0x323: {  	v63 =	vadd.s32 v3, v54;
	[tilespmem:s16+$0x16630] =	vst v31;
	v40 =	vld.idx.msk [tilespmem:v59+s3+$0x0], $0xffff  }
0x324: {  	v41 =	vadd.s32 v3, v56;
	v42 =	vld.idx.msk [tilespmem:v60+s3+$0x0], $0xffff  }
0x325: {  	v43 =	vadd.s32 v3, v58  }
0x326: {  	[tilespmem:s16+$0x14E80] =	vst v26  }
0x327: {  	v26 =	vld.idx.msk [tilespmem:v61+s3+$0x0], $0xffff;
	[tilespmem:s16+$0x15680] =	vst v62  }
0x328: {  	v44 =	vadd.s32 v4, v53;
	[tilespmem:s16+$0x15E80] =	vst v40;
	v29 =	vld.idx.msk [tilespmem:v63+s3+$0x0], $0xffff  }
0x329: {  	v45 =	vadd.s32 v4, v54;
	[tilespmem:s16+$0x16680] =	vst v42;
	v31 =	vld.idx.msk [tilespmem:v41+s3+$0x0], $0xffff  }
0x32a: {  	v46 =	vadd.s32 v4, v56;
	v35 =	vld.idx.msk [tilespmem:v43+s3+$0x0], $0xffff  }
0x32b: {  	v47 =	vadd.s32 v4, v58  }
0x32c: {  	[tilespmem:s16+$0x14E90] =	vst v26  }
0x32d: {  	v26 =	vld.idx.msk [tilespmem:v44+s3+$0x0], $0xffff;
	[tilespmem:s16+$0x15690] =	vst v29  }
0x32e: {  	v25 =	vadd.s32 v5, v53;
	[tilespmem:s16+$0x15E90] =	vst v31;
	v48 =	vld.idx.msk [tilespmem:v45+s3+$0x0], $0xffff  }
0x32f: {  	v28 =	vadd.s32 v5, v54;
	[tilespmem:s16+$0x16690] =	vst v35;
	v49 =	vld.idx.msk [tilespmem:v46+s3+$0x0], $0xffff  }
0x330: {  	v30 =	vadd.s32 v5, v56;
	v50 =	vld.idx.msk [tilespmem:v47+s3+$0x0], $0xffff  }
0x331: {  	v32 =	vadd.s32 v5, v58  }
0x332: {  	v51 =	vperm.xlane v21, v18;
	[tilespmem:s16+$0x14EA0] =	vst v26  }
0x333: {  	v52 =	vperm.xlane v24, v18;
	v25 =	vld.idx.msk [tilespmem:v25+s3+$0x0], $0xffff;
	[tilespmem:s16+$0x156A0] =	vst v48  }
0x334: {  	v54 =	vperm.xlane v23, v18;
	v53 =	vadd.s32 v1, v51;
	[tilespmem:s16+$0x15EA0] =	vst v49;
	v28 =	vld.idx.msk [tilespmem:v28+s3+$0x0], $0xffff  }
0x335: {  	v56 =	vperm.xlane v22, v18;
	v55 =	vadd.s32 v1, v52;
	[tilespmem:s16+$0x166A0] =	vst v50;
	v30 =	vld.idx.msk [tilespmem:v30+s3+$0x0], $0xffff  }
0x336: {  	v57 =	vadd.s32 v1, v54;
	v32 =	vld.idx.msk [tilespmem:v32+s3+$0x0], $0xffff  }
0x337: {  	v58 =	vadd.s32 v1, v56  }
0x338: {  	[tilespmem:s16+$0x14EB0] =	vst v25  }
0x339: {  	v25 =	vld.idx.msk [tilespmem:v53+s3+$0x0], $0xffff;
	[tilespmem:s16+$0x156B0] =	vst v28  }
0x33a: {  	v59 =	vadd.s32 v3, v51;
	[tilespmem:s16+$0x15EB0] =	vst v30;
	v60 =	vld.idx.msk [tilespmem:v55+s3+$0x0], $0xffff  }
0x33b: {  	v61 =	vadd.s32 v3, v52;
	[tilespmem:s16+$0x166B0] =	vst v32;
	v62 =	vld.idx.msk [tilespmem:v57+s3+$0x0], $0xffff  }
0x33c: {  	v63 =	vadd.s32 v3, v54;
	v40 =	vld.idx.msk [tilespmem:v58+s3+$0x0], $0xffff  }
0x33d: {  	v41 =	vadd.s32 v3, v56  }
0x33e: {  	[tilespmem:s16+$0x14F00] =	vst v25  }
0x33f: {  	v25 =	vld.idx.msk [tilespmem:v59+s3+$0x0], $0xffff;
	[tilespmem:s16+$0x15700] =	vst v60  }
0x340: {  	v42 =	vadd.s32 v4, v51;
	[tilespmem:s16+$0x15F00] =	vst v62;
	v30 =	vld.idx.msk [tilespmem:v61+s3+$0x0], $0xffff  }
0x341: {  	v43 =	vadd.s32 v4, v52;
	[tilespmem:s16+$0x16700] =	vst v40;
	v32 =	vld.idx.msk [tilespmem:v63+s3+$0x0], $0xffff  }
0x342: {  	v44 =	vadd.s32 v4, v54;
	v35 =	vld.idx.msk [tilespmem:v41+s3+$0x0], $0xffff  }
0x343: {  	v45 =	vadd.s32 v4, v56  }
0x344: {  	[tilespmem:s16+$0x14F10] =	vst v25  }
0x345: {  	v25 =	vld.idx.msk [tilespmem:v42+s3+$0x0], $0xffff;
	[tilespmem:s16+$0x15710] =	vst v30  }
0x346: {  	v26 =	vadd.s32 v5, v51;
	[tilespmem:s16+$0x15F10] =	vst v32;
	v46 =	vld.idx.msk [tilespmem:v43+s3+$0x0], $0xffff  }
0x347: {  	v27 =	vadd.s32 v5, v52;
	[tilespmem:s16+$0x16710] =	vst v35;
	v47 =	vld.idx.msk [tilespmem:v44+s3+$0x0], $0xffff  }
0x348: {  	v29 =	vadd.s32 v5, v54;
	v48 =	vld.idx.msk [tilespmem:v45+s3+$0x0], $0xffff  }
0x349: {  	v31 =	vadd.s32 v5, v56  }
0x34a: {  	v21 =	vperm.xlane v21, v19;
	[tilespmem:s16+$0x14F20] =	vst v25  }
0x34b: {  	v24 =	vperm.xlane v24, v19;
	v25 =	vld.idx.msk [tilespmem:v26+s3+$0x0], $0xffff;
	[tilespmem:s16+$0x15720] =	vst v46  }
0x34c: {  	v23 =	vperm.xlane v23, v19;
	v49 =	vadd.s32 v1, v21;
	[tilespmem:s16+$0x15F20] =	vst v47;
	v27 =	vld.idx.msk [tilespmem:v27+s3+$0x0], $0xffff  }
0x34d: {  	v22 =	vperm.xlane v22, v19;
	v50 =	vadd.s32 v1, v24;
	[tilespmem:s16+$0x16720] =	vst v48;
	v29 =	vld.idx.msk [tilespmem:v29+s3+$0x0], $0xffff  }
0x34e: {  	v51 =	vadd.s32 v1, v23;
	v31 =	vld.idx.msk [tilespmem:v31+s3+$0x0], $0xffff  }
0x34f: {  	v52 =	vadd.s32 v1, v22  }
0x350: {  	[tilespmem:s16+$0x14F30] =	vst v25  }
0x351: {  	v25 =	vld.idx.msk [tilespmem:v49+s3+$0x0], $0xffff;
	[tilespmem:s16+$0x15730] =	vst v27  }
0x352: {  	v53 =	vadd.s32 v3, v21;
	[tilespmem:s16+$0x15F30] =	vst v29;
	v27 =	vld.idx.msk [tilespmem:v50+s3+$0x0], $0xffff  }
0x353: {  	v54 =	vadd.s32 v3, v24;
	[tilespmem:s16+$0x16730] =	vst v31;
	v29 =	vld.idx.msk [tilespmem:v51+s3+$0x0], $0xffff  }
0x354: {  	v55 =	vadd.s32 v3, v23;
	v31 =	vld.idx.msk [tilespmem:v52+s3+$0x0], $0xffff  }
0x355: {  	v56 =	vadd.s32 v3, v22  }
0x356: {  	[tilespmem:s16+$0x14F80] =	vst v25  }
0x357: {  	v25 =	vld.idx.msk [tilespmem:v53+s3+$0x0], $0xffff;
	[tilespmem:s16+$0x15780] =	vst v27  }
0x358: {  	v57 =	vadd.s32 v4, v21;
	[tilespmem:s16+$0x15F80] =	vst v29;
	v27 =	vld.idx.msk [tilespmem:v54+s3+$0x0], $0xffff  }
0x359: {  	v58 =	vadd.s32 v4, v24;
	[tilespmem:s16+$0x16780] =	vst v31;
	v29 =	vld.idx.msk [tilespmem:v55+s3+$0x0], $0xffff  }
0x35a: {  	v59 =	vadd.s32 v4, v23;
	v31 =	vld.idx.msk [tilespmem:v56+s3+$0x0], $0xffff  }
0x35b: {  	v60 =	vadd.s32 v4, v22  }
0x35c: {  	[tilespmem:s16+$0x14F90] =	vst v25  }
0x35d: {  	v25 =	vld.idx.msk [tilespmem:v57+s3+$0x0], $0xffff;
	[tilespmem:s16+$0x15790] =	vst v27  }
0x35e: {  	v21 =	vadd.s32 v5, v21;
	[tilespmem:s16+$0x15F90] =	vst v29;
	v61 =	vld.idx.msk [tilespmem:v58+s3+$0x0], $0xffff  }
0x35f: {  	v24 =	vadd.s32 v5, v24;
	[tilespmem:s16+$0x16790] =	vst v31;
	v62 =	vld.idx.msk [tilespmem:v59+s3+$0x0], $0xffff  }
0x360: {  	v23 =	vadd.s32 v5, v23;
	v63 =	vld.idx.msk [tilespmem:v60+s3+$0x0], $0xffff  }
0x361: {  	v22 =	vadd.s32 v5, v22  }
0x362: {  	[tilespmem:s16+$0x14FA0] =	vst v25  }
0x363: {  	v21 =	vld.idx.msk [tilespmem:v21+s3+$0x0], $0xffff;
	[tilespmem:s16+$0x157A0] =	vst v61  }
0x364: {  	[tilespmem:s16+$0x15FA0] =	vst v62;
	v24 =	vld.idx.msk [tilespmem:v24+s3+$0x0], $0xffff  }
0x365: {  	[tilespmem:s16+$0x167A0] =	vst v63;
	v23 =	vld.idx.msk [tilespmem:v23+s3+$0x0], $0xffff  }
0x366: {  	p1 =	por p0, p0;
	v22 =	vld.idx.msk [tilespmem:v22+s3+$0x0], $0xffff  }
.Ltmp1:
0x367: {  	_ = 	snop;
	(pc) =	sbr.rel @p1 .LBB2_5-.Ltmp1, $4  }
0x368: {  	[tilespmem:s16+$0x14FB0] =	vst v21  }
0x369: {  	[tilespmem:s16+$0x157B0] =	vst v24  }
0x36a: {  	[tilespmem:s16+$0x15FB0] =	vst v23  }
0x36b: {  	p0 =	por $0x0, $0x0;
	[tilespmem:s16+$0x167B0] =	vst v22;
	s16 =	simm.s32 $0x4  }
0x36c: {  	s14 =	sadd.s32 $0x1, s14  }
0x36d: {  	p0 =	sne.s32 s14, $0x8  }
.Ltmp2:
0x36e: {  	_ = 	snop;
	(pc) =	sbr.rel @p0 .LBB2_2-.Ltmp2, $4  }
0x36f: {  	_ = 	snop  }
0x370: {  	s15 =	sshll.u32 s15, $0xB  }
0x371: {  	s15 =	sadd.s32 s15, s5  }
0x372: {  	[hbm4b:s15+s3] =	stream.linear.scatter [tilespmem:s10], [sflag:$0x2], $0x4000, $0x38;
	[tilespmem:$0x18800] =	vst v63  }
0x373: {  	s13 =	sadd.s32 $0x1, s13  }
0x374: {  	_ =	swait.ge [sflag:s11], $0x4000;
	p0 =	sne.s32 s13, s6  }
.Ltmp3:
0x375: {  	[sflag:s11] =	ssyncset.done $0x0;
	(pc) =	sbr.rel @p0 .LBB2_1-.Ltmp3, $4  }
0x376: {  	[sflag:s11] =	ssyncadd.s32 $0xFFFFC000  }
0x377: {  	_ =	swait.ge [sflag:s12], $0x4000  }
0x378: {  	[sflag:s12] =	ssyncset.done $0x0  }
0x379: {  	[sflag:s12] =	ssyncadd.s32 $0xFFFFC000  }
0x37a: {  	_ =	sfence.sel $0x180000  }
0x37b: {  	[bflag:$0x0] =	sbarrier.arrive $0xFFFF  }
0x37c: {  	p0 =	sne.s32 s2, $0x0;
	_ =	strace $0x90000047  }
0x37d: {  	s0 =	sadd.s32 @!p0 $0x100000, s0;
	[bflag:$0x2] =	sbarrier.arrive $0xFFFF  }
0x37e: {  	[sflag:s0] =	ssyncadd.tile.s32 @!p0 $0x1;
	_ =	shalt  }
.Lfunc_end2:
_tile_overlayer_lowered:
.L_overlay_start_2:
0x37f: {  	(tag) =	ssettag $0x2  }
0x380: {  	s0 =	rddreg [dreg:$0x0];
	s2 =	stileid.u32  }
0x381: {  	s1 =	rddreg [dreg:$0x1];
	p0 =	sne.s32 s2, $0x0  }
0x382: {  	s3 =	rddreg [dreg:$0x2];
	[bflag:$0x3] =	sbarrier.arrive $0xFFFF;
	s2 =	simm.s32 @!p0 $0x1C03  }
0x383: {  	[timem:s3], [sflag:s2] =	dma.local @!p0 [hbm:s0], s1  }
0x384: {  	s0 =	simm.s32 @!p0 $0x3  }
0x385: {  	_ =	swait.ge @!p0 [sflag:s0], s1  }
0x386: {  	s1 =	ssub.s32 @!p0 $0x0, s1;
	[sflag:s0] =	ssyncset.done @!p0 $0x0  }
0x387: {  	[sflag:s0] =	ssyncadd.s32 @!p0 s1  }
0x388: {  	[bflag:$0x3] =	sbarrier.arrive $0xFFFF  }
0x389: {  	_ =	shalt  }

</sc_bundles>
